<compile_context>
chip_gen: v7x
topology: tpu7x:2x2x1
jax: 0.10.2.dev20260603
libtpu: 0.0.44.dev20260713+nightly
codegen_flags: <defaults>
</compile_context>

<pallas_src>
import functools

import jax
import jax.numpy as jnp
from jax import lax
from jax.experimental import pallas as pl
from jax.experimental.pallas import tpu as pltpu
from jax.experimental.pallas import tpu_sc as plsc

_B, _N, _M, _C = 2, 4096, 4096, 128
_K = 3
_TN = 512
_TM = 256
_BIG = 1e30
_CAT = 4 * _C
_ROW = _CAT + _C
_ROWS_B = _K * _M
_CH = 96


def _dot(a, b):
    return jax.lax.dot_general(a, b, (((1,), (0,)), ((), ())),
                               preferred_element_type=jnp.float32)


def _full(shape):
    return pl.BlockSpec(shape, lambda *_: (0,) * len(shape))


def _feat_body(ptsT_ref, W_in_ref, b_in_ref, W0_ref, b0_ref, W1_ref, b1_ref,
               W2_ref, b2_ref, cat_ref, g_ref):
    pts = ptsT_ref[0]
    f0 = jnp.maximum(_dot(pts, W_in_ref[...]) + b_in_ref[...], 0.0)
    f1 = jnp.maximum(_dot(f0, W0_ref[...]) + b0_ref[...], 0.0)
    f2 = jnp.maximum(_dot(f1, W1_ref[...]) + b1_ref[...], 0.0)
    f3 = jnp.maximum(_dot(f2, W2_ref[...]) + b2_ref[...], 0.0)
    pad = jnp.zeros((_TN, _ROW - _CAT - 3), jnp.float32)
    cat_ref[0] = jnp.concatenate([f0, f1, f2, f3, pts, pad], axis=1)
    gmax = jnp.max(f3, axis=0, keepdims=True)

    ni = pl.program_id(1)

    @pl.when(ni == 0)
    def _():
        g_ref[0] = gmax

    @pl.when(ni > 0)
    def _():
        g_ref[0] = jnp.maximum(g_ref[0], gmax)


def _knn_body(qT_ref, pts_ref, idx_ref, *, row_offset):
    qT = qT_ref[0]
    pts = pts_ref[0]

    p2 = jnp.sum(pts * pts, axis=0, keepdims=True)
    q2 = jnp.sum(qT * qT, axis=1, keepdims=True)
    inner_m2 = _dot(qT, -2.0 * pts)
    d2 = jnp.maximum((q2 + p2) + inner_m2, 0.0)

    iota = lax.broadcasted_iota(jnp.int32, (_TM, _N), 1)
    d2w = d2
    for k in range(_K):
        mval = jnp.min(d2w, axis=1, keepdims=True)
        midx = jnp.min(jnp.where(d2w == mval, iota, _N),
                       axis=1, keepdims=True)
        idx_ref[0, k] = midx + row_offset
        if k + 1 < _K:
            d2w = jnp.where(iota == midx, _BIG, d2w)


@functools.cache
def _make_sc_gather():
    info = plsc.get_sparse_core_info()
    nw = info.num_cores * info.num_subcores
    rows_per_w = _ROWS_B // nw
    n_chunks = rows_per_w // _CH
    mesh = plsc.VectorSubcoreMesh(core_axis_name="c", subcore_axis_name="s")

    @functools.partial(
        pl.kernel, mesh=mesh,
        out_type=jax.ShapeDtypeStruct((_ROWS_B, _ROW), jnp.float32),
        scratch_types=[
            pltpu.VMEM((rows_per_w,), jnp.int32),
            pltpu.VMEM((_CH, _ROW), jnp.float32),
            pltpu.VMEM((_CH, _ROW), jnp.float32),
            pltpu.SemaphoreType.DMA,
            pltpu.SemaphoreType.DMA,
            pltpu.SemaphoreType.DMA,
            pltpu.SemaphoreType.DMA,
        ],
    )
    def gather(table_hbm, idx_hbm, out_hbm, idx_v, buf0, buf1,
               gsem0, gsem1, wsem0, wsem1):
        wid = lax.axis_index("s") * info.num_cores + lax.axis_index("c")
        base = wid * rows_per_w
        pltpu.sync_copy(idx_hbm.at[pl.ds(base, rows_per_w)], idx_v)
        bufs = (buf0, buf1)
        gsems = (gsem0, gsem1)
        wsems = (wsem0, wsem1)
        gh = [None, None]
        wh = [None, None]
        for j in range(n_chunks):
            s = j % 2
            if wh[s] is not None:
                wh[s].wait()
                wh[s] = None
            gh[s] = pltpu.async_copy(
                table_hbm.at[idx_v.at[pl.ds(j * _CH, _CH)]], bufs[s],
                gsems[s])
            if gh[1 - s] is not None:
                gh[1 - s].wait()
                gh[1 - s] = None
                wh[1 - s] = pltpu.async_copy(
                    bufs[1 - s],
                    out_hbm.at[pl.ds(base + (j - 1) * _CH, _CH)],
                    wsems[1 - s])
        last = n_chunks - 1
        s = last % 2
        gh[s].wait()
        wh[s] = pltpu.async_copy(
            bufs[s], out_hbm.at[pl.ds(base + last * _CH, _CH)], wsems[s])
        for s in range(2):
            if wh[s] is not None:
                wh[s].wait()

    return gather


def _reg_body(qT_ref, G_ref, g_ref, R1_ref, Rb1_ref, R2_ref, Rb2_ref,
              R3_ref, Rb3_ref, out_ref):
    qT = qT_ref[0]
    qx = qT[:, 0:1]
    qy = qT[:, 1:2]
    qz = qT[:, 2:3]
    recips = []
    for k in range(_K):
        dx = G_ref[k][:, _CAT:_CAT + 1] - qx
        dy = G_ref[k][:, _CAT + 1:_CAT + 2] - qy
        dz = G_ref[k][:, _CAT + 2:_CAT + 3] - qz
        de = (dx * dx + dy * dy) + dz * dz
        dist = jnp.sqrt(de + 1e-12)
        recips.append(1.0 / (dist + 1e-8))
    norm = (recips[0] + recips[1]) + recips[2]
    acc = (recips[0] / norm) * G_ref[0][:, :_CAT]
    acc = acc + (recips[1] / norm) * G_ref[1][:, :_CAT]
    acc = acc + (recips[2] / norm) * G_ref[2][:, :_CAT]
    gb = jnp.broadcast_to(g_ref[0], (_TM, _C))
    aggT = jnp.concatenate([qT, acc, gb], axis=1)
    h1 = jnp.maximum(_dot(aggT, R1_ref[...]) + Rb1_ref[...], 0.0)
    h2 = jnp.maximum(_dot(h1, R2_ref[...]) + Rb2_ref[...], 0.0)
    out_ref[0] = _dot(h2, R3_ref[...]) + Rb3_ref[...]


@jax.jit
def kernel(original_pts, query_pts, W_in, b_in, W_b0, b_b0, W_b1, b_b1,
           W_b2, b_b2, R1, Rb1, R2, Rb2, R3, Rb3):
    b, _, n = original_pts.shape
    m = query_pts.shape[-1]
    ptsT = jnp.transpose(original_pts, (0, 2, 1))
    qT = jnp.transpose(query_pts, (0, 2, 1))

    cat, g = pl.pallas_call(
        _feat_body,
        grid=(b, n // _TN),
        in_specs=[
            pl.BlockSpec((1, _TN, 3), lambda bi, ni: (bi, ni, 0)),
            _full((3, _C)), _full((1, _C)),
            _full((_C, _C)), _full((1, _C)),
            _full((_C, _C)), _full((1, _C)),
            _full((_C, _C)), _full((1, _C)),
        ],
        out_specs=[
            pl.BlockSpec((1, _TN, _ROW), lambda bi, ni: (bi, ni, 0)),
            pl.BlockSpec((1, 1, _C), lambda bi, ni: (bi, 0, 0)),
        ],
        out_shape=[
            jax.ShapeDtypeStruct((b, n, _ROW), jnp.float32),
            jax.ShapeDtypeStruct((b, 1, _C), jnp.float32),
        ],
    )(ptsT, W_in, b_in.reshape(1, -1), W_b0, b_b0.reshape(1, -1),
      W_b1, b_b1.reshape(1, -1), W_b2, b_b2.reshape(1, -1))

    table = cat.reshape(b * n, _ROW)
    sc_gather = _make_sc_gather()

    idxs = []
    for bi in range(b):
        idx = pl.pallas_call(
            functools.partial(_knn_body, row_offset=bi * n),
            grid=(m // _TM,),
            in_specs=[
                pl.BlockSpec((1, _TM, 3), lambda mi, bi=bi: (bi, mi, 0)),
                pl.BlockSpec((1, 3, n), lambda mi, bi=bi: (bi, 0, 0)),
            ],
            out_specs=pl.BlockSpec((1, _K, _TM, 1), lambda mi: (0, 0, mi, 0)),
            out_shape=jax.ShapeDtypeStruct((1, _K, m, 1), jnp.int32),
        )(qT, original_pts)
        idxs.append(idx)

    Gs = [sc_gather(table, idx.reshape(_ROWS_B)).reshape(_K, m, _ROW)
          for idx in idxs]

    outs = []
    for bi in range(b):
        out_b = pl.pallas_call(
            _reg_body,
            grid=(m // _TM,),
            in_specs=[
                pl.BlockSpec((1, _TM, 3), lambda mi, bi=bi: (bi, mi, 0)),
                pl.BlockSpec((_K, _TM, _ROW), lambda mi: (0, mi, 0)),
                pl.BlockSpec((1, 1, _C), lambda mi, bi=bi: (bi, 0, 0)),
                _full((3 + _CAT + _C, 256)), _full((1, 256)),
                _full((256, 64)), _full((1, 64)),
                _full((64, 1)), _full((1, 1)),
            ],
            out_specs=pl.BlockSpec((1, _TM, 1), lambda mi: (0, mi, 0)),
            out_shape=jax.ShapeDtypeStruct((1, m, 1), jnp.float32),
        )(qT, Gs[bi], g, R1, Rb1.reshape(1, -1),
          R2, Rb2.reshape(1, -1), R3, Rb3.reshape(1, -1))
        outs.append(out_b)

    out = jnp.concatenate(outs, axis=0)
    return jnp.transpose(out, (0, 2, 1))

# --- scband reference (transcript-rebuilt; emitter-appended) ---
"""Pipeline reference for scband-p2-pnet-multi-scale-17781164606028 (READ-ONLY COPY).

The authoritative reference and input builder live on the scoring server;
editing this copy changes nothing except your own understanding.
"""

import jax, jax.numpy as jnp
import numpy as np

B, N, M, C = 2, 4096, 4096, 128
BLOCKS = 3
K = 3
REG_IN = 3 + (BLOCKS + 1) * C + C


def _knn(original_pts, query_pts, k):
    # original_pts: (b,3,n), query_pts: (b,3,m)
    q2 = jnp.sum(query_pts ** 2, axis=1)            # (b,m)
    p2 = jnp.sum(original_pts ** 2, axis=1)         # (b,n)
    inner = jnp.einsum('bcm,bcn->bmn', query_pts, original_pts)
    d2 = jnp.maximum(q2[:, :, None] + p2[:, None, :] - 2.0 * inner, 0.0)
    _, idx = jax.lax.top_k(-d2, k)                  # (b,m,k) nearest neighbors
    knn_pts = jax.vmap(lambda p, i: p[:, i])(original_pts, idx)  # (b,3,m,k)
    return knn_pts, idx


def _index_points(feat, idx):
    # feat: (b,c,n), idx: (b,m,k) -> (b,c,m,k)
    return jax.vmap(lambda f, i: f[:, i])(feat, idx)


def _interpolate(original_pts, query_pts, feat):
    knn_pts, idx = _knn(original_pts, query_pts, K)
    diff = knn_pts - query_pts[:, :, :, None]
    dist = jnp.sqrt(jnp.sum(diff ** 2, axis=1) + 1e-12)   # (b,m,k)
    dist_recip = 1.0 / (dist + 1e-08)
    norm = jnp.sum(dist_recip, axis=2, keepdims=True)
    weight = dist_recip / norm
    knn_feat = _index_points(feat, idx)                   # (b,c,m,k)
    return jnp.sum(knn_feat * weight[:, None, :, :], axis=-1)  # (b,c,m)


def _pointwise(W, b, x):
    # W: (cin,cout), x: (b,cin,n) -> (b,cout,n)
    return jnp.einsum('ic,bin->bcn', W, x) + b[None, :, None]


def setup_inputs(seed: int = 0):
    key = jax.random.key(seed)
    ks = jax.random.split(key, 16)
    inp = {}
    inp['original_pts'] = jax.random.normal(ks[0], (B, 3, N), dtype=jnp.float32)
    inp['query_pts'] = jax.random.normal(ks[1], (B, 3, M), dtype=jnp.float32)
    inp['W_in'] = jax.random.normal(ks[2], (3, C), dtype=jnp.float32) * 0.1
    inp['b_in'] = jnp.zeros((C,), dtype=jnp.float32)
    inp['W_b0'] = jax.random.normal(ks[3], (C, C), dtype=jnp.float32) * 0.05
    inp['b_b0'] = jnp.zeros((C,), dtype=jnp.float32)
    inp['W_b1'] = jax.random.normal(ks[4], (C, C), dtype=jnp.float32) * 0.05
    inp['b_b1'] = jnp.zeros((C,), dtype=jnp.float32)
    inp['W_b2'] = jax.random.normal(ks[5], (C, C), dtype=jnp.float32) * 0.05
    inp['b_b2'] = jnp.zeros((C,), dtype=jnp.float32)
    inp['R1'] = jax.random.normal(ks[6], (REG_IN, 256), dtype=jnp.float32) * 0.03
    inp['Rb1'] = jnp.zeros((256,), dtype=jnp.float32)
    inp['R2'] = jax.random.normal(ks[7], (256, 64), dtype=jnp.float32) * 0.05
    inp['Rb2'] = jnp.zeros((64,), dtype=jnp.float32)
    inp['R3'] = jax.random.normal(ks[8], (64, 1), dtype=jnp.float32) * 0.05
    inp['Rb3'] = jnp.zeros((1,), dtype=jnp.float32)
    return inp


def reference(original_pts, query_pts, W_in, b_in, W_b0, b_b0, W_b1, b_b1,
              W_b2, b_b2, R1, Rb1, R2, Rb2, R3, Rb3):
    # MultiScaleFeatureExtractor: pointwise MLP blocks; local feats after each block
    f = jax.nn.relu(_pointwise(W_in, b_in, original_pts))
    local_feats = [f]
    for W, b in ((W_b0, b_b0), (W_b1, b_b1), (W_b2, b_b2)):
        f = jax.nn.relu(_pointwise(W, b, f))
        local_feats.append(f)
    global_feats = jnp.max(f, axis=-1)                    # (b,c)
    # regress_distance
    g = jnp.broadcast_to(global_feats[:, :, None],
                         (global_feats.shape[0], global_feats.shape[1], query_pts.shape[-1]))
    interpolated = [_interpolate(original_pts, query_pts, lf) for lf in local_feats]
    agg_local = jnp.concatenate(interpolated, axis=1)
    agg = jnp.concatenate((query_pts, agg_local, g), axis=1)   # (b, REG_IN, m)
    h = jax.nn.relu(_pointwise(R1, Rb1, agg))
    h = jax.nn.relu(_pointwise(R2, Rb2, h))
    p2p = _pointwise(R3, Rb3, h)                          # (b,1,m)
    return p2p

if __name__ == "__main__":
    import jax
    _d = setup_inputs()
    print(jax.jit(kernel)(*tuple(_d.values())))

</pallas_src>

<mosaic_0001>
#map = affine_map<(d0, d1) -> (0, 0)>
#map1 = affine_map<(d0, d1) -> (0)>
module attributes {stable_mosaic.version = 14 : i64} {
  func.func @gather(%arg0: i32, %arg1: i32, %arg2: memref<8192x640xf32, #tpu.memory_space<hbm>>, %arg3: memref<12288xi32, #tpu.memory_space<hbm>>, %arg4: memref<12288x640xf32, #tpu.memory_space<hbm>>, %arg5: memref<384xi32, #tpu.memory_space<vmem>>, %arg6: memref<96x640xf32, #tpu.memory_space<vmem>>, %arg7: memref<96x640xf32, #tpu.memory_space<vmem>>, %arg8: memref<!tpu.dma_semaphore, #tpu.memory_space<semaphore_mem>>, %arg9: memref<!tpu.dma_semaphore, #tpu.memory_space<semaphore_mem>>, %arg10: memref<!tpu.dma_semaphore, #tpu.memory_space<semaphore_mem>>, %arg11: memref<!tpu.dma_semaphore, #tpu.memory_space<semaphore_mem>>) attributes {dimension_semantics = [#tpu.dimension_semantics<core_parallel>, #tpu.dimension_semantics<subcore_parallel>], iteration_bounds = array<i64: 2, 16>, scalar_prefetch = 0 : i64, scratch_operands = 7 : i64, tpu.core_type = #tpu.core_type<sc_vector_subcore>, window_params = [{transform_indices = #map}, {transform_indices = #map1}, {transform_indices = #map}]} {
    %mul3A = arith.constant 2 : i32
    %mul3A_0 = arith.muli %arg1, %mul3A : i32
    %add3A = arith.addi %mul3A_0, %arg0 : i32
    %mul3A_1 = arith.constant 384 : i32
    %mul3A_2 = arith.muli %add3A, %mul3A_1 : i32
    "tpu.region"() ({
      %run_scoped3A = tpu.sem_alloc : memref<!tpu.dma_semaphore, #tpu.memory_space<semaphore_mem>>
      %dma_start3A_81 = tpu.memref_slice %arg3[%mul3A_2] : memref<12288xi32, #tpu.memory_space<hbm>> -> memref<384xi32, #tpu.memory_space<hbm>>
      %dma_start3A_82 = tpu.memref_slice %arg3[%mul3A_2] : memref<12288xi32, #tpu.memory_space<hbm>> -> memref<384xi32, #tpu.memory_space<hbm>>
      tpu.enqueue_dma source(%dma_start3A_82 : memref<384xi32, #tpu.memory_space<hbm>>) target(%arg5 : memref<384xi32, #tpu.memory_space<vmem>>) target_semaphore(%run_scoped3A : memref<!tpu.dma_semaphore, #tpu.memory_space<semaphore_mem>>)
      %dma_wait3A_83 = tpu.memref_slice %arg3[%mul3A_2] : memref<12288xi32, #tpu.memory_space<hbm>> -> memref<384xi32, #tpu.memory_space<hbm>>
      %dma_wait3A_84 = tpu.memref_slice %arg3[%mul3A_2] : memref<12288xi32, #tpu.memory_space<hbm>> -> memref<384xi32, #tpu.memory_space<hbm>>
      tpu.wait_dma2 semaphore(%run_scoped3A : memref<!tpu.dma_semaphore, #tpu.memory_space<semaphore_mem>>) src(%dma_wait3A_84 : memref<384xi32, #tpu.memory_space<hbm>>) dst(%arg5 : memref<384xi32, #tpu.memory_space<vmem>>)
      tpu.yield
    }) : () -> ()
    %dma_start3A = arith.constant 0 : i32
    %dma_start3A_3 = tpu.memref_slice %arg5[%dma_start3A] : memref<384xi32, #tpu.memory_space<vmem>> -> memref<96xi32, #tpu.memory_space<vmem>>
    %dma_start3A_4 = arith.constant 0 : i32
    %dma_start3A_5 = arith.constant 0 : i32
    %dma_start3A_6 = tpu.memref_slice %arg2[%dma_start3A_4, %dma_start3A_5] : memref<8192x640xf32, #tpu.memory_space<hbm>> -> memref<8192x640xf32, #tpu.memory_space<hbm>>
    tpu.enqueue_indirect_dma source(%dma_start3A_6 : memref<8192x640xf32, #tpu.memory_space<hbm>>) target(%arg6 : memref<96x640xf32, #tpu.memory_space<vmem>>) offsets(%dma_start3A_3 : memref<96xi32, #tpu.memory_space<vmem>>) semaphore(%arg8 : memref<!tpu.dma_semaphore, #tpu.memory_space<semaphore_mem>>)
    %dma_start3A_7 = arith.constant 96 : i32
    %dma_start3A_8 = tpu.memref_slice %arg5[%dma_start3A_7] : memref<384xi32, #tpu.memory_space<vmem>> -> memref<96xi32, #tpu.memory_space<vmem>>
    %dma_start3A_9 = arith.constant 0 : i32
    %dma_start3A_10 = arith.constant 0 : i32
    %dma_start3A_11 = tpu.memref_slice %arg2[%dma_start3A_9, %dma_start3A_10] : memref<8192x640xf32, #tpu.memory_space<hbm>> -> memref<8192x640xf32, #tpu.memory_space<hbm>>
    tpu.enqueue_indirect_dma source(%dma_start3A_11 : memref<8192x640xf32, #tpu.memory_space<hbm>>) target(%arg7 : memref<96x640xf32, #tpu.memory_space<vmem>>) offsets(%dma_start3A_8 : memref<96xi32, #tpu.memory_space<vmem>>) semaphore(%arg9 : memref<!tpu.dma_semaphore, #tpu.memory_space<semaphore_mem>>)
    %dma_wait3A = arith.constant 0 : i32
    %dma_wait3A_12 = tpu.memref_slice %arg5[%dma_wait3A] : memref<384xi32, #tpu.memory_space<vmem>> -> memref<96xi32, #tpu.memory_space<vmem>>
    %dma_wait3A_13 = arith.constant 0 : i32
    %dma_wait3A_14 = arith.constant 0 : i32
    %dma_wait3A_15 = tpu.memref_slice %arg2[%dma_wait3A_13, %dma_wait3A_14] : memref<8192x640xf32, #tpu.memory_space<hbm>> -> memref<8192x640xf32, #tpu.memory_space<hbm>>
    tpu.wait_indirect_dma semaphore(%arg8 : memref<!tpu.dma_semaphore, #tpu.memory_space<semaphore_mem>>) src(%dma_wait3A_15 : memref<8192x640xf32, #tpu.memory_space<hbm>>) dst(%arg6 : memref<96x640xf32, #tpu.memory_space<vmem>>)
    %add3A_16 = arith.constant 0 : i32
    %add3A_17 = arith.addi %mul3A_2, %add3A_16 : i32
    %dma_start3A_18 = arith.constant 0 : i32
    %dma_start3A_19 = tpu.memref_slice %arg4[%add3A_17, %dma_start3A_18] : memref<12288x640xf32, #tpu.memory_space<hbm>> -> memref<96x640xf32, #tpu.memory_space<hbm>>
    %dma_start3A_20 = arith.constant 0 : i32
    %dma_start3A_21 = tpu.memref_slice %arg4[%add3A_17, %dma_start3A_20] : memref<12288x640xf32, #tpu.memory_space<hbm>> -> memref<96x640xf32, #tpu.memory_space<hbm>>
    tpu.enqueue_dma source(%arg6 : memref<96x640xf32, #tpu.memory_space<vmem>>) target(%dma_start3A_21 : memref<96x640xf32, #tpu.memory_space<hbm>>) target_semaphore(%arg10 : memref<!tpu.dma_semaphore, #tpu.memory_space<semaphore_mem>>)
    %dma_wait3A_22 = arith.constant 0 : i32
    %dma_wait3A_23 = tpu.memref_slice %arg4[%add3A_17, %dma_wait3A_22] : memref<12288x640xf32, #tpu.memory_space<hbm>> -> memref<96x640xf32, #tpu.memory_space<hbm>>
    %dma_wait3A_24 = arith.constant 0 : i32
    %dma_wait3A_25 = tpu.memref_slice %arg4[%add3A_17, %dma_wait3A_24] : memref<12288x640xf32, #tpu.memory_space<hbm>> -> memref<96x640xf32, #tpu.memory_space<hbm>>
    tpu.wait_dma2 semaphore(%arg10 : memref<!tpu.dma_semaphore, #tpu.memory_space<semaphore_mem>>) src(%arg6 : memref<96x640xf32, #tpu.memory_space<vmem>>) dst(%dma_wait3A_25 : memref<96x640xf32, #tpu.memory_space<hbm>>)
    %dma_start3A_26 = arith.constant 192 : i32
    %dma_start3A_27 = tpu.memref_slice %arg5[%dma_start3A_26] : memref<384xi32, #tpu.memory_space<vmem>> -> memref<96xi32, #tpu.memory_space<vmem>>
    %dma_start3A_28 = arith.constant 0 : i32
    %dma_start3A_29 = arith.constant 0 : i32
    %dma_start3A_30 = tpu.memref_slice %arg2[%dma_start3A_28, %dma_start3A_29] : memref<8192x640xf32, #tpu.memory_space<hbm>> -> memref<8192x640xf32, #tpu.memory_space<hbm>>
    tpu.enqueue_indirect_dma source(%dma_start3A_30 : memref<8192x640xf32, #tpu.memory_space<hbm>>) target(%arg6 : memref<96x640xf32, #tpu.memory_space<vmem>>) offsets(%dma_start3A_27 : memref<96xi32, #tpu.memory_space<vmem>>) semaphore(%arg8 : memref<!tpu.dma_semaphore, #tpu.memory_space<semaphore_mem>>)
    %dma_wait3A_31 = arith.constant 96 : i32
    %dma_wait3A_32 = tpu.memref_slice %arg5[%dma_wait3A_31] : memref<384xi32, #tpu.memory_space<vmem>> -> memref<96xi32, #tpu.memory_space<vmem>>
    %dma_wait3A_33 = arith.constant 0 : i32
    %dma_wait3A_34 = arith.constant 0 : i32
    %dma_wait3A_35 = tpu.memref_slice %arg2[%dma_wait3A_33, %dma_wait3A_34] : memref<8192x640xf32, #tpu.memory_space<hbm>> -> memref<8192x640xf32, #tpu.memory_space<hbm>>
    tpu.wait_indirect_dma semaphore(%arg9 : memref<!tpu.dma_semaphore, #tpu.memory_space<semaphore_mem>>) src(%dma_wait3A_35 : memref<8192x640xf32, #tpu.memory_space<hbm>>) dst(%arg7 : memref<96x640xf32, #tpu.memory_space<vmem>>)
    %add3A_36 = arith.constant 96 : i32
    %add3A_37 = arith.addi %mul3A_2, %add3A_36 : i32
    %dma_start3A_38 = arith.constant 0 : i32
    %dma_start3A_39 = tpu.memref_slice %arg4[%add3A_37, %dma_start3A_38] : memref<12288x640xf32, #tpu.memory_space<hbm>> -> memref<96x640xf32, #tpu.memory_space<hbm>>
    %dma_start3A_40 = arith.constant 0 : i32
    %dma_start3A_41 = tpu.memref_slice %arg4[%add3A_37, %dma_start3A_40] : memref<12288x640xf32, #tpu.memory_space<hbm>> -> memref<96x640xf32, #tpu.memory_space<hbm>>
    tpu.enqueue_dma source(%arg7 : memref<96x640xf32, #tpu.memory_space<vmem>>) target(%dma_start3A_41 : memref<96x640xf32, #tpu.memory_space<hbm>>) target_semaphore(%arg11 : memref<!tpu.dma_semaphore, #tpu.memory_space<semaphore_mem>>)
    %dma_wait3A_42 = arith.constant 0 : i32
    %dma_wait3A_43 = tpu.memref_slice %arg4[%add3A_37, %dma_wait3A_42] : memref<12288x640xf32, #tpu.memory_space<hbm>> -> memref<96x640xf32, #tpu.memory_space<hbm>>
    %dma_wait3A_44 = arith.constant 0 : i32
    %dma_wait3A_45 = tpu.memref_slice %arg4[%add3A_37, %dma_wait3A_44] : memref<12288x640xf32, #tpu.memory_space<hbm>> -> memref<96x640xf32, #tpu.memory_space<hbm>>
    tpu.wait_dma2 semaphore(%arg11 : memref<!tpu.dma_semaphore, #tpu.memory_space<semaphore_mem>>) src(%arg7 : memref<96x640xf32, #tpu.memory_space<vmem>>) dst(%dma_wait3A_45 : memref<96x640xf32, #tpu.memory_space<hbm>>)
    %dma_start3A_46 = arith.constant 288 : i32
    %dma_start3A_47 = tpu.memref_slice %arg5[%dma_start3A_46] : memref<384xi32, #tpu.memory_space<vmem>> -> memref<96xi32, #tpu.memory_space<vmem>>
    %dma_start3A_48 = arith.constant 0 : i32
    %dma_start3A_49 = arith.constant 0 : i32
    %dma_start3A_50 = tpu.memref_slice %arg2[%dma_start3A_48, %dma_start3A_49] : memref<8192x640xf32, #tpu.memory_space<hbm>> -> memref<8192x640xf32, #tpu.memory_space<hbm>>
    tpu.enqueue_indirect_dma source(%dma_start3A_50 : memref<8192x640xf32, #tpu.memory_space<hbm>>) target(%arg7 : memref<96x640xf32, #tpu.memory_space<vmem>>) offsets(%dma_start3A_47 : memref<96xi32, #tpu.memory_space<vmem>>) semaphore(%arg9 : memref<!tpu.dma_semaphore, #tpu.memory_space<semaphore_mem>>)
    %dma_wait3A_51 = arith.constant 192 : i32
    %dma_wait3A_52 = tpu.memref_slice %arg5[%dma_wait3A_51] : memref<384xi32, #tpu.memory_space<vmem>> -> memref<96xi32, #tpu.memory_space<vmem>>
    %dma_wait3A_53 = arith.constant 0 : i32
    %dma_wait3A_54 = arith.constant 0 : i32
    %dma_wait3A_55 = tpu.memref_slice %arg2[%dma_wait3A_53, %dma_wait3A_54] : memref<8192x640xf32, #tpu.memory_space<hbm>> -> memref<8192x640xf32, #tpu.memory_space<hbm>>
    tpu.wait_indirect_dma semaphore(%arg8 : memref<!tpu.dma_semaphore, #tpu.memory_space<semaphore_mem>>) src(%dma_wait3A_55 : memref<8192x640xf32, #tpu.memory_space<hbm>>) dst(%arg6 : memref<96x640xf32, #tpu.memory_space<vmem>>)
    %add3A_56 = arith.constant 192 : i32
    %add3A_57 = arith.addi %mul3A_2, %add3A_56 : i32
    %dma_start3A_58 = arith.constant 0 : i32
    %dma_start3A_59 = tpu.memref_slice %arg4[%add3A_57, %dma_start3A_58] : memref<12288x640xf32, #tpu.memory_space<hbm>> -> memref<96x640xf32, #tpu.memory_space<hbm>>
    %dma_start3A_60 = arith.constant 0 : i32
    %dma_start3A_61 = tpu.memref_slice %arg4[%add3A_57, %dma_start3A_60] : memref<12288x640xf32, #tpu.memory_space<hbm>> -> memref<96x640xf32, #tpu.memory_space<hbm>>
    tpu.enqueue_dma source(%arg6 : memref<96x640xf32, #tpu.memory_space<vmem>>) target(%dma_start3A_61 : memref<96x640xf32, #tpu.memory_space<hbm>>) target_semaphore(%arg10 : memref<!tpu.dma_semaphore, #tpu.memory_space<semaphore_mem>>)
    %dma_wait3A_62 = arith.constant 288 : i32
    %dma_wait3A_63 = tpu.memref_slice %arg5[%dma_wait3A_62] : memref<384xi32, #tpu.memory_space<vmem>> -> memref<96xi32, #tpu.memory_space<vmem>>
    %dma_wait3A_64 = arith.constant 0 : i32
    %dma_wait3A_65 = arith.constant 0 : i32
    %dma_wait3A_66 = tpu.memref_slice %arg2[%dma_wait3A_64, %dma_wait3A_65] : memref<8192x640xf32, #tpu.memory_space<hbm>> -> memref<8192x640xf32, #tpu.memory_space<hbm>>
    tpu.wait_indirect_dma semaphore(%arg9 : memref<!tpu.dma_semaphore, #tpu.memory_space<semaphore_mem>>) src(%dma_wait3A_66 : memref<8192x640xf32, #tpu.memory_space<hbm>>) dst(%arg7 : memref<96x640xf32, #tpu.memory_space<vmem>>)
    %add3A_67 = arith.constant 288 : i32
    %add3A_68 = arith.addi %mul3A_2, %add3A_67 : i32
    %dma_start3A_69 = arith.constant 0 : i32
    %dma_start3A_70 = tpu.memref_slice %arg4[%add3A_68, %dma_start3A_69] : memref<12288x640xf32, #tpu.memory_space<hbm>> -> memref<96x640xf32, #tpu.memory_space<hbm>>
    %dma_start3A_71 = arith.constant 0 : i32
    %dma_start3A_72 = tpu.memref_slice %arg4[%add3A_68, %dma_start3A_71] : memref<12288x640xf32, #tpu.memory_space<hbm>> -> memref<96x640xf32, #tpu.memory_space<hbm>>
    tpu.enqueue_dma source(%arg7 : memref<96x640xf32, #tpu.memory_space<vmem>>) target(%dma_start3A_72 : memref<96x640xf32, #tpu.memory_space<hbm>>) target_semaphore(%arg11 : memref<!tpu.dma_semaphore, #tpu.memory_space<semaphore_mem>>)
    %dma_wait3A_73 = arith.constant 0 : i32
    %dma_wait3A_74 = tpu.memref_slice %arg4[%add3A_57, %dma_wait3A_73] : memref<12288x640xf32, #tpu.memory_space<hbm>> -> memref<96x640xf32, #tpu.memory_space<hbm>>
    %dma_wait3A_75 = arith.constant 0 : i32
    %dma_wait3A_76 = tpu.memref_slice %arg4[%add3A_57, %dma_wait3A_75] : memref<12288x640xf32, #tpu.memory_space<hbm>> -> memref<96x640xf32, #tpu.memory_space<hbm>>
    tpu.wait_dma2 semaphore(%arg10 : memref<!tpu.dma_semaphore, #tpu.memory_space<semaphore_mem>>) src(%arg6 : memref<96x640xf32, #tpu.memory_space<vmem>>) dst(%dma_wait3A_76 : memref<96x640xf32, #tpu.memory_space<hbm>>)
    %dma_wait3A_77 = arith.constant 0 : i32
    %dma_wait3A_78 = tpu.memref_slice %arg4[%add3A_68, %dma_wait3A_77] : memref<12288x640xf32, #tpu.memory_space<hbm>> -> memref<96x640xf32, #tpu.memory_space<hbm>>
    %dma_wait3A_79 = arith.constant 0 : i32
    %dma_wait3A_80 = tpu.memref_slice %arg4[%add3A_68, %dma_wait3A_79] : memref<12288x640xf32, #tpu.memory_space<hbm>> -> memref<96x640xf32, #tpu.memory_space<hbm>>
    tpu.wait_dma2 semaphore(%arg11 : memref<!tpu.dma_semaphore, #tpu.memory_space<semaphore_mem>>) src(%arg7 : memref<96x640xf32, #tpu.memory_space<vmem>>) dst(%dma_wait3A_80 : memref<96x640xf32, #tpu.memory_space<hbm>>)
    return
  }
}

#map = affine_map<(d0, d1) -> (0, 0)>
#map1 = affine_map<(d0, d1) -> (0)>
module attributes {stable_mosaic.version = 14 : i64} {
  func.func @gather(%arg0: i32, %arg1: i32, %arg2: memref<8192x640xf32, #tpu.memory_space<hbm>>, %arg3: memref<12288xi32, #tpu.memory_space<hbm>>, %arg4: memref<12288x640xf32, #tpu.memory_space<hbm>>, %arg5: memref<384xi32, #tpu.memory_space<vmem>>, %arg6: memref<96x640xf32, #tpu.memory_space<vmem>>, %arg7: memref<96x640xf32, #tpu.memory_space<vmem>>, %arg8: memref<!tpu.dma_semaphore, #tpu.memory_space<semaphore_mem>>, %arg9: memref<!tpu.dma_semaphore, #tpu.memory_space<semaphore_mem>>, %arg10: memref<!tpu.dma_semaphore, #tpu.memory_space<semaphore_mem>>, %arg11: memref<!tpu.dma_semaphore, #tpu.memory_space<semaphore_mem>>) attributes {dimension_semantics = [#tpu.dimension_semantics<core_parallel>, #tpu.dimension_semantics<subcore_parallel>], iteration_bounds = array<i64: 2, 16>, scalar_prefetch = 0 : i64, scratch_operands = 7 : i64, tpu.core_type = #tpu.core_type<sc_vector_subcore>, window_params = [{transform_indices = #map}, {transform_indices = #map1}, {transform_indices = #map}]} {
    %mul3A = arith.constant 2 : i32
    %mul3A_0 = arith.muli %arg1, %mul3A : i32
    %add3A = arith.addi %mul3A_0, %arg0 : i32
    %mul3A_1 = arith.constant 384 : i32
    %mul3A_2 = arith.muli %add3A, %mul3A_1 : i32
    "tpu.region"() ({
      %run_scoped3A = tpu.sem_alloc : memref<!tpu.dma_semaphore, #tpu.memory_space<semaphore_mem>>
      %dma_start3A_81 = tpu.memref_slice %arg3[%mul3A_2] : memref<12288xi32, #tpu.memory_space<hbm>> -> memref<384xi32, #tpu.memory_space<hbm>>
      %dma_start3A_82 = tpu.memref_slice %arg3[%mul3A_2] : memref<12288xi32, #tpu.memory_space<hbm>> -> memref<384xi32, #tpu.memory_space<hbm>>
      tpu.enqueue_dma source(%dma_start3A_82 : memref<384xi32, #tpu.memory_space<hbm>>) target(%arg5 : memref<384xi32, #tpu.memory_space<vmem>>) target_semaphore(%run_scoped3A : memref<!tpu.dma_semaphore, #tpu.memory_space<semaphore_mem>>)
      %dma_wait3A_83 = tpu.memref_slice %arg3[%mul3A_2] : memref<12288xi32, #tpu.memory_space<hbm>> -> memref<384xi32, #tpu.memory_space<hbm>>
      %dma_wait3A_84 = tpu.memref_slice %arg3[%mul3A_2] : memref<12288xi32, #tpu.memory_space<hbm>> -> memref<384xi32, #tpu.memory_space<hbm>>
      tpu.wait_dma2 semaphore(%run_scoped3A : memref<!tpu.dma_semaphore, #tpu.memory_space<semaphore_mem>>) src(%dma_wait3A_84 : memref<384xi32, #tpu.memory_space<hbm>>) dst(%arg5 : memref<384xi32, #tpu.memory_space<vmem>>)
      tpu.yield
    }) : () -> ()
    %dma_start3A = arith.constant 0 : i32
    %dma_start3A_3 = tpu.memref_slice %arg5[%dma_start3A] : memref<384xi32, #tpu.memory_space<vmem>> -> memref<96xi32, #tpu.memory_space<vmem>>
    %dma_start3A_4 = arith.constant 0 : i32
    %dma_start3A_5 = arith.constant 0 : i32
    %dma_start3A_6 = tpu.memref_slice %arg2[%dma_start3A_4, %dma_start3A_5] : memref<8192x640xf32, #tpu.memory_space<hbm>> -> memref<8192x640xf32, #tpu.memory_space<hbm>>
    tpu.enqueue_indirect_dma source(%dma_start3A_6 : memref<8192x640xf32, #tpu.memory_space<hbm>>) target(%arg6 : memref<96x640xf32, #tpu.memory_space<vmem>>) offsets(%dma_start3A_3 : memref<96xi32, #tpu.memory_space<vmem>>) semaphore(%arg8 : memref<!tpu.dma_semaphore, #tpu.memory_space<semaphore_mem>>)
    %dma_start3A_7 = arith.constant 96 : i32
    %dma_start3A_8 = tpu.memref_slice %arg5[%dma_start3A_7] : memref<384xi32, #tpu.memory_space<vmem>> -> memref<96xi32, #tpu.memory_space<vmem>>
    %dma_start3A_9 = arith.constant 0 : i32
    %dma_start3A_10 = arith.constant 0 : i32
    %dma_start3A_11 = tpu.memref_slice %arg2[%dma_start3A_9, %dma_start3A_10] : memref<8192x640xf32, #tpu.memory_space<hbm>> -> memref<8192x640xf32, #tpu.memory_space<hbm>>
    tpu.enqueue_indirect_dma source(%dma_start3A_11 : memref<8192x640xf32, #tpu.memory_space<hbm>>) target(%arg7 : memref<96x640xf32, #tpu.memory_space<vmem>>) offsets(%dma_start3A_8 : memref<96xi32, #tpu.memory_space<vmem>>) semaphore(%arg9 : memref<!tpu.dma_semaphore, #tpu.memory_space<semaphore_mem>>)
    %dma_wait3A = arith.constant 0 : i32
    %dma_wait3A_12 = tpu.memref_slice %arg5[%dma_wait3A] : memref<384xi32, #tpu.memory_space<vmem>> -> memref<96xi32, #tpu.memory_space<vmem>>
    %dma_wait3A_13 = arith.constant 0 : i32
    %dma_wait3A_14 = arith.constant 0 : i32
    %dma_wait3A_15 = tpu.memref_slice %arg2[%dma_wait3A_13, %dma_wait3A_14] : memref<8192x640xf32, #tpu.memory_space<hbm>> -> memref<8192x640xf32, #tpu.memory_space<hbm>>
    tpu.wait_indirect_dma semaphore(%arg8 : memref<!tpu.dma_semaphore, #tpu.memory_space<semaphore_mem>>) src(%dma_wait3A_15 : memref<8192x640xf32, #tpu.memory_space<hbm>>) dst(%arg6 : memref<96x640xf32, #tpu.memory_space<vmem>>)
    %add3A_16 = arith.constant 0 : i32
    %add3A_17 = arith.addi %mul3A_2, %add3A_16 : i32
    %dma_start3A_18 = arith.constant 0 : i32
    %dma_start3A_19 = tpu.memref_slice %arg4[%add3A_17, %dma_start3A_18] : memref<12288x640xf32, #tpu.memory_space<hbm>> -> memref<96x640xf32, #tpu.memory_space<hbm>>
    %dma_start3A_20 = arith.constant 0 : i32
    %dma_start3A_21 = tpu.memref_slice %arg4[%add3A_17, %dma_start3A_20] : memref<12288x640xf32, #tpu.memory_space<hbm>> -> memref<96x640xf32, #tpu.memory_space<hbm>>
    tpu.enqueue_dma source(%arg6 : memref<96x640xf32, #tpu.memory_space<vmem>>) target(%dma_start3A_21 : memref<96x640xf32, #tpu.memory_space<hbm>>) target_semaphore(%arg10 : memref<!tpu.dma_semaphore, #tpu.memory_space<semaphore_mem>>)
    %dma_wait3A_22 = arith.constant 0 : i32
    %dma_wait3A_23 = tpu.memref_slice %arg4[%add3A_17, %dma_wait3A_22] : memref<12288x640xf32, #tpu.memory_space<hbm>> -> memref<96x640xf32, #tpu.memory_space<hbm>>
    %dma_wait3A_24 = arith.constant 0 : i32
    %dma_wait3A_25 = tpu.memref_slice %arg4[%add3A_17, %dma_wait3A_24] : memref<12288x640xf32, #tpu.memory_space<hbm>> -> memref<96x640xf32, #tpu.memory_space<hbm>>
    tpu.wait_dma2 semaphore(%arg10 : memref<!tpu.dma_semaphore, #tpu.memory_space<semaphore_mem>>) src(%arg6 : memref<96x640xf32, #tpu.memory_space<vmem>>) dst(%dma_wait3A_25 : memref<96x640xf32, #tpu.memory_space<hbm>>)
    %dma_start3A_26 = arith.constant 192 : i32
    %dma_start3A_27 = tpu.memref_slice %arg5[%dma_start3A_26] : memref<384xi32, #tpu.memory_space<vmem>> -> memref<96xi32, #tpu.memory_space<vmem>>
    %dma_start3A_28 = arith.constant 0 : i32
    %dma_start3A_29 = arith.constant 0 : i32
    %dma_start3A_30 = tpu.memref_slice %arg2[%dma_start3A_28, %dma_start3A_29] : memref<8192x640xf32, #tpu.memory_space<hbm>> -> memref<8192x640xf32, #tpu.memory_space<hbm>>
    tpu.enqueue_indirect_dma source(%dma_start3A_30 : memref<8192x640xf32, #tpu.memory_space<hbm>>) target(%arg6 : memref<96x640xf32, #tpu.memory_space<vmem>>) offsets(%dma_start3A_27 : memref<96xi32, #tpu.memory_space<vmem>>) semaphore(%arg8 : memref<!tpu.dma_semaphore, #tpu.memory_space<semaphore_mem>>)
    %dma_wait3A_31 = arith.constant 96 : i32
    %dma_wait3A_32 = tpu.memref_slice %arg5[%dma_wait3A_31] : memref<384xi32, #tpu.memory_space<vmem>> -> memref<96xi32, #tpu.memory_space<vmem>>
    %dma_wait3A_33 = arith.constant 0 : i32
    %dma_wait3A_34 = arith.constant 0 : i32
    %dma_wait3A_35 = tpu.memref_slice %arg2[%dma_wait3A_33, %dma_wait3A_34] : memref<8192x640xf32, #tpu.memory_space<hbm>> -> memref<8192x640xf32, #tpu.memory_space<hbm>>
    tpu.wait_indirect_dma semaphore(%arg9 : memref<!tpu.dma_semaphore, #tpu.memory_space<semaphore_mem>>) src(%dma_wait3A_35 : memref<8192x640xf32, #tpu.memory_space<hbm>>) dst(%arg7 : memref<96x640xf32, #tpu.memory_space<vmem>>)
    %add3A_36 = arith.constant 96 : i32
    %add3A_37 = arith.addi %mul3A_2, %add3A_36 : i32
    %dma_start3A_38 = arith.constant 0 : i32
    %dma_start3A_39 = tpu.memref_slice %arg4[%add3A_37, %dma_start3A_38] : memref<12288x640xf32, #tpu.memory_space<hbm>> -> memref<96x640xf32, #tpu.memory_space<hbm>>
    %dma_start3A_40 = arith.constant 0 : i32
    %dma_start3A_41 = tpu.memref_slice %arg4[%add3A_37, %dma_start3A_40] : memref<12288x640xf32, #tpu.memory_space<hbm>> -> memref<96x640xf32, #tpu.memory_space<hbm>>
    tpu.enqueue_dma source(%arg7 : memref<96x640xf32, #tpu.memory_space<vmem>>) target(%dma_start3A_41 : memref<96x640xf32, #tpu.memory_space<hbm>>) target_semaphore(%arg11 : memref<!tpu.dma_semaphore, #tpu.memory_space<semaphore_mem>>)
    %dma_wait3A_42 = arith.constant 0 : i32
    %dma_wait3A_43 = tpu.memref_slice %arg4[%add3A_37, %dma_wait3A_42] : memref<12288x640xf32, #tpu.memory_space<hbm>> -> memref<96x640xf32, #tpu.memory_space<hbm>>
    %dma_wait3A_44 = arith.constant 0 : i32
    %dma_wait3A_45 = tpu.memref_slice %arg4[%add3A_37, %dma_wait3A_44] : memref<12288x640xf32, #tpu.memory_space<hbm>> -> memref<96x640xf32, #tpu.memory_space<hbm>>
    tpu.wait_dma2 semaphore(%arg11 : memref<!tpu.dma_semaphore, #tpu.memory_space<semaphore_mem>>) src(%arg7 : memref<96x640xf32, #tpu.memory_space<vmem>>) dst(%dma_wait3A_45 : memref<96x640xf32, #tpu.memory_space<hbm>>)
    %dma_start3A_46 = arith.constant 288 : i32
    %dma_start3A_47 = tpu.memref_slice %arg5[%dma_start3A_46] : memref<384xi32, #tpu.memory_space<vmem>> -> memref<96xi32, #tpu.memory_space<vmem>>
    %dma_start3A_48 = arith.constant 0 : i32
    %dma_start3A_49 = arith.constant 0 : i32
    %dma_start3A_50 = tpu.memref_slice %arg2[%dma_start3A_48, %dma_start3A_49] : memref<8192x640xf32, #tpu.memory_space<hbm>> -> memref<8192x640xf32, #tpu.memory_space<hbm>>
    tpu.enqueue_indirect_dma source(%dma_start3A_50 : memref<8192x640xf32, #tpu.memory_space<hbm>>) target(%arg7 : memref<96x640xf32, #tpu.memory_space<vmem>>) offsets(%dma_start3A_47 : memref<96xi32, #tpu.memory_space<vmem>>) semaphore(%arg9 : memref<!tpu.dma_semaphore, #tpu.memory_space<semaphore_mem>>)
    %dma_wait3A_51 = arith.constant 192 : i32
    %dma_wait3A_52 = tpu.memref_slice %arg5[%dma_wait3A_51] : memref<384xi32, #tpu.memory_space<vmem>> -> memref<96xi32, #tpu.memory_space<vmem>>
    %dma_wait3A_53 = arith.constant 0 : i32
    %dma_wait3A_54 = arith.constant 0 : i32
    %dma_wait3A_55 = tpu.memref_slice %arg2[%dma_wait3A_53, %dma_wait3A_54] : memref<8192x640xf32, #tpu.memory_space<hbm>> -> memref<8192x640xf32, #tpu.memory_space<hbm>>
    tpu.wait_indirect_dma semaphore(%arg8 : memref<!tpu.dma_semaphore, #tpu.memory_space<semaphore_mem>>) src(%dma_wait3A_55 : memref<8192x640xf32, #tpu.memory_space<hbm>>) dst(%arg6 : memref<96x640xf32, #tpu.memory_space<vmem>>)
    %add3A_56 = arith.constant 192 : i32
    %add3A_57 = arith.addi %mul3A_2, %add3A_56 : i32
    %dma_start3A_58 = arith.constant 0 : i32
    %dma_start3A_59 = tpu.memref_slice %arg4[%add3A_57, %dma_start3A_58] : memref<12288x640xf32, #tpu.memory_space<hbm>> -> memref<96x640xf32, #tpu.memory_space<hbm>>
    %dma_start3A_60 = arith.constant 0 : i32
    %dma_start3A_61 = tpu.memref_slice %arg4[%add3A_57, %dma_start3A_60] : memref<12288x640xf32, #tpu.memory_space<hbm>> -> memref<96x640xf32, #tpu.memory_space<hbm>>
    tpu.enqueue_dma source(%arg6 : memref<96x640xf32, #tpu.memory_space<vmem>>) target(%dma_start3A_61 : memref<96x640xf32, #tpu.memory_space<hbm>>) target_semaphore(%arg10 : memref<!tpu.dma_semaphore, #tpu.memory_space<semaphore_mem>>)
    %dma_wait3A_62 = arith.constant 288 : i32
    %dma_wait3A_63 = tpu.memref_slice %arg5[%dma_wait3A_62] : memref<384xi32, #tpu.memory_space<vmem>> -> memref<96xi32, #tpu.memory_space<vmem>>
    %dma_wait3A_64 = arith.constant 0 : i32
    %dma_wait3A_65 = arith.constant 0 : i32
    %dma_wait3A_66 = tpu.memref_slice %arg2[%dma_wait3A_64, %dma_wait3A_65] : memref<8192x640xf32, #tpu.memory_space<hbm>> -> memref<8192x640xf32, #tpu.memory_space<hbm>>
    tpu.wait_indirect_dma semaphore(%arg9 : memref<!tpu.dma_semaphore, #tpu.memory_space<semaphore_mem>>) src(%dma_wait3A_66 : memref<8192x640xf32, #tpu.memory_space<hbm>>) dst(%arg7 : memref<96x640xf32, #tpu.memory_space<vmem>>)
    %add3A_67 = arith.constant 288 : i32
    %add3A_68 = arith.addi %mul3A_2, %add3A_67 : i32
    %dma_start3A_69 = arith.constant 0 : i32
    %dma_start3A_70 = tpu.memref_slice %arg4[%add3A_68, %dma_start3A_69] : memref<12288x640xf32, #tpu.memory_space<hbm>> -> memref<96x640xf32, #tpu.memory_space<hbm>>
    %dma_start3A_71 = arith.constant 0 : i32
    %dma_start3A_72 = tpu.memref_slice %arg4[%add3A_68, %dma_start3A_71] : memref<12288x640xf32, #tpu.memory_space<hbm>> -> memref<96x640xf32, #tpu.memory_space<hbm>>
    tpu.enqueue_dma source(%arg7 : memref<96x640xf32, #tpu.memory_space<vmem>>) target(%dma_start3A_72 : memref<96x640xf32, #tpu.memory_space<hbm>>) target_semaphore(%arg11 : memref<!tpu.dma_semaphore, #tpu.memory_space<semaphore_mem>>)
    %dma_wait3A_73 = arith.constant 0 : i32
    %dma_wait3A_74 = tpu.memref_slice %arg4[%add3A_57, %dma_wait3A_73] : memref<12288x640xf32, #tpu.memory_space<hbm>> -> memref<96x640xf32, #tpu.memory_space<hbm>>
    %dma_wait3A_75 = arith.constant 0 : i32
    %dma_wait3A_76 = tpu.memref_slice %arg4[%add3A_57, %dma_wait3A_75] : memref<12288x640xf32, #tpu.memory_space<hbm>> -> memref<96x640xf32, #tpu.memory_space<hbm>>
    tpu.wait_dma2 semaphore(%arg10 : memref<!tpu.dma_semaphore, #tpu.memory_space<semaphore_mem>>) src(%arg6 : memref<96x640xf32, #tpu.memory_space<vmem>>) dst(%dma_wait3A_76 : memref<96x640xf32, #tpu.memory_space<hbm>>)
    %dma_wait3A_77 = arith.constant 0 : i32
    %dma_wait3A_78 = tpu.memref_slice %arg4[%add3A_68, %dma_wait3A_77] : memref<12288x640xf32, #tpu.memory_space<hbm>> -> memref<96x640xf32, #tpu.memory_space<hbm>>
    %dma_wait3A_79 = arith.constant 0 : i32
    %dma_wait3A_80 = tpu.memref_slice %arg4[%add3A_68, %dma_wait3A_79] : memref<12288x640xf32, #tpu.memory_space<hbm>> -> memref<96x640xf32, #tpu.memory_space<hbm>>
    tpu.wait_dma2 semaphore(%arg11 : memref<!tpu.dma_semaphore, #tpu.memory_space<semaphore_mem>>) src(%arg7 : memref<96x640xf32, #tpu.memory_space<vmem>>) dst(%dma_wait3A_80 : memref<96x640xf32, #tpu.memory_space<hbm>>)
    return
  }
}

module attributes {stable_mosaic.version = 14 : i64} {
  func.func @_knn_body(%arg0: i32, %arg1: memref<1x256x3xf32, #tpu.memory_space<vmem>>, %arg2: memref<1x3x4096xf32, #tpu.memory_space<vmem>>, %arg3: memref<1x3x256x1xi32, #tpu.memory_space<vmem>>) attributes {dimension_semantics = [#tpu.dimension_semantics<arbitrary>], iteration_bounds = array<i64: 16>, scalar_prefetch = 0 : i64, scratch_operands = 0 : i64, tpu.core_type = #tpu.core_type<tc>, window_params = [{transform_indices = @transform_0, window_bounds = array<i64: 1, 256, 3>}, {transform_indices = @transform_1, window_bounds = array<i64: 1, 3, 4096>}, {transform_indices = @transform_2, window_bounds = array<i64: 1, 3, 256, 1>}]} {
    %get3A = arith.constant 0 : index
    %get3A_0 = arith.constant 0 : index
    %get3A_1 = arith.constant 0 : index
    %get3A_2 = vector.load %arg1[%get3A, %get3A_0, %get3A_1] : memref<1x256x3xf32, #tpu.memory_space<vmem>>, vector<1x256x3xf32>
    %get3A_3 = vector.shape_cast %get3A_2 : vector<1x256x3xf32> to vector<256x3xf32>
    %get3A_4 = arith.constant 0 : index
    %get3A_5 = arith.constant 0 : index
    %get3A_6 = arith.constant 0 : index
    %get3A_7 = vector.load %arg2[%get3A_4, %get3A_5, %get3A_6] : memref<1x3x4096xf32, #tpu.memory_space<vmem>>, vector<1x3x4096xf32>
    %get3A_8 = vector.shape_cast %get3A_7 : vector<1x3x4096xf32> to vector<3x4096xf32>
    %mul3A = arith.mulf %get3A_8, %get3A_8 : vector<3x4096xf32>
    %reduce_sum3A = arith.constant dense<0.000000e+00> : vector<4096xf32>
    %reduce_sum3A_9 = vector.multi_reduction <add>, %mul3A, %reduce_sum3A [0] : vector<3x4096xf32> to vector<4096xf32>
    %broadcast_in_dim3A = vector.shape_cast %reduce_sum3A_9 : vector<4096xf32> to vector<1x4096xf32>
    %mul3A_10 = arith.mulf %get3A_3, %get3A_3 : vector<256x3xf32>
    %reduce_sum3A_11 = arith.constant dense<0.000000e+00> : vector<256xf32>
    %reduce_sum3A_12 = vector.multi_reduction <add>, %mul3A_10, %reduce_sum3A_11 [1] : vector<256x3xf32> to vector<256xf32>
    %broadcast_in_dim3A_13 = vector.shape_cast %reduce_sum3A_12 : vector<256xf32> to vector<256x1xf32>
    %mul3A_14 = arith.constant -2.000000e+00 : f32
    %mul3A_15 = vector.broadcast %mul3A_14 : f32 to vector<3x4096xf32>
    %mul3A_16 = arith.mulf %mul3A_15, %get3A_8 : vector<3x4096xf32>
    %dot_general3A = arith.constant dense<0.000000e+00> : vector<256x4096xf32>
    %dot_general3A_17 = tpu.matmul %get3A_3, %mul3A_16, %dot_general3A {dimension_numbers = #tpu.dot_dimension_numbers<[1], [0], [0], [1], [0, 0, 1, 1], [], []>, transpose_lhs_hint = false} : vector<256x3xf32>, vector<3x4096xf32>, vector<256x4096xf32> -> vector<256x4096xf32>
    %add3A = vector.broadcast %broadcast_in_dim3A_13 : vector<256x1xf32> to vector<256x4096xf32>
    %add3A_18 = vector.broadcast %broadcast_in_dim3A : vector<1x4096xf32> to vector<256x4096xf32>
    %add3A_19 = arith.addf %add3A, %add3A_18 : vector<256x4096xf32>
    %add3A_20 = arith.addf %add3A_19, %dot_general3A_17 : vector<256x4096xf32>
    %max3A = arith.constant 0.000000e+00 : f32
    %max3A_21 = vector.broadcast %max3A : f32 to vector<256x4096xf32>
    %max3A_22 = arith.maximumf %add3A_20, %max3A_21 : vector<256x4096xf32>
    %iota3A = tpu.iota {dimensions = array<i32: 1>} : vector<256x4096xi32>
    %reduce_min3A = arith.constant dense<0x7F800000> : vector<256xf32>
    %reduce_min3A_23 = vector.multi_reduction <minimumf>, %max3A_22, %reduce_min3A [1] : vector<256x4096xf32> to vector<256xf32>
    %broadcast_in_dim3A_24 = vector.shape_cast %reduce_min3A_23 : vector<256xf32> to vector<256x1xf32>
    %eq3A = vector.broadcast %broadcast_in_dim3A_24 : vector<256x1xf32> to vector<256x4096xf32>
    %eq3A_25 = arith.cmpf oeq, %max3A_22, %eq3A : vector<256x4096xf32>
    %jit3A = arith.constant 4096 : i32
    %broadcast_in_dim3A_26 = vector.broadcast %jit3A : i32 to vector<256x4096xi32>
    %select_n3A = arith.select %eq3A_25, %iota3A, %broadcast_in_dim3A_26 : vector<256x4096xi1>, vector<256x4096xi32>
    %reduce_min3A_27 = arith.constant dense<2147483647> : vector<256xi32>
    %reduce_min3A_28 = vector.multi_reduction <minsi>, %select_n3A, %reduce_min3A_27 [1] : vector<256x4096xi32> to vector<256xi32>
    %broadcast_in_dim3A_29 = vector.shape_cast %reduce_min3A_28 : vector<256xi32> to vector<256x1xi32>
    %add3A_30 = arith.constant 4096 : i32
    %add3A_31 = vector.broadcast %add3A_30 : i32 to vector<256x1xi32>
    %add3A_32 = arith.addi %broadcast_in_dim3A_29, %add3A_31 : vector<256x1xi32>
    %swap3A = arith.constant 0 : index
    %swap3A_33 = arith.constant 0 : index
    %swap3A_34 = arith.constant 0 : index
    %swap3A_35 = arith.constant 0 : index
    %swap3A_36 = vector.load %arg3[%swap3A, %swap3A_33, %swap3A_34, %swap3A_35] : memref<1x3x256x1xi32, #tpu.memory_space<vmem>>, vector<1x1x256x1xi32>
    %swap3A_37 = vector.shape_cast %swap3A_36 : vector<1x1x256x1xi32> to vector<256x1xi32>
    %swap3A_38 = vector.shape_cast %add3A_32 : vector<256x1xi32> to vector<1x1x256x1xi32>
    tpu.vector_store %arg3[%swap3A, %swap3A_33, %swap3A_34, %swap3A_35], %swap3A_38 {strides = array<i32>} : memref<1x3x256x1xi32, #tpu.memory_space<vmem>>, vector<1x1x256x1xi32>,
    %eq3A_39 = vector.broadcast %broadcast_in_dim3A_29 : vector<256x1xi32> to vector<256x4096xi32>
    %eq3A_40 = arith.cmpi eq, %iota3A, %eq3A_39 : vector<256x4096xi32>
    %jit3A_41 = arith.constant 1.000000e+30 : f32
    %broadcast_in_dim3A_42 = vector.broadcast %jit3A_41 : f32 to vector<256x4096xf32>
    %select_n3A_43 = arith.select %eq3A_40, %broadcast_in_dim3A_42, %max3A_22 : vector<256x4096xi1>, vector<256x4096xf32>
    %reduce_min3A_44 = arith.constant dense<0x7F800000> : vector<256xf32>
    %reduce_min3A_45 = vector.multi_reduction <minimumf>, %select_n3A_43, %reduce_min3A_44 [1] : vector<256x4096xf32> to vector<256xf32>
    %broadcast_in_dim3A_46 = vector.shape_cast %reduce_min3A_45 : vector<256xf32> to vector<256x1xf32>
    %eq3A_47 = vector.broadcast %broadcast_in_dim3A_46 : vector<256x1xf32> to vector<256x4096xf32>
    %eq3A_48 = arith.cmpf oeq, %select_n3A_43, %eq3A_47 : vector<256x4096xf32>
    %jit3A_49 = arith.constant 4096 : i32
    %broadcast_in_dim3A_50 = vector.broadcast %jit3A_49 : i32 to vector<256x4096xi32>
    %select_n3A_51 = arith.select %eq3A_48, %iota3A, %broadcast_in_dim3A_50 : vector<256x4096xi1>, vector<256x4096xi32>
    %reduce_min3A_52 = arith.constant dense<2147483647> : vector<256xi32>
    %reduce_min3A_53 = vector.multi_reduction <minsi>, %select_n3A_51, %reduce_min3A_52 [1] : vector<256x4096xi32> to vector<256xi32>
    %broadcast_in_dim3A_54 = vector.shape_cast %reduce_min3A_53 : vector<256xi32> to vector<256x1xi32>
    %add3A_55 = arith.constant 4096 : i32
    %add3A_56 = vector.broadcast %add3A_55 : i32 to vector<256x1xi32>
    %add3A_57 = arith.addi %broadcast_in_dim3A_54, %add3A_56 : vector<256x1xi32>
    %swap3A_58 = arith.constant 0 : index
    %swap3A_59 = arith.constant 1 : index
    %swap3A_60 = arith.constant 0 : index
    %swap3A_61 = arith.constant 0 : index
    %swap3A_62 = vector.load %arg3[%swap3A_58, %swap3A_59, %swap3A_60, %swap3A_61] : memref<1x3x256x1xi32, #tpu.memory_space<vmem>>, vector<1x1x256x1xi32>
    %swap3A_63 = vector.shape_cast %swap3A_62 : vector<1x1x256x1xi32> to vector<256x1xi32>
    %swap3A_64 = vector.shape_cast %add3A_57 : vector<256x1xi32> to vector<1x1x256x1xi32>
    tpu.vector_store %arg3[%swap3A_58, %swap3A_59, %swap3A_60, %swap3A_61], %swap3A_64 {strides = array<i32>} : memref<1x3x256x1xi32, #tpu.memory_space<vmem>>, vector<1x1x256x1xi32>,
    %eq3A_65 = vector.broadcast %broadcast_in_dim3A_54 : vector<256x1xi32> to vector<256x4096xi32>
    %eq3A_66 = arith.cmpi eq, %iota3A, %eq3A_65 : vector<256x4096xi32>
    %jit3A_67 = arith.constant 1.000000e+30 : f32
    %broadcast_in_dim3A_68 = vector.broadcast %jit3A_67 : f32 to vector<256x4096xf32>
    %select_n3A_69 = arith.select %eq3A_66, %broadcast_in_dim3A_68, %select_n3A_43 : vector<256x4096xi1>, vector<256x4096xf32>
    %reduce_min3A_70 = arith.constant dense<0x7F800000> : vector<256xf32>
    %reduce_min3A_71 = vector.multi_reduction <minimumf>, %select_n3A_69, %reduce_min3A_70 [1] : vector<256x4096xf32> to vector<256xf32>
    %broadcast_in_dim3A_72 = vector.shape_cast %reduce_min3A_71 : vector<256xf32> to vector<256x1xf32>
    %eq3A_73 = vector.broadcast %broadcast_in_dim3A_72 : vector<256x1xf32> to vector<256x4096xf32>
    %eq3A_74 = arith.cmpf oeq, %select_n3A_69, %eq3A_73 : vector<256x4096xf32>
    %jit3A_75 = arith.constant 4096 : i32
    %broadcast_in_dim3A_76 = vector.broadcast %jit3A_75 : i32 to vector<256x4096xi32>
    %select_n3A_77 = arith.select %eq3A_74, %iota3A, %broadcast_in_dim3A_76 : vector<256x4096xi1>, vector<256x4096xi32>
    %reduce_min3A_78 = arith.constant dense<2147483647> : vector<256xi32>
    %reduce_min3A_79 = vector.multi_reduction <minsi>, %select_n3A_77, %reduce_min3A_78 [1] : vector<256x4096xi32> to vector<256xi32>
    %broadcast_in_dim3A_80 = vector.shape_cast %reduce_min3A_79 : vector<256xi32> to vector<256x1xi32>
    %add3A_81 = arith.constant 4096 : i32
    %add3A_82 = vector.broadcast %add3A_81 : i32 to vector<256x1xi32>
    %add3A_83 = arith.addi %broadcast_in_dim3A_80, %add3A_82 : vector<256x1xi32>
    %swap3A_84 = arith.constant 0 : index
    %swap3A_85 = arith.constant 2 : index
    %swap3A_86 = arith.constant 0 : index
    %swap3A_87 = arith.constant 0 : index
    %swap3A_88 = vector.load %arg3[%swap3A_84, %swap3A_85, %swap3A_86, %swap3A_87] : memref<1x3x256x1xi32, #tpu.memory_space<vmem>>, vector<1x1x256x1xi32>
    %swap3A_89 = vector.shape_cast %swap3A_88 : vector<1x1x256x1xi32> to vector<256x1xi32>
    %swap3A_90 = vector.shape_cast %add3A_83 : vector<256x1xi32> to vector<1x1x256x1xi32>
    tpu.vector_store %arg3[%swap3A_84, %swap3A_85, %swap3A_86, %swap3A_87], %swap3A_90 {strides = array<i32>} : memref<1x3x256x1xi32, #tpu.memory_space<vmem>>, vector<1x1x256x1xi32>,
    return
  }
  func.func @transform_0(%arg0: i32) -> (i32, i32, i32) {
    %c1_i32 = arith.constant 1 : i32
    %c0_i32 = arith.constant 0 : i32
    %c0_i32_0 = arith.constant 0 : i32
    return %c1_i32, %arg0, %c0_i32 : i32, i32, i32
  }
  func.func @transform_1(%arg0: i32) -> (i32, i32, i32) {
    %c1_i32 = arith.constant 1 : i32
    %c0_i32 = arith.constant 0 : i32
    %c0_i32_0 = arith.constant 0 : i32
    %c0_i32_1 = arith.constant 0 : i32
    return %c1_i32, %c0_i32, %c0_i32_0 : i32, i32, i32
  }
  func.func @transform_2(%arg0: i32) -> (i32, i32, i32, i32) {
    %c0_i32 = arith.constant 0 : i32
    %c0_i32_0 = arith.constant 0 : i32
    %c0_i32_1 = arith.constant 0 : i32
    %c0_i32_2 = arith.constant 0 : i32
    return %c0_i32, %c0_i32_0, %arg0, %c0_i32_1 : i32, i32, i32, i32
  }
}

module attributes {stable_mosaic.version = 14 : i64} {
  func.func @_feat_body(%arg0: i32, %arg1: i32, %arg2: memref<1x512x3xf32, #tpu.memory_space<vmem>>, %arg3: memref<3x128xf32, #tpu.memory_space<vmem>>, %arg4: memref<1x128xf32, #tpu.memory_space<vmem>>, %arg5: memref<128x128xf32, #tpu.memory_space<vmem>>, %arg6: memref<1x128xf32, #tpu.memory_space<vmem>>, %arg7: memref<128x128xf32, #tpu.memory_space<vmem>>, %arg8: memref<1x128xf32, #tpu.memory_space<vmem>>, %arg9: memref<128x128xf32, #tpu.memory_space<vmem>>, %arg10: memref<1x128xf32, #tpu.memory_space<vmem>>, %arg11: memref<1x512x640xf32, #tpu.memory_space<vmem>>, %arg12: memref<1x1x128xf32, #tpu.memory_space<vmem>>) attributes {dimension_semantics = [#tpu.dimension_semantics<arbitrary>, #tpu.dimension_semantics<arbitrary>], iteration_bounds = array<i64: 2, 8>, scalar_prefetch = 0 : i64, scratch_operands = 0 : i64, tpu.core_type = #tpu.core_type<tc>, window_params = [{transform_indices = @transform_0, window_bounds = array<i64: 1, 512, 3>}, {pipeline_mode = #tpu.pipeline_mode<synchronous>, transform_indices = @transform_1, window_bounds = array<i64: 3, 128>}, {pipeline_mode = #tpu.pipeline_mode<synchronous>, transform_indices = @transform_2, window_bounds = array<i64: 1, 128>}, {pipeline_mode = #tpu.pipeline_mode<synchronous>, transform_indices = @transform_3, window_bounds = array<i64: 128, 128>}, {pipeline_mode = #tpu.pipeline_mode<synchronous>, transform_indices = @transform_4, window_bounds = array<i64: 1, 128>}, {pipeline_mode = #tpu.pipeline_mode<synchronous>, transform_indices = @transform_5, window_bounds = array<i64: 128, 128>}, {pipeline_mode = #tpu.pipeline_mode<synchronous>, transform_indices = @transform_6, window_bounds = array<i64: 1, 128>}, {pipeline_mode = #tpu.pipeline_mode<synchronous>, transform_indices = @transform_7, window_bounds = array<i64: 128, 128>}, {pipeline_mode = #tpu.pipeline_mode<synchronous>, transform_indices = @transform_8, window_bounds = array<i64: 1, 128>}, {transform_indices = @transform_9, window_bounds = array<i64: 1, 512, 640>}, {transform_indices = @transform_10, window_bounds = array<i64: 1, 1, 128>}]} {
    %get3A = arith.constant 0 : index
    %get3A_0 = arith.constant 0 : index
    %get3A_1 = arith.constant 0 : index
    %get3A_2 = vector.load %arg2[%get3A, %get3A_0, %get3A_1] : memref<1x512x3xf32, #tpu.memory_space<vmem>>, vector<1x512x3xf32>
    %get3A_3 = vector.shape_cast %get3A_2 : vector<1x512x3xf32> to vector<512x3xf32>
    %get3A_4 = arith.constant 0 : index
    %get3A_5 = arith.constant 0 : index
    %get3A_6 = vector.load %arg3[%get3A_4, %get3A_5] : memref<3x128xf32, #tpu.memory_space<vmem>>, vector<3x128xf32>
    %dot_general3A = arith.constant dense<0.000000e+00> : vector<512x128xf32>
    %dot_general3A_7 = tpu.matmul %get3A_3, %get3A_6, %dot_general3A {dimension_numbers = #tpu.dot_dimension_numbers<[1], [0], [0], [1], [0, 0, 1, 1], [], []>, transpose_lhs_hint = false} : vector<512x3xf32>, vector<3x128xf32>, vector<512x128xf32> -> vector<512x128xf32>
    %get3A_8 = arith.constant 0 : index
    %get3A_9 = arith.constant 0 : index
    %get3A_10 = vector.load %arg4[%get3A_8, %get3A_9] : memref<1x128xf32, #tpu.memory_space<vmem>>, vector<1x128xf32>
    %add3A = vector.broadcast %get3A_10 : vector<1x128xf32> to vector<512x128xf32>
    %add3A_11 = arith.addf %dot_general3A_7, %add3A : vector<512x128xf32>
    %max3A = arith.constant 0.000000e+00 : f32
    %max3A_12 = vector.broadcast %max3A : f32 to vector<512x128xf32>
    %max3A_13 = arith.maximumf %add3A_11, %max3A_12 : vector<512x128xf32>
    %get3A_14 = arith.constant 0 : index
    %get3A_15 = arith.constant 0 : index
    %get3A_16 = vector.load %arg5[%get3A_14, %get3A_15] : memref<128x128xf32, #tpu.memory_space<vmem>>, vector<128x128xf32>
    %dot_general3A_17 = arith.constant dense<0.000000e+00> : vector<512x128xf32>
    %dot_general3A_18 = tpu.matmul %max3A_13, %get3A_16, %dot_general3A_17 {dimension_numbers = #tpu.dot_dimension_numbers<[1], [0], [0], [1], [0, 0, 1, 1], [], []>, transpose_lhs_hint = false} : vector<512x128xf32>, vector<128x128xf32>, vector<512x128xf32> -> vector<512x128xf32>
    %get3A_19 = arith.constant 0 : index
    %get3A_20 = arith.constant 0 : index
    %get3A_21 = vector.load %arg6[%get3A_19, %get3A_20] : memref<1x128xf32, #tpu.memory_space<vmem>>, vector<1x128xf32>
    %add3A_22 = vector.broadcast %get3A_21 : vector<1x128xf32> to vector<512x128xf32>
    %add3A_23 = arith.addf %dot_general3A_18, %add3A_22 : vector<512x128xf32>
    %max3A_24 = arith.constant 0.000000e+00 : f32
    %max3A_25 = vector.broadcast %max3A_24 : f32 to vector<512x128xf32>
    %max3A_26 = arith.maximumf %add3A_23, %max3A_25 : vector<512x128xf32>
    %get3A_27 = arith.constant 0 : index
    %get3A_28 = arith.constant 0 : index
    %get3A_29 = vector.load %arg7[%get3A_27, %get3A_28] : memref<128x128xf32, #tpu.memory_space<vmem>>, vector<128x128xf32>
    %dot_general3A_30 = arith.constant dense<0.000000e+00> : vector<512x128xf32>
    %dot_general3A_31 = tpu.matmul %max3A_26, %get3A_29, %dot_general3A_30 {dimension_numbers = #tpu.dot_dimension_numbers<[1], [0], [0], [1], [0, 0, 1, 1], [], []>, transpose_lhs_hint = false} : vector<512x128xf32>, vector<128x128xf32>, vector<512x128xf32> -> vector<512x128xf32>
    %get3A_32 = arith.constant 0 : index
    %get3A_33 = arith.constant 0 : index
    %get3A_34 = vector.load %arg8[%get3A_32, %get3A_33] : memref<1x128xf32, #tpu.memory_space<vmem>>, vector<1x128xf32>
    %add3A_35 = vector.broadcast %get3A_34 : vector<1x128xf32> to vector<512x128xf32>
    %add3A_36 = arith.addf %dot_general3A_31, %add3A_35 : vector<512x128xf32>
    %max3A_37 = arith.constant 0.000000e+00 : f32
    %max3A_38 = vector.broadcast %max3A_37 : f32 to vector<512x128xf32>
    %max3A_39 = arith.maximumf %add3A_36, %max3A_38 : vector<512x128xf32>
    %get3A_40 = arith.constant 0 : index
    %get3A_41 = arith.constant 0 : index
    %get3A_42 = vector.load %arg9[%get3A_40, %get3A_41] : memref<128x128xf32, #tpu.memory_space<vmem>>, vector<128x128xf32>
    %dot_general3A_43 = arith.constant dense<0.000000e+00> : vector<512x128xf32>
    %dot_general3A_44 = tpu.matmul %max3A_39, %get3A_42, %dot_general3A_43 {dimension_numbers = #tpu.dot_dimension_numbers<[1], [0], [0], [1], [0, 0, 1, 1], [], []>, transpose_lhs_hint = false} : vector<512x128xf32>, vector<128x128xf32>, vector<512x128xf32> -> vector<512x128xf32>
    %get3A_45 = arith.constant 0 : index
    %get3A_46 = arith.constant 0 : index
    %get3A_47 = vector.load %arg10[%get3A_45, %get3A_46] : memref<1x128xf32, #tpu.memory_space<vmem>>, vector<1x128xf32>
    %add3A_48 = vector.broadcast %get3A_47 : vector<1x128xf32> to vector<512x128xf32>
    %add3A_49 = arith.addf %dot_general3A_44, %add3A_48 : vector<512x128xf32>
    %max3A_50 = arith.constant 0.000000e+00 : f32
    %max3A_51 = vector.broadcast %max3A_50 : f32 to vector<512x128xf32>
    %max3A_52 = arith.maximumf %add3A_49, %max3A_51 : vector<512x128xf32>
    %broadcast_in_dim3A = arith.constant 0.000000e+00 : f32
    %broadcast_in_dim3A_53 = vector.broadcast %broadcast_in_dim3A : f32 to vector<512x125xf32>
    %concatenate3A = tpu.concatenate %max3A_13, %max3A_26, %max3A_39, %max3A_52, %get3A_3, %broadcast_in_dim3A_53 in 1 : vector<512x128xf32>, vector<512x128xf32>, vector<512x128xf32>, vector<512x128xf32>, vector<512x3xf32>, vector<512x125xf32> -> vector<512x640xf32>
    %swap3A = arith.constant 0 : index
    %swap3A_54 = arith.constant 0 : index
    %swap3A_55 = arith.constant 0 : index
    %swap3A_56 = vector.load %arg11[%swap3A, %swap3A_54, %swap3A_55] : memref<1x512x640xf32, #tpu.memory_space<vmem>>, vector<1x512x640xf32>
    %swap3A_57 = vector.shape_cast %swap3A_56 : vector<1x512x640xf32> to vector<512x640xf32>
    %swap3A_58 = vector.shape_cast %concatenate3A : vector<512x640xf32> to vector<1x512x640xf32>
    tpu.vector_store %arg11[%swap3A, %swap3A_54, %swap3A_55], %swap3A_58 {strides = array<i32>} : memref<1x512x640xf32, #tpu.memory_space<vmem>>, vector<1x512x640xf32>,
    %reduce_max3A = arith.constant dense<0xFF800000> : vector<128xf32>
    %reduce_max3A_59 = vector.multi_reduction <maximumf>, %max3A_52, %reduce_max3A [0] : vector<512x128xf32> to vector<128xf32>
    %broadcast_in_dim3A_60 = vector.shape_cast %reduce_max3A_59 : vector<128xf32> to vector<1x128xf32>
    %eq3A = arith.constant 0 : i32
    %eq3A_61 = arith.cmpi eq, %arg1, %eq3A : i32
    %convert_element_type3A = arith.extui %eq3A_61 : i1 to i32
    %cond3A = arith.constant 0 : i32
    %cond3A_62 = arith.cmpi ne, %convert_element_type3A, %cond3A : i32
    scf.if %cond3A_62 {
      %swap3A_67 = arith.constant 0 : index
      %swap3A_68 = arith.constant 0 : index
      %swap3A_69 = arith.constant 0 : index
      %swap3A_70 = vector.load %arg12[%swap3A_67, %swap3A_68, %swap3A_69] : memref<1x1x128xf32, #tpu.memory_space<vmem>>, vector<1x1x128xf32>
      %swap3A_71 = vector.shape_cast %swap3A_70 : vector<1x1x128xf32> to vector<1x128xf32>
      %swap3A_72 = vector.shape_cast %broadcast_in_dim3A_60 : vector<1x128xf32> to vector<1x1x128xf32>
      tpu.vector_store %arg12[%swap3A_67, %swap3A_68, %swap3A_69], %swap3A_72 {strides = array<i32>} : memref<1x1x128xf32, #tpu.memory_space<vmem>>, vector<1x1x128xf32>,
    } else {
    }
    %gt3A = arith.constant 0 : i32
    %gt3A_63 = arith.cmpi sgt, %arg1, %gt3A : i32
    %convert_element_type3A_64 = arith.extui %gt3A_63 : i1 to i32
    %cond3A_65 = arith.constant 0 : i32
    %cond3A_66 = arith.cmpi ne, %convert_element_type3A_64, %cond3A_65 : i32
    scf.if %cond3A_66 {
      %get3A_67 = arith.constant 0 : index
      %get3A_68 = arith.constant 0 : index
      %get3A_69 = arith.constant 0 : index
      %get3A_70 = vector.load %arg12[%get3A_67, %get3A_68, %get3A_69] : memref<1x1x128xf32, #tpu.memory_space<vmem>>, vector<1x1x128xf32>
      %get3A_71 = vector.shape_cast %get3A_70 : vector<1x1x128xf32> to vector<1x128xf32>
      %max3A_72 = arith.maximumf %get3A_71, %broadcast_in_dim3A_60 : vector<1x128xf32>
      %swap3A_73 = arith.constant 0 : index
      %swap3A_74 = arith.constant 0 : index
      %swap3A_75 = arith.constant 0 : index
      %swap3A_76 = vector.load %arg12[%swap3A_73, %swap3A_74, %swap3A_75] : memref<1x1x128xf32, #tpu.memory_space<vmem>>, vector<1x1x128xf32>
      %swap3A_77 = vector.shape_cast %swap3A_76 : vector<1x1x128xf32> to vector<1x128xf32>
      %swap3A_78 = vector.shape_cast %max3A_72 : vector<1x128xf32> to vector<1x1x128xf32>
      tpu.vector_store %arg12[%swap3A_73, %swap3A_74, %swap3A_75], %swap3A_78 {strides = array<i32>} : memref<1x1x128xf32, #tpu.memory_space<vmem>>, vector<1x1x128xf32>,
    } else {
    }
    return
  }
  func.func @transform_0(%arg0: i32, %arg1: i32) -> (i32, i32, i32) {
    %c0_i32 = arith.constant 0 : i32
    %c0_i32_0 = arith.constant 0 : i32
    return %arg0, %arg1, %c0_i32 : i32, i32, i32
  }
  func.func @transform_1(%arg0: i32, %arg1: i32) -> (i32, i32) {
    %c0_i32 = arith.constant 0 : i32
    %c0_i32_0 = arith.constant 0 : i32
    %c0_i32_1 = arith.constant 0 : i32
    return %c0_i32, %c0_i32_0 : i32, i32
  }
  func.func @transform_2(%arg0: i32, %arg1: i32) -> (i32, i32) {
    %c0_i32 = arith.constant 0 : i32
    %c0_i32_0 = arith.constant 0 : i32
    %c0_i32_1 = arith.constant 0 : i32
    return %c0_i32, %c0_i32_0 : i32, i32
  }
  func.func @transform_3(%arg0: i32, %arg1: i32) -> (i32, i32) {
    %c0_i32 = arith.constant 0 : i32
    %c0_i32_0 = arith.constant 0 : i32
    %c0_i32_1 = arith.constant 0 : i32
    return %c0_i32, %c0_i32_0 : i32, i32
  }
  func.func @transform_4(%arg0: i32, %arg1: i32) -> (i32, i32) {
    %c0_i32 = arith.constant 0 : i32
    %c0_i32_0 = arith.constant 0 : i32
    %c0_i32_1 = arith.constant 0 : i32
    return %c0_i32, %c0_i32_0 : i32, i32
  }
  func.func @transform_5(%arg0: i32, %arg1: i32) -> (i32, i32) {
    %c0_i32 = arith.constant 0 : i32
    %c0_i32_0 = arith.constant 0 : i32
    %c0_i32_1 = arith.constant 0 : i32
    return %c0_i32, %c0_i32_0 : i32, i32
  }
  func.func @transform_6(%arg0: i32, %arg1: i32) -> (i32, i32) {
    %c0_i32 = arith.constant 0 : i32
    %c0_i32_0 = arith.constant 0 : i32
    %c0_i32_1 = arith.constant 0 : i32
    return %c0_i32, %c0_i32_0 : i32, i32
  }
  func.func @transform_7(%arg0: i32, %arg1: i32) -> (i32, i32) {
    %c0_i32 = arith.constant 0 : i32
    %c0_i32_0 = arith.constant 0 : i32
    %c0_i32_1 = arith.constant 0 : i32
    return %c0_i32, %c0_i32_0 : i32, i32
  }
  func.func @transform_8(%arg0: i32, %arg1: i32) -> (i32, i32) {
    %c0_i32 = arith.constant 0 : i32
    %c0_i32_0 = arith.constant 0 : i32
    %c0_i32_1 = arith.constant 0 : i32
    return %c0_i32, %c0_i32_0 : i32, i32
  }
  func.func @transform_9(%arg0: i32, %arg1: i32) -> (i32, i32, i32) {
    %c0_i32 = arith.constant 0 : i32
    %c0_i32_0 = arith.constant 0 : i32
    return %arg0, %arg1, %c0_i32 : i32, i32, i32
  }
  func.func @transform_10(%arg0: i32, %arg1: i32) -> (i32, i32, i32) {
    %c0_i32 = arith.constant 0 : i32
    %c0_i32_0 = arith.constant 0 : i32
    %c0_i32_1 = arith.constant 0 : i32
    return %arg0, %c0_i32, %c0_i32_0 : i32, i32, i32
  }
}

module attributes {stable_mosaic.version = 14 : i64} {
  func.func @_knn_body(%arg0: i32, %arg1: memref<1x256x3xf32, #tpu.memory_space<vmem>>, %arg2: memref<1x3x4096xf32, #tpu.memory_space<vmem>>, %arg3: memref<1x3x256x1xi32, #tpu.memory_space<vmem>>) attributes {dimension_semantics = [#tpu.dimension_semantics<arbitrary>], iteration_bounds = array<i64: 16>, scalar_prefetch = 0 : i64, scratch_operands = 0 : i64, tpu.core_type = #tpu.core_type<tc>, window_params = [{transform_indices = @transform_0, window_bounds = array<i64: 1, 256, 3>}, {transform_indices = @transform_1, window_bounds = array<i64: 1, 3, 4096>}, {transform_indices = @transform_2, window_bounds = array<i64: 1, 3, 256, 1>}]} {
    %get3A = arith.constant 0 : index
    %get3A_0 = arith.constant 0 : index
    %get3A_1 = arith.constant 0 : index
    %get3A_2 = vector.load %arg1[%get3A, %get3A_0, %get3A_1] : memref<1x256x3xf32, #tpu.memory_space<vmem>>, vector<1x256x3xf32>
    %get3A_3 = vector.shape_cast %get3A_2 : vector<1x256x3xf32> to vector<256x3xf32>
    %get3A_4 = arith.constant 0 : index
    %get3A_5 = arith.constant 0 : index
    %get3A_6 = arith.constant 0 : index
    %get3A_7 = vector.load %arg2[%get3A_4, %get3A_5, %get3A_6] : memref<1x3x4096xf32, #tpu.memory_space<vmem>>, vector<1x3x4096xf32>
    %get3A_8 = vector.shape_cast %get3A_7 : vector<1x3x4096xf32> to vector<3x4096xf32>
    %mul3A = arith.mulf %get3A_8, %get3A_8 : vector<3x4096xf32>
    %reduce_sum3A = arith.constant dense<0.000000e+00> : vector<4096xf32>
    %reduce_sum3A_9 = vector.multi_reduction <add>, %mul3A, %reduce_sum3A [0] : vector<3x4096xf32> to vector<4096xf32>
    %broadcast_in_dim3A = vector.shape_cast %reduce_sum3A_9 : vector<4096xf32> to vector<1x4096xf32>
    %mul3A_10 = arith.mulf %get3A_3, %get3A_3 : vector<256x3xf32>
    %reduce_sum3A_11 = arith.constant dense<0.000000e+00> : vector<256xf32>
    %reduce_sum3A_12 = vector.multi_reduction <add>, %mul3A_10, %reduce_sum3A_11 [1] : vector<256x3xf32> to vector<256xf32>
    %broadcast_in_dim3A_13 = vector.shape_cast %reduce_sum3A_12 : vector<256xf32> to vector<256x1xf32>
    %mul3A_14 = arith.constant -2.000000e+00 : f32
    %mul3A_15 = vector.broadcast %mul3A_14 : f32 to vector<3x4096xf32>
    %mul3A_16 = arith.mulf %mul3A_15, %get3A_8 : vector<3x4096xf32>
    %dot_general3A = arith.constant dense<0.000000e+00> : vector<256x4096xf32>
    %dot_general3A_17 = tpu.matmul %get3A_3, %mul3A_16, %dot_general3A {dimension_numbers = #tpu.dot_dimension_numbers<[1], [0], [0], [1], [0, 0, 1, 1], [], []>, transpose_lhs_hint = false} : vector<256x3xf32>, vector<3x4096xf32>, vector<256x4096xf32> -> vector<256x4096xf32>
    %add3A = vector.broadcast %broadcast_in_dim3A_13 : vector<256x1xf32> to vector<256x4096xf32>
    %add3A_18 = vector.broadcast %broadcast_in_dim3A : vector<1x4096xf32> to vector<256x4096xf32>
    %add3A_19 = arith.addf %add3A, %add3A_18 : vector<256x4096xf32>
    %add3A_20 = arith.addf %add3A_19, %dot_general3A_17 : vector<256x4096xf32>
    %max3A = arith.constant 0.000000e+00 : f32
    %max3A_21 = vector.broadcast %max3A : f32 to vector<256x4096xf32>
    %max3A_22 = arith.maximumf %add3A_20, %max3A_21 : vector<256x4096xf32>
    %iota3A = tpu.iota {dimensions = array<i32: 1>} : vector<256x4096xi32>
    %reduce_min3A = arith.constant dense<0x7F800000> : vector<256xf32>
    %reduce_min3A_23 = vector.multi_reduction <minimumf>, %max3A_22, %reduce_min3A [1] : vector<256x4096xf32> to vector<256xf32>
    %broadcast_in_dim3A_24 = vector.shape_cast %reduce_min3A_23 : vector<256xf32> to vector<256x1xf32>
    %eq3A = vector.broadcast %broadcast_in_dim3A_24 : vector<256x1xf32> to vector<256x4096xf32>
    %eq3A_25 = arith.cmpf oeq, %max3A_22, %eq3A : vector<256x4096xf32>
    %jit3A = arith.constant 4096 : i32
    %broadcast_in_dim3A_26 = vector.broadcast %jit3A : i32 to vector<256x4096xi32>
    %select_n3A = arith.select %eq3A_25, %iota3A, %broadcast_in_dim3A_26 : vector<256x4096xi1>, vector<256x4096xi32>
    %reduce_min3A_27 = arith.constant dense<2147483647> : vector<256xi32>
    %reduce_min3A_28 = vector.multi_reduction <minsi>, %select_n3A, %reduce_min3A_27 [1] : vector<256x4096xi32> to vector<256xi32>
    %broadcast_in_dim3A_29 = vector.shape_cast %reduce_min3A_28 : vector<256xi32> to vector<256x1xi32>
    %add3A_30 = arith.constant 0 : i32
    %add3A_31 = vector.broadcast %add3A_30 : i32 to vector<256x1xi32>
    %add3A_32 = arith.addi %broadcast_in_dim3A_29, %add3A_31 : vector<256x1xi32>
    %swap3A = arith.constant 0 : index
    %swap3A_33 = arith.constant 0 : index
    %swap3A_34 = arith.constant 0 : index
    %swap3A_35 = arith.constant 0 : index
    %swap3A_36 = vector.load %arg3[%swap3A, %swap3A_33, %swap3A_34, %swap3A_35] : memref<1x3x256x1xi32, #tpu.memory_space<vmem>>, vector<1x1x256x1xi32>
    %swap3A_37 = vector.shape_cast %swap3A_36 : vector<1x1x256x1xi32> to vector<256x1xi32>
    %swap3A_38 = vector.shape_cast %add3A_32 : vector<256x1xi32> to vector<1x1x256x1xi32>
    tpu.vector_store %arg3[%swap3A, %swap3A_33, %swap3A_34, %swap3A_35], %swap3A_38 {strides = array<i32>} : memref<1x3x256x1xi32, #tpu.memory_space<vmem>>, vector<1x1x256x1xi32>,
    %eq3A_39 = vector.broadcast %broadcast_in_dim3A_29 : vector<256x1xi32> to vector<256x4096xi32>
    %eq3A_40 = arith.cmpi eq, %iota3A, %eq3A_39 : vector<256x4096xi32>
    %jit3A_41 = arith.constant 1.000000e+30 : f32
    %broadcast_in_dim3A_42 = vector.broadcast %jit3A_41 : f32 to vector<256x4096xf32>
    %select_n3A_43 = arith.select %eq3A_40, %broadcast_in_dim3A_42, %max3A_22 : vector<256x4096xi1>, vector<256x4096xf32>
    %reduce_min3A_44 = arith.constant dense<0x7F800000> : vector<256xf32>
    %reduce_min3A_45 = vector.multi_reduction <minimumf>, %select_n3A_43, %reduce_min3A_44 [1] : vector<256x4096xf32> to vector<256xf32>
    %broadcast_in_dim3A_46 = vector.shape_cast %reduce_min3A_45 : vector<256xf32> to vector<256x1xf32>
    %eq3A_47 = vector.broadcast %broadcast_in_dim3A_46 : vector<256x1xf32> to vector<256x4096xf32>
    %eq3A_48 = arith.cmpf oeq, %select_n3A_43, %eq3A_47 : vector<256x4096xf32>
    %jit3A_49 = arith.constant 4096 : i32
    %broadcast_in_dim3A_50 = vector.broadcast %jit3A_49 : i32 to vector<256x4096xi32>
    %select_n3A_51 = arith.select %eq3A_48, %iota3A, %broadcast_in_dim3A_50 : vector<256x4096xi1>, vector<256x4096xi32>
    %reduce_min3A_52 = arith.constant dense<2147483647> : vector<256xi32>
    %reduce_min3A_53 = vector.multi_reduction <minsi>, %select_n3A_51, %reduce_min3A_52 [1] : vector<256x4096xi32> to vector<256xi32>
    %broadcast_in_dim3A_54 = vector.shape_cast %reduce_min3A_53 : vector<256xi32> to vector<256x1xi32>
    %add3A_55 = arith.constant 0 : i32
    %add3A_56 = vector.broadcast %add3A_55 : i32 to vector<256x1xi32>
    %add3A_57 = arith.addi %broadcast_in_dim3A_54, %add3A_56 : vector<256x1xi32>
    %swap3A_58 = arith.constant 0 : index
    %swap3A_59 = arith.constant 1 : index
    %swap3A_60 = arith.constant 0 : index
    %swap3A_61 = arith.constant 0 : index
    %swap3A_62 = vector.load %arg3[%swap3A_58, %swap3A_59, %swap3A_60, %swap3A_61] : memref<1x3x256x1xi32, #tpu.memory_space<vmem>>, vector<1x1x256x1xi32>
    %swap3A_63 = vector.shape_cast %swap3A_62 : vector<1x1x256x1xi32> to vector<256x1xi32>
    %swap3A_64 = vector.shape_cast %add3A_57 : vector<256x1xi32> to vector<1x1x256x1xi32>
    tpu.vector_store %arg3[%swap3A_58, %swap3A_59, %swap3A_60, %swap3A_61], %swap3A_64 {strides = array<i32>} : memref<1x3x256x1xi32, #tpu.memory_space<vmem>>, vector<1x1x256x1xi32>,
    %eq3A_65 = vector.broadcast %broadcast_in_dim3A_54 : vector<256x1xi32> to vector<256x4096xi32>
    %eq3A_66 = arith.cmpi eq, %iota3A, %eq3A_65 : vector<256x4096xi32>
    %jit3A_67 = arith.constant 1.000000e+30 : f32
    %broadcast_in_dim3A_68 = vector.broadcast %jit3A_67 : f32 to vector<256x4096xf32>
    %select_n3A_69 = arith.select %eq3A_66, %broadcast_in_dim3A_68, %select_n3A_43 : vector<256x4096xi1>, vector<256x4096xf32>
    %reduce_min3A_70 = arith.constant dense<0x7F800000> : vector<256xf32>
    %reduce_min3A_71 = vector.multi_reduction <minimumf>, %select_n3A_69, %reduce_min3A_70 [1] : vector<256x4096xf32> to vector<256xf32>
    %broadcast_in_dim3A_72 = vector.shape_cast %reduce_min3A_71 : vector<256xf32> to vector<256x1xf32>
    %eq3A_73 = vector.broadcast %broadcast_in_dim3A_72 : vector<256x1xf32> to vector<256x4096xf32>
    %eq3A_74 = arith.cmpf oeq, %select_n3A_69, %eq3A_73 : vector<256x4096xf32>
    %jit3A_75 = arith.constant 4096 : i32
    %broadcast_in_dim3A_76 = vector.broadcast %jit3A_75 : i32 to vector<256x4096xi32>
    %select_n3A_77 = arith.select %eq3A_74, %iota3A, %broadcast_in_dim3A_76 : vector<256x4096xi1>, vector<256x4096xi32>
    %reduce_min3A_78 = arith.constant dense<2147483647> : vector<256xi32>
    %reduce_min3A_79 = vector.multi_reduction <minsi>, %select_n3A_77, %reduce_min3A_78 [1] : vector<256x4096xi32> to vector<256xi32>
    %broadcast_in_dim3A_80 = vector.shape_cast %reduce_min3A_79 : vector<256xi32> to vector<256x1xi32>
    %add3A_81 = arith.constant 0 : i32
    %add3A_82 = vector.broadcast %add3A_81 : i32 to vector<256x1xi32>
    %add3A_83 = arith.addi %broadcast_in_dim3A_80, %add3A_82 : vector<256x1xi32>
    %swap3A_84 = arith.constant 0 : index
    %swap3A_85 = arith.constant 2 : index
    %swap3A_86 = arith.constant 0 : index
    %swap3A_87 = arith.constant 0 : index
    %swap3A_88 = vector.load %arg3[%swap3A_84, %swap3A_85, %swap3A_86, %swap3A_87] : memref<1x3x256x1xi32, #tpu.memory_space<vmem>>, vector<1x1x256x1xi32>
    %swap3A_89 = vector.shape_cast %swap3A_88 : vector<1x1x256x1xi32> to vector<256x1xi32>
    %swap3A_90 = vector.shape_cast %add3A_83 : vector<256x1xi32> to vector<1x1x256x1xi32>
    tpu.vector_store %arg3[%swap3A_84, %swap3A_85, %swap3A_86, %swap3A_87], %swap3A_90 {strides = array<i32>} : memref<1x3x256x1xi32, #tpu.memory_space<vmem>>, vector<1x1x256x1xi32>,
    return
  }
  func.func @transform_0(%arg0: i32) -> (i32, i32, i32) {
    %c0_i32 = arith.constant 0 : i32
    %c0_i32_0 = arith.constant 0 : i32
    %c0_i32_1 = arith.constant 0 : i32
    return %c0_i32, %arg0, %c0_i32_0 : i32, i32, i32
  }
  func.func @transform_1(%arg0: i32) -> (i32, i32, i32) {
    %c0_i32 = arith.constant 0 : i32
    %c0_i32_0 = arith.constant 0 : i32
    %c0_i32_1 = arith.constant 0 : i32
    %c0_i32_2 = arith.constant 0 : i32
    return %c0_i32, %c0_i32_0, %c0_i32_1 : i32, i32, i32
  }
  func.func @transform_2(%arg0: i32) -> (i32, i32, i32, i32) {
    %c0_i32 = arith.constant 0 : i32
    %c0_i32_0 = arith.constant 0 : i32
    %c0_i32_1 = arith.constant 0 : i32
    %c0_i32_2 = arith.constant 0 : i32
    return %c0_i32, %c0_i32_0, %arg0, %c0_i32_1 : i32, i32, i32, i32
  }
}

module attributes {stable_mosaic.version = 14 : i64} {
  func.func @_reg_body(%arg0: i32, %arg1: memref<1x256x3xf32, #tpu.memory_space<vmem>>, %arg2: memref<3x256x640xf32, #tpu.memory_space<vmem>>, %arg3: memref<1x1x128xf32, #tpu.memory_space<vmem>>, %arg4: memref<643x256xf32, #tpu.memory_space<vmem>>, %arg5: memref<1x256xf32, #tpu.memory_space<vmem>>, %arg6: memref<256x64xf32, #tpu.memory_space<vmem>>, %arg7: memref<1x64xf32, #tpu.memory_space<vmem>>, %arg8: memref<64x1xf32, #tpu.memory_space<vmem>>, %arg9: memref<1x1xf32, #tpu.memory_space<vmem>>, %arg10: memref<1x256x1xf32, #tpu.memory_space<vmem>>) attributes {dimension_semantics = [#tpu.dimension_semantics<arbitrary>], iteration_bounds = array<i64: 16>, scalar_prefetch = 0 : i64, scratch_operands = 0 : i64, tpu.core_type = #tpu.core_type<tc>, window_params = [{transform_indices = @transform_0, window_bounds = array<i64: 1, 256, 3>}, {transform_indices = @transform_1, window_bounds = array<i64: 3, 256, 640>}, {transform_indices = @transform_2, window_bounds = array<i64: 1, 1, 128>}, {pipeline_mode = #tpu.pipeline_mode<synchronous>, transform_indices = @transform_3, window_bounds = array<i64: 643, 256>}, {pipeline_mode = #tpu.pipeline_mode<synchronous>, transform_indices = @transform_4, window_bounds = array<i64: 1, 256>}, {pipeline_mode = #tpu.pipeline_mode<synchronous>, transform_indices = @transform_5, window_bounds = array<i64: 256, 64>}, {pipeline_mode = #tpu.pipeline_mode<synchronous>, transform_indices = @transform_6, window_bounds = array<i64: 1, 64>}, {pipeline_mode = #tpu.pipeline_mode<synchronous>, transform_indices = @transform_7, window_bounds = array<i64: 64, 1>}, {pipeline_mode = #tpu.pipeline_mode<synchronous>, transform_indices = @transform_8, window_bounds = array<i64: 1, 1>}, {transform_indices = @transform_9, window_bounds = array<i64: 1, 256, 1>}]} {
    %get3A = arith.constant 0 : index
    %get3A_0 = arith.constant 0 : index
    %get3A_1 = arith.constant 0 : index
    %get3A_2 = vector.load %arg1[%get3A, %get3A_0, %get3A_1] : memref<1x256x3xf32, #tpu.memory_space<vmem>>, vector<1x256x3xf32>
    %get3A_3 = vector.shape_cast %get3A_2 : vector<1x256x3xf32> to vector<256x3xf32>
    %slice3A = vector.extract_strided_slice %get3A_3 {offsets = [0, 0], sizes = [256, 1], strides = [1, 1]} : vector<256x3xf32> to vector<256x1xf32>
    %slice3A_4 = vector.extract_strided_slice %get3A_3 {offsets = [0, 1], sizes = [256, 1], strides = [1, 1]} : vector<256x3xf32> to vector<256x1xf32>
    %slice3A_5 = vector.extract_strided_slice %get3A_3 {offsets = [0, 2], sizes = [256, 1], strides = [1, 1]} : vector<256x3xf32> to vector<256x1xf32>
    %get3A_6 = arith.constant 0 : index
    %get3A_7 = arith.constant 0 : index
    %get3A_8 = arith.constant 0 : index
    %get3A_9 = vector.load %arg2[%get3A_6, %get3A_7, %get3A_8] : memref<3x256x640xf32, #tpu.memory_space<vmem>>, vector<1x256x640xf32>
    %get3A_10 = vector.shape_cast %get3A_9 : vector<1x256x640xf32> to vector<256x640xf32>
    %slice3A_11 = vector.extract_strided_slice %get3A_10 {offsets = [0, 512], sizes = [256, 1], strides = [1, 1]} : vector<256x640xf32> to vector<256x1xf32>
    %sub3A = arith.subf %slice3A_11, %slice3A : vector<256x1xf32>
    %get3A_12 = arith.constant 0 : index
    %get3A_13 = arith.constant 0 : index
    %get3A_14 = arith.constant 0 : index
    %get3A_15 = vector.load %arg2[%get3A_12, %get3A_13, %get3A_14] : memref<3x256x640xf32, #tpu.memory_space<vmem>>, vector<1x256x640xf32>
    %get3A_16 = vector.shape_cast %get3A_15 : vector<1x256x640xf32> to vector<256x640xf32>
    %slice3A_17 = vector.extract_strided_slice %get3A_16 {offsets = [0, 513], sizes = [256, 1], strides = [1, 1]} : vector<256x640xf32> to vector<256x1xf32>
    %sub3A_18 = arith.subf %slice3A_17, %slice3A_4 : vector<256x1xf32>
    %get3A_19 = arith.constant 0 : index
    %get3A_20 = arith.constant 0 : index
    %get3A_21 = arith.constant 0 : index
    %get3A_22 = vector.load %arg2[%get3A_19, %get3A_20, %get3A_21] : memref<3x256x640xf32, #tpu.memory_space<vmem>>, vector<1x256x640xf32>
    %get3A_23 = vector.shape_cast %get3A_22 : vector<1x256x640xf32> to vector<256x640xf32>
    %slice3A_24 = vector.extract_strided_slice %get3A_23 {offsets = [0, 514], sizes = [256, 1], strides = [1, 1]} : vector<256x640xf32> to vector<256x1xf32>
    %sub3A_25 = arith.subf %slice3A_24, %slice3A_5 : vector<256x1xf32>
    %mul3A = arith.mulf %sub3A, %sub3A : vector<256x1xf32>
    %mul3A_26 = arith.mulf %sub3A_18, %sub3A_18 : vector<256x1xf32>
    %add3A = arith.addf %mul3A, %mul3A_26 : vector<256x1xf32>
    %mul3A_27 = arith.mulf %sub3A_25, %sub3A_25 : vector<256x1xf32>
    %add3A_28 = arith.addf %add3A, %mul3A_27 : vector<256x1xf32>
    %add3A_29 = arith.constant 9.99999996E-13 : f32
    %add3A_30 = vector.broadcast %add3A_29 : f32 to vector<256x1xf32>
    %add3A_31 = arith.addf %add3A_28, %add3A_30 : vector<256x1xf32>
    %sqrt3A = math.sqrt %add3A_31 : vector<256x1xf32>
    %add3A_32 = arith.constant 9.99999993E-9 : f32
    %add3A_33 = vector.broadcast %add3A_32 : f32 to vector<256x1xf32>
    %add3A_34 = arith.addf %sqrt3A, %add3A_33 : vector<256x1xf32>
    %div3A = arith.constant 1.000000e+00 : f32
    %div3A_35 = vector.broadcast %div3A : f32 to vector<256x1xf32>
    %div3A_36 = arith.divf %div3A_35, %add3A_34 : vector<256x1xf32>
    %get3A_37 = arith.constant 1 : index
    %get3A_38 = arith.constant 0 : index
    %get3A_39 = arith.constant 0 : index
    %get3A_40 = vector.load %arg2[%get3A_37, %get3A_38, %get3A_39] : memref<3x256x640xf32, #tpu.memory_space<vmem>>, vector<1x256x640xf32>
    %get3A_41 = vector.shape_cast %get3A_40 : vector<1x256x640xf32> to vector<256x640xf32>
    %slice3A_42 = vector.extract_strided_slice %get3A_41 {offsets = [0, 512], sizes = [256, 1], strides = [1, 1]} : vector<256x640xf32> to vector<256x1xf32>
    %sub3A_43 = arith.subf %slice3A_42, %slice3A : vector<256x1xf32>
    %get3A_44 = arith.constant 1 : index
    %get3A_45 = arith.constant 0 : index
    %get3A_46 = arith.constant 0 : index
    %get3A_47 = vector.load %arg2[%get3A_44, %get3A_45, %get3A_46] : memref<3x256x640xf32, #tpu.memory_space<vmem>>, vector<1x256x640xf32>
    %get3A_48 = vector.shape_cast %get3A_47 : vector<1x256x640xf32> to vector<256x640xf32>
    %slice3A_49 = vector.extract_strided_slice %get3A_48 {offsets = [0, 513], sizes = [256, 1], strides = [1, 1]} : vector<256x640xf32> to vector<256x1xf32>
    %sub3A_50 = arith.subf %slice3A_49, %slice3A_4 : vector<256x1xf32>
    %get3A_51 = arith.constant 1 : index
    %get3A_52 = arith.constant 0 : index
    %get3A_53 = arith.constant 0 : index
    %get3A_54 = vector.load %arg2[%get3A_51, %get3A_52, %get3A_53] : memref<3x256x640xf32, #tpu.memory_space<vmem>>, vector<1x256x640xf32>
    %get3A_55 = vector.shape_cast %get3A_54 : vector<1x256x640xf32> to vector<256x640xf32>
    %slice3A_56 = vector.extract_strided_slice %get3A_55 {offsets = [0, 514], sizes = [256, 1], strides = [1, 1]} : vector<256x640xf32> to vector<256x1xf32>
    %sub3A_57 = arith.subf %slice3A_56, %slice3A_5 : vector<256x1xf32>
    %mul3A_58 = arith.mulf %sub3A_43, %sub3A_43 : vector<256x1xf32>
    %mul3A_59 = arith.mulf %sub3A_50, %sub3A_50 : vector<256x1xf32>
    %add3A_60 = arith.addf %mul3A_58, %mul3A_59 : vector<256x1xf32>
    %mul3A_61 = arith.mulf %sub3A_57, %sub3A_57 : vector<256x1xf32>
    %add3A_62 = arith.addf %add3A_60, %mul3A_61 : vector<256x1xf32>
    %add3A_63 = arith.constant 9.99999996E-13 : f32
    %add3A_64 = vector.broadcast %add3A_63 : f32 to vector<256x1xf32>
    %add3A_65 = arith.addf %add3A_62, %add3A_64 : vector<256x1xf32>
    %sqrt3A_66 = math.sqrt %add3A_65 : vector<256x1xf32>
    %add3A_67 = arith.constant 9.99999993E-9 : f32
    %add3A_68 = vector.broadcast %add3A_67 : f32 to vector<256x1xf32>
    %add3A_69 = arith.addf %sqrt3A_66, %add3A_68 : vector<256x1xf32>
    %div3A_70 = arith.constant 1.000000e+00 : f32
    %div3A_71 = vector.broadcast %div3A_70 : f32 to vector<256x1xf32>
    %div3A_72 = arith.divf %div3A_71, %add3A_69 : vector<256x1xf32>
    %get3A_73 = arith.constant 2 : index
    %get3A_74 = arith.constant 0 : index
    %get3A_75 = arith.constant 0 : index
    %get3A_76 = vector.load %arg2[%get3A_73, %get3A_74, %get3A_75] : memref<3x256x640xf32, #tpu.memory_space<vmem>>, vector<1x256x640xf32>
    %get3A_77 = vector.shape_cast %get3A_76 : vector<1x256x640xf32> to vector<256x640xf32>
    %slice3A_78 = vector.extract_strided_slice %get3A_77 {offsets = [0, 512], sizes = [256, 1], strides = [1, 1]} : vector<256x640xf32> to vector<256x1xf32>
    %sub3A_79 = arith.subf %slice3A_78, %slice3A : vector<256x1xf32>
    %get3A_80 = arith.constant 2 : index
    %get3A_81 = arith.constant 0 : index
    %get3A_82 = arith.constant 0 : index
    %get3A_83 = vector.load %arg2[%get3A_80, %get3A_81, %get3A_82] : memref<3x256x640xf32, #tpu.memory_space<vmem>>, vector<1x256x640xf32>
    %get3A_84 = vector.shape_cast %get3A_83 : vector<1x256x640xf32> to vector<256x640xf32>
    %slice3A_85 = vector.extract_strided_slice %get3A_84 {offsets = [0, 513], sizes = [256, 1], strides = [1, 1]} : vector<256x640xf32> to vector<256x1xf32>
    %sub3A_86 = arith.subf %slice3A_85, %slice3A_4 : vector<256x1xf32>
    %get3A_87 = arith.constant 2 : index
    %get3A_88 = arith.constant 0 : index
    %get3A_89 = arith.constant 0 : index
    %get3A_90 = vector.load %arg2[%get3A_87, %get3A_88, %get3A_89] : memref<3x256x640xf32, #tpu.memory_space<vmem>>, vector<1x256x640xf32>
    %get3A_91 = vector.shape_cast %get3A_90 : vector<1x256x640xf32> to vector<256x640xf32>
    %slice3A_92 = vector.extract_strided_slice %get3A_91 {offsets = [0, 514], sizes = [256, 1], strides = [1, 1]} : vector<256x640xf32> to vector<256x1xf32>
    %sub3A_93 = arith.subf %slice3A_92, %slice3A_5 : vector<256x1xf32>
    %mul3A_94 = arith.mulf %sub3A_79, %sub3A_79 : vector<256x1xf32>
    %mul3A_95 = arith.mulf %sub3A_86, %sub3A_86 : vector<256x1xf32>
    %add3A_96 = arith.addf %mul3A_94, %mul3A_95 : vector<256x1xf32>
    %mul3A_97 = arith.mulf %sub3A_93, %sub3A_93 : vector<256x1xf32>
    %add3A_98 = arith.addf %add3A_96, %mul3A_97 : vector<256x1xf32>
    %add3A_99 = arith.constant 9.99999996E-13 : f32
    %add3A_100 = vector.broadcast %add3A_99 : f32 to vector<256x1xf32>
    %add3A_101 = arith.addf %add3A_98, %add3A_100 : vector<256x1xf32>
    %sqrt3A_102 = math.sqrt %add3A_101 : vector<256x1xf32>
    %add3A_103 = arith.constant 9.99999993E-9 : f32
    %add3A_104 = vector.broadcast %add3A_103 : f32 to vector<256x1xf32>
    %add3A_105 = arith.addf %sqrt3A_102, %add3A_104 : vector<256x1xf32>
    %div3A_106 = arith.constant 1.000000e+00 : f32
    %div3A_107 = vector.broadcast %div3A_106 : f32 to vector<256x1xf32>
    %div3A_108 = arith.divf %div3A_107, %add3A_105 : vector<256x1xf32>
    %add3A_109 = arith.addf %div3A_36, %div3A_72 : vector<256x1xf32>
    %add3A_110 = arith.addf %add3A_109, %div3A_108 : vector<256x1xf32>
    %div3A_111 = arith.divf %div3A_36, %add3A_110 : vector<256x1xf32>
    %get3A_112 = arith.constant 0 : index
    %get3A_113 = arith.constant 0 : index
    %get3A_114 = arith.constant 0 : index
    %get3A_115 = vector.load %arg2[%get3A_112, %get3A_113, %get3A_114] : memref<3x256x640xf32, #tpu.memory_space<vmem>>, vector<1x256x640xf32>
    %get3A_116 = vector.shape_cast %get3A_115 : vector<1x256x640xf32> to vector<256x640xf32>
    %slice3A_117 = vector.extract_strided_slice %get3A_116 {offsets = [0, 0], sizes = [256, 512], strides = [1, 1]} : vector<256x640xf32> to vector<256x512xf32>
    %mul3A_118 = vector.broadcast %div3A_111 : vector<256x1xf32> to vector<256x512xf32>
    %mul3A_119 = arith.mulf %mul3A_118, %slice3A_117 : vector<256x512xf32>
    %div3A_120 = arith.divf %div3A_72, %add3A_110 : vector<256x1xf32>
    %get3A_121 = arith.constant 1 : index
    %get3A_122 = arith.constant 0 : index
    %get3A_123 = arith.constant 0 : index
    %get3A_124 = vector.load %arg2[%get3A_121, %get3A_122, %get3A_123] : memref<3x256x640xf32, #tpu.memory_space<vmem>>, vector<1x256x640xf32>
    %get3A_125 = vector.shape_cast %get3A_124 : vector<1x256x640xf32> to vector<256x640xf32>
    %slice3A_126 = vector.extract_strided_slice %get3A_125 {offsets = [0, 0], sizes = [256, 512], strides = [1, 1]} : vector<256x640xf32> to vector<256x512xf32>
    %mul3A_127 = vector.broadcast %div3A_120 : vector<256x1xf32> to vector<256x512xf32>
    %mul3A_128 = arith.mulf %mul3A_127, %slice3A_126 : vector<256x512xf32>
    %add3A_129 = arith.addf %mul3A_119, %mul3A_128 : vector<256x512xf32>
    %div3A_130 = arith.divf %div3A_108, %add3A_110 : vector<256x1xf32>
    %get3A_131 = arith.constant 2 : index
    %get3A_132 = arith.constant 0 : index
    %get3A_133 = arith.constant 0 : index
    %get3A_134 = vector.load %arg2[%get3A_131, %get3A_132, %get3A_133] : memref<3x256x640xf32, #tpu.memory_space<vmem>>, vector<1x256x640xf32>
    %get3A_135 = vector.shape_cast %get3A_134 : vector<1x256x640xf32> to vector<256x640xf32>
    %slice3A_136 = vector.extract_strided_slice %get3A_135 {offsets = [0, 0], sizes = [256, 512], strides = [1, 1]} : vector<256x640xf32> to vector<256x512xf32>
    %mul3A_137 = vector.broadcast %div3A_130 : vector<256x1xf32> to vector<256x512xf32>
    %mul3A_138 = arith.mulf %mul3A_137, %slice3A_136 : vector<256x512xf32>
    %add3A_139 = arith.addf %add3A_129, %mul3A_138 : vector<256x512xf32>
    %get3A_140 = arith.constant 0 : index
    %get3A_141 = arith.constant 0 : index
    %get3A_142 = arith.constant 0 : index
    %get3A_143 = vector.load %arg3[%get3A_140, %get3A_141, %get3A_142] : memref<1x1x128xf32, #tpu.memory_space<vmem>>, vector<1x1x128xf32>
    %get3A_144 = vector.shape_cast %get3A_143 : vector<1x1x128xf32> to vector<1x128xf32>
    %broadcast_in_dim3A = vector.shape_cast %get3A_144 : vector<1x128xf32> to vector<1x128xf32>
    %broadcast_in_dim3A_145 = vector.broadcast %broadcast_in_dim3A : vector<1x128xf32> to vector<256x128xf32>
    %concatenate3A = tpu.concatenate %get3A_3, %add3A_139, %broadcast_in_dim3A_145 in 1 : vector<256x3xf32>, vector<256x512xf32>, vector<256x128xf32> -> vector<256x643xf32>
    %get3A_146 = arith.constant 0 : index
    %get3A_147 = arith.constant 0 : index
    %get3A_148 = vector.load %arg4[%get3A_146, %get3A_147] : memref<643x256xf32, #tpu.memory_space<vmem>>, vector<643x256xf32>
    %dot_general3A = arith.constant dense<0.000000e+00> : vector<256x256xf32>
    %dot_general3A_149 = tpu.matmul %concatenate3A, %get3A_148, %dot_general3A {dimension_numbers = #tpu.dot_dimension_numbers<[1], [0], [0], [1], [0, 0, 1, 1], [], []>, transpose_lhs_hint = false} : vector<256x643xf32>, vector<643x256xf32>, vector<256x256xf32> -> vector<256x256xf32>
    %get3A_150 = arith.constant 0 : index
    %get3A_151 = arith.constant 0 : index
    %get3A_152 = vector.load %arg5[%get3A_150, %get3A_151] : memref<1x256xf32, #tpu.memory_space<vmem>>, vector<1x256xf32>
    %add3A_153 = vector.broadcast %get3A_152 : vector<1x256xf32> to vector<256x256xf32>
    %add3A_154 = arith.addf %dot_general3A_149, %add3A_153 : vector<256x256xf32>
    %max3A = arith.constant 0.000000e+00 : f32
    %max3A_155 = vector.broadcast %max3A : f32 to vector<256x256xf32>
    %max3A_156 = arith.maximumf %add3A_154, %max3A_155 : vector<256x256xf32>
    %get3A_157 = arith.constant 0 : index
    %get3A_158 = arith.constant 0 : index
    %get3A_159 = vector.load %arg6[%get3A_157, %get3A_158] : memref<256x64xf32, #tpu.memory_space<vmem>>, vector<256x64xf32>
    %dot_general3A_160 = arith.constant dense<0.000000e+00> : vector<256x64xf32>
    %dot_general3A_161 = tpu.matmul %max3A_156, %get3A_159, %dot_general3A_160 {dimension_numbers = #tpu.dot_dimension_numbers<[1], [0], [0], [1], [0, 0, 1, 1], [], []>, transpose_lhs_hint = false} : vector<256x256xf32>, vector<256x64xf32>, vector<256x64xf32> -> vector<256x64xf32>
    %get3A_162 = arith.constant 0 : index
    %get3A_163 = arith.constant 0 : index
    %get3A_164 = vector.load %arg7[%get3A_162, %get3A_163] : memref<1x64xf32, #tpu.memory_space<vmem>>, vector<1x64xf32>
    %add3A_165 = vector.broadcast %get3A_164 : vector<1x64xf32> to vector<256x64xf32>
    %add3A_166 = arith.addf %dot_general3A_161, %add3A_165 : vector<256x64xf32>
    %max3A_167 = arith.constant 0.000000e+00 : f32
    %max3A_168 = vector.broadcast %max3A_167 : f32 to vector<256x64xf32>
    %max3A_169 = arith.maximumf %add3A_166, %max3A_168 : vector<256x64xf32>
    %get3A_170 = arith.constant 0 : index
    %get3A_171 = arith.constant 0 : index
    %get3A_172 = vector.load %arg8[%get3A_170, %get3A_171] : memref<64x1xf32, #tpu.memory_space<vmem>>, vector<64x1xf32>
    %dot_general3A_173 = arith.constant dense<0.000000e+00> : vector<256x1xf32>
    %dot_general3A_174 = tpu.matmul %max3A_169, %get3A_172, %dot_general3A_173 {dimension_numbers = #tpu.dot_dimension_numbers<[1], [0], [0], [1], [0, 0, 1, 1], [], []>, transpose_lhs_hint = false} : vector<256x64xf32>, vector<64x1xf32>, vector<256x1xf32> -> vector<256x1xf32>
    %get3A_175 = arith.constant 0 : index
    %get3A_176 = arith.constant 0 : index
    %get3A_177 = vector.load %arg9[%get3A_175, %get3A_176] : memref<1x1xf32, #tpu.memory_space<vmem>>, vector<1x1xf32>
    %add3A_178 = vector.broadcast %get3A_177 : vector<1x1xf32> to vector<256x1xf32>
    %add3A_179 = arith.addf %dot_general3A_174, %add3A_178 : vector<256x1xf32>
    %swap3A = arith.constant 0 : index
    %swap3A_180 = arith.constant 0 : index
    %swap3A_181 = arith.constant 0 : index
    %swap3A_182 = vector.load %arg10[%swap3A, %swap3A_180, %swap3A_181] : memref<1x256x1xf32, #tpu.memory_space<vmem>>, vector<1x256x1xf32>
    %swap3A_183 = vector.shape_cast %swap3A_182 : vector<1x256x1xf32> to vector<256x1xf32>
    %swap3A_184 = vector.shape_cast %add3A_179 : vector<256x1xf32> to vector<1x256x1xf32>
    tpu.vector_store %arg10[%swap3A, %swap3A_180, %swap3A_181], %swap3A_184 {strides = array<i32>} : memref<1x256x1xf32, #tpu.memory_space<vmem>>, vector<1x256x1xf32>,
    return
  }
  func.func @transform_0(%arg0: i32) -> (i32, i32, i32) {
    %c1_i32 = arith.constant 1 : i32
    %c0_i32 = arith.constant 0 : i32
    %c0_i32_0 = arith.constant 0 : i32
    return %c1_i32, %arg0, %c0_i32 : i32, i32, i32
  }
  func.func @transform_1(%arg0: i32) -> (i32, i32, i32) {
    %c0_i32 = arith.constant 0 : i32
    %c0_i32_0 = arith.constant 0 : i32
    %c0_i32_1 = arith.constant 0 : i32
    return %c0_i32, %arg0, %c0_i32_0 : i32, i32, i32
  }
  func.func @transform_2(%arg0: i32) -> (i32, i32, i32) {
    %c1_i32 = arith.constant 1 : i32
    %c0_i32 = arith.constant 0 : i32
    %c0_i32_0 = arith.constant 0 : i32
    %c0_i32_1 = arith.constant 0 : i32
    return %c1_i32, %c0_i32, %c0_i32_0 : i32, i32, i32
  }
  func.func @transform_3(%arg0: i32) -> (i32, i32) {
    %c0_i32 = arith.constant 0 : i32
    %c0_i32_0 = arith.constant 0 : i32
    %c0_i32_1 = arith.constant 0 : i32
    return %c0_i32, %c0_i32_0 : i32, i32
  }
  func.func @transform_4(%arg0: i32) -> (i32, i32) {
    %c0_i32 = arith.constant 0 : i32
    %c0_i32_0 = arith.constant 0 : i32
    %c0_i32_1 = arith.constant 0 : i32
    return %c0_i32, %c0_i32_0 : i32, i32
  }
  func.func @transform_5(%arg0: i32) -> (i32, i32) {
    %c0_i32 = arith.constant 0 : i32
    %c0_i32_0 = arith.constant 0 : i32
    %c0_i32_1 = arith.constant 0 : i32
    return %c0_i32, %c0_i32_0 : i32, i32
  }
  func.func @transform_6(%arg0: i32) -> (i32, i32) {
    %c0_i32 = arith.constant 0 : i32
    %c0_i32_0 = arith.constant 0 : i32
    %c0_i32_1 = arith.constant 0 : i32
    return %c0_i32, %c0_i32_0 : i32, i32
  }
  func.func @transform_7(%arg0: i32) -> (i32, i32) {
    %c0_i32 = arith.constant 0 : i32
    %c0_i32_0 = arith.constant 0 : i32
    %c0_i32_1 = arith.constant 0 : i32
    return %c0_i32, %c0_i32_0 : i32, i32
  }
  func.func @transform_8(%arg0: i32) -> (i32, i32) {
    %c0_i32 = arith.constant 0 : i32
    %c0_i32_0 = arith.constant 0 : i32
    %c0_i32_1 = arith.constant 0 : i32
    return %c0_i32, %c0_i32_0 : i32, i32
  }
  func.func @transform_9(%arg0: i32) -> (i32, i32, i32) {
    %c0_i32 = arith.constant 0 : i32
    %c0_i32_0 = arith.constant 0 : i32
    %c0_i32_1 = arith.constant 0 : i32
    return %c0_i32, %arg0, %c0_i32_0 : i32, i32, i32
  }
}

module attributes {stable_mosaic.version = 14 : i64} {
  func.func @_reg_body(%arg0: i32, %arg1: memref<1x256x3xf32, #tpu.memory_space<vmem>>, %arg2: memref<3x256x640xf32, #tpu.memory_space<vmem>>, %arg3: memref<1x1x128xf32, #tpu.memory_space<vmem>>, %arg4: memref<643x256xf32, #tpu.memory_space<vmem>>, %arg5: memref<1x256xf32, #tpu.memory_space<vmem>>, %arg6: memref<256x64xf32, #tpu.memory_space<vmem>>, %arg7: memref<1x64xf32, #tpu.memory_space<vmem>>, %arg8: memref<64x1xf32, #tpu.memory_space<vmem>>, %arg9: memref<1x1xf32, #tpu.memory_space<vmem>>, %arg10: memref<1x256x1xf32, #tpu.memory_space<vmem>>) attributes {dimension_semantics = [#tpu.dimension_semantics<arbitrary>], iteration_bounds = array<i64: 16>, scalar_prefetch = 0 : i64, scratch_operands = 0 : i64, tpu.core_type = #tpu.core_type<tc>, window_params = [{transform_indices = @transform_0, window_bounds = array<i64: 1, 256, 3>}, {transform_indices = @transform_1, window_bounds = array<i64: 3, 256, 640>}, {transform_indices = @transform_2, window_bounds = array<i64: 1, 1, 128>}, {pipeline_mode = #tpu.pipeline_mode<synchronous>, transform_indices = @transform_3, window_bounds = array<i64: 643, 256>}, {pipeline_mode = #tpu.pipeline_mode<synchronous>, transform_indices = @transform_4, window_bounds = array<i64: 1, 256>}, {pipeline_mode = #tpu.pipeline_mode<synchronous>, transform_indices = @transform_5, window_bounds = array<i64: 256, 64>}, {pipeline_mode = #tpu.pipeline_mode<synchronous>, transform_indices = @transform_6, window_bounds = array<i64: 1, 64>}, {pipeline_mode = #tpu.pipeline_mode<synchronous>, transform_indices = @transform_7, window_bounds = array<i64: 64, 1>}, {pipeline_mode = #tpu.pipeline_mode<synchronous>, transform_indices = @transform_8, window_bounds = array<i64: 1, 1>}, {transform_indices = @transform_9, window_bounds = array<i64: 1, 256, 1>}]} {
    %get3A = arith.constant 0 : index
    %get3A_0 = arith.constant 0 : index
    %get3A_1 = arith.constant 0 : index
    %get3A_2 = vector.load %arg1[%get3A, %get3A_0, %get3A_1] : memref<1x256x3xf32, #tpu.memory_space<vmem>>, vector<1x256x3xf32>
    %get3A_3 = vector.shape_cast %get3A_2 : vector<1x256x3xf32> to vector<256x3xf32>
    %slice3A = vector.extract_strided_slice %get3A_3 {offsets = [0, 0], sizes = [256, 1], strides = [1, 1]} : vector<256x3xf32> to vector<256x1xf32>
    %slice3A_4 = vector.extract_strided_slice %get3A_3 {offsets = [0, 1], sizes = [256, 1], strides = [1, 1]} : vector<256x3xf32> to vector<256x1xf32>
    %slice3A_5 = vector.extract_strided_slice %get3A_3 {offsets = [0, 2], sizes = [256, 1], strides = [1, 1]} : vector<256x3xf32> to vector<256x1xf32>
    %get3A_6 = arith.constant 0 : index
    %get3A_7 = arith.constant 0 : index
    %get3A_8 = arith.constant 0 : index
    %get3A_9 = vector.load %arg2[%get3A_6, %get3A_7, %get3A_8] : memref<3x256x640xf32, #tpu.memory_space<vmem>>, vector<1x256x640xf32>
    %get3A_10 = vector.shape_cast %get3A_9 : vector<1x256x640xf32> to vector<256x640xf32>
    %slice3A_11 = vector.extract_strided_slice %get3A_10 {offsets = [0, 512], sizes = [256, 1], strides = [1, 1]} : vector<256x640xf32> to vector<256x1xf32>
    %sub3A = arith.subf %slice3A_11, %slice3A : vector<256x1xf32>
    %get3A_12 = arith.constant 0 : index
    %get3A_13 = arith.constant 0 : index
    %get3A_14 = arith.constant 0 : index
    %get3A_15 = vector.load %arg2[%get3A_12, %get3A_13, %get3A_14] : memref<3x256x640xf32, #tpu.memory_space<vmem>>, vector<1x256x640xf32>
    %get3A_16 = vector.shape_cast %get3A_15 : vector<1x256x640xf32> to vector<256x640xf32>
    %slice3A_17 = vector.extract_strided_slice %get3A_16 {offsets = [0, 513], sizes = [256, 1], strides = [1, 1]} : vector<256x640xf32> to vector<256x1xf32>
    %sub3A_18 = arith.subf %slice3A_17, %slice3A_4 : vector<256x1xf32>
    %get3A_19 = arith.constant 0 : index
    %get3A_20 = arith.constant 0 : index
    %get3A_21 = arith.constant 0 : index
    %get3A_22 = vector.load %arg2[%get3A_19, %get3A_20, %get3A_21] : memref<3x256x640xf32, #tpu.memory_space<vmem>>, vector<1x256x640xf32>
    %get3A_23 = vector.shape_cast %get3A_22 : vector<1x256x640xf32> to vector<256x640xf32>
    %slice3A_24 = vector.extract_strided_slice %get3A_23 {offsets = [0, 514], sizes = [256, 1], strides = [1, 1]} : vector<256x640xf32> to vector<256x1xf32>
    %sub3A_25 = arith.subf %slice3A_24, %slice3A_5 : vector<256x1xf32>
    %mul3A = arith.mulf %sub3A, %sub3A : vector<256x1xf32>
    %mul3A_26 = arith.mulf %sub3A_18, %sub3A_18 : vector<256x1xf32>
    %add3A = arith.addf %mul3A, %mul3A_26 : vector<256x1xf32>
    %mul3A_27 = arith.mulf %sub3A_25, %sub3A_25 : vector<256x1xf32>
    %add3A_28 = arith.addf %add3A, %mul3A_27 : vector<256x1xf32>
    %add3A_29 = arith.constant 9.99999996E-13 : f32
    %add3A_30 = vector.broadcast %add3A_29 : f32 to vector<256x1xf32>
    %add3A_31 = arith.addf %add3A_28, %add3A_30 : vector<256x1xf32>
    %sqrt3A = math.sqrt %add3A_31 : vector<256x1xf32>
    %add3A_32 = arith.constant 9.99999993E-9 : f32
    %add3A_33 = vector.broadcast %add3A_32 : f32 to vector<256x1xf32>
    %add3A_34 = arith.addf %sqrt3A, %add3A_33 : vector<256x1xf32>
    %div3A = arith.constant 1.000000e+00 : f32
    %div3A_35 = vector.broadcast %div3A : f32 to vector<256x1xf32>
    %div3A_36 = arith.divf %div3A_35, %add3A_34 : vector<256x1xf32>
    %get3A_37 = arith.constant 1 : index
    %get3A_38 = arith.constant 0 : index
    %get3A_39 = arith.constant 0 : index
    %get3A_40 = vector.load %arg2[%get3A_37, %get3A_38, %get3A_39] : memref<3x256x640xf32, #tpu.memory_space<vmem>>, vector<1x256x640xf32>
    %get3A_41 = vector.shape_cast %get3A_40 : vector<1x256x640xf32> to vector<256x640xf32>
    %slice3A_42 = vector.extract_strided_slice %get3A_41 {offsets = [0, 512], sizes = [256, 1], strides = [1, 1]} : vector<256x640xf32> to vector<256x1xf32>
    %sub3A_43 = arith.subf %slice3A_42, %slice3A : vector<256x1xf32>
    %get3A_44 = arith.constant 1 : index
    %get3A_45 = arith.constant 0 : index
    %get3A_46 = arith.constant 0 : index
    %get3A_47 = vector.load %arg2[%get3A_44, %get3A_45, %get3A_46] : memref<3x256x640xf32, #tpu.memory_space<vmem>>, vector<1x256x640xf32>
    %get3A_48 = vector.shape_cast %get3A_47 : vector<1x256x640xf32> to vector<256x640xf32>
    %slice3A_49 = vector.extract_strided_slice %get3A_48 {offsets = [0, 513], sizes = [256, 1], strides = [1, 1]} : vector<256x640xf32> to vector<256x1xf32>
    %sub3A_50 = arith.subf %slice3A_49, %slice3A_4 : vector<256x1xf32>
    %get3A_51 = arith.constant 1 : index
    %get3A_52 = arith.constant 0 : index
    %get3A_53 = arith.constant 0 : index
    %get3A_54 = vector.load %arg2[%get3A_51, %get3A_52, %get3A_53] : memref<3x256x640xf32, #tpu.memory_space<vmem>>, vector<1x256x640xf32>
    %get3A_55 = vector.shape_cast %get3A_54 : vector<1x256x640xf32> to vector<256x640xf32>
    %slice3A_56 = vector.extract_strided_slice %get3A_55 {offsets = [0, 514], sizes = [256, 1], strides = [1, 1]} : vector<256x640xf32> to vector<256x1xf32>
    %sub3A_57 = arith.subf %slice3A_56, %slice3A_5 : vector<256x1xf32>
    %mul3A_58 = arith.mulf %sub3A_43, %sub3A_43 : vector<256x1xf32>
    %mul3A_59 = arith.mulf %sub3A_50, %sub3A_50 : vector<256x1xf32>
    %add3A_60 = arith.addf %mul3A_58, %mul3A_59 : vector<256x1xf32>
    %mul3A_61 = arith.mulf %sub3A_57, %sub3A_57 : vector<256x1xf32>
    %add3A_62 = arith.addf %add3A_60, %mul3A_61 : vector<256x1xf32>
    %add3A_63 = arith.constant 9.99999996E-13 : f32
    %add3A_64 = vector.broadcast %add3A_63 : f32 to vector<256x1xf32>
    %add3A_65 = arith.addf %add3A_62, %add3A_64 : vector<256x1xf32>
    %sqrt3A_66 = math.sqrt %add3A_65 : vector<256x1xf32>
    %add3A_67 = arith.constant 9.99999993E-9 : f32
    %add3A_68 = vector.broadcast %add3A_67 : f32 to vector<256x1xf32>
    %add3A_69 = arith.addf %sqrt3A_66, %add3A_68 : vector<256x1xf32>
    %div3A_70 = arith.constant 1.000000e+00 : f32
    %div3A_71 = vector.broadcast %div3A_70 : f32 to vector<256x1xf32>
    %div3A_72 = arith.divf %div3A_71, %add3A_69 : vector<256x1xf32>
    %get3A_73 = arith.constant 2 : index
    %get3A_74 = arith.constant 0 : index
    %get3A_75 = arith.constant 0 : index
    %get3A_76 = vector.load %arg2[%get3A_73, %get3A_74, %get3A_75] : memref<3x256x640xf32, #tpu.memory_space<vmem>>, vector<1x256x640xf32>
    %get3A_77 = vector.shape_cast %get3A_76 : vector<1x256x640xf32> to vector<256x640xf32>
    %slice3A_78 = vector.extract_strided_slice %get3A_77 {offsets = [0, 512], sizes = [256, 1], strides = [1, 1]} : vector<256x640xf32> to vector<256x1xf32>
    %sub3A_79 = arith.subf %slice3A_78, %slice3A : vector<256x1xf32>
    %get3A_80 = arith.constant 2 : index
    %get3A_81 = arith.constant 0 : index
    %get3A_82 = arith.constant 0 : index
    %get3A_83 = vector.load %arg2[%get3A_80, %get3A_81, %get3A_82] : memref<3x256x640xf32, #tpu.memory_space<vmem>>, vector<1x256x640xf32>
    %get3A_84 = vector.shape_cast %get3A_83 : vector<1x256x640xf32> to vector<256x640xf32>
    %slice3A_85 = vector.extract_strided_slice %get3A_84 {offsets = [0, 513], sizes = [256, 1], strides = [1, 1]} : vector<256x640xf32> to vector<256x1xf32>
    %sub3A_86 = arith.subf %slice3A_85, %slice3A_4 : vector<256x1xf32>
    %get3A_87 = arith.constant 2 : index
    %get3A_88 = arith.constant 0 : index
    %get3A_89 = arith.constant 0 : index
    %get3A_90 = vector.load %arg2[%get3A_87, %get3A_88, %get3A_89] : memref<3x256x640xf32, #tpu.memory_space<vmem>>, vector<1x256x640xf32>
    %get3A_91 = vector.shape_cast %get3A_90 : vector<1x256x640xf32> to vector<256x640xf32>
    %slice3A_92 = vector.extract_strided_slice %get3A_91 {offsets = [0, 514], sizes = [256, 1], strides = [1, 1]} : vector<256x640xf32> to vector<256x1xf32>
    %sub3A_93 = arith.subf %slice3A_92, %slice3A_5 : vector<256x1xf32>
    %mul3A_94 = arith.mulf %sub3A_79, %sub3A_79 : vector<256x1xf32>
    %mul3A_95 = arith.mulf %sub3A_86, %sub3A_86 : vector<256x1xf32>
    %add3A_96 = arith.addf %mul3A_94, %mul3A_95 : vector<256x1xf32>
    %mul3A_97 = arith.mulf %sub3A_93, %sub3A_93 : vector<256x1xf32>
    %add3A_98 = arith.addf %add3A_96, %mul3A_97 : vector<256x1xf32>
    %add3A_99 = arith.constant 9.99999996E-13 : f32
    %add3A_100 = vector.broadcast %add3A_99 : f32 to vector<256x1xf32>
    %add3A_101 = arith.addf %add3A_98, %add3A_100 : vector<256x1xf32>
    %sqrt3A_102 = math.sqrt %add3A_101 : vector<256x1xf32>
    %add3A_103 = arith.constant 9.99999993E-9 : f32
    %add3A_104 = vector.broadcast %add3A_103 : f32 to vector<256x1xf32>
    %add3A_105 = arith.addf %sqrt3A_102, %add3A_104 : vector<256x1xf32>
    %div3A_106 = arith.constant 1.000000e+00 : f32
    %div3A_107 = vector.broadcast %div3A_106 : f32 to vector<256x1xf32>
    %div3A_108 = arith.divf %div3A_107, %add3A_105 : vector<256x1xf32>
    %add3A_109 = arith.addf %div3A_36, %div3A_72 : vector<256x1xf32>
    %add3A_110 = arith.addf %add3A_109, %div3A_108 : vector<256x1xf32>
    %div3A_111 = arith.divf %div3A_36, %add3A_110 : vector<256x1xf32>
    %get3A_112 = arith.constant 0 : index
    %get3A_113 = arith.constant 0 : index
    %get3A_114 = arith.constant 0 : index
    %get3A_115 = vector.load %arg2[%get3A_112, %get3A_113, %get3A_114] : memref<3x256x640xf32, #tpu.memory_space<vmem>>, vector<1x256x640xf32>
    %get3A_116 = vector.shape_cast %get3A_115 : vector<1x256x640xf32> to vector<256x640xf32>
    %slice3A_117 = vector.extract_strided_slice %get3A_116 {offsets = [0, 0], sizes = [256, 512], strides = [1, 1]} : vector<256x640xf32> to vector<256x512xf32>
    %mul3A_118 = vector.broadcast %div3A_111 : vector<256x1xf32> to vector<256x512xf32>
    %mul3A_119 = arith.mulf %mul3A_118, %slice3A_117 : vector<256x512xf32>
    %div3A_120 = arith.divf %div3A_72, %add3A_110 : vector<256x1xf32>
    %get3A_121 = arith.constant 1 : index
    %get3A_122 = arith.constant 0 : index
    %get3A_123 = arith.constant 0 : index
    %get3A_124 = vector.load %arg2[%get3A_121, %get3A_122, %get3A_123] : memref<3x256x640xf32, #tpu.memory_space<vmem>>, vector<1x256x640xf32>
    %get3A_125 = vector.shape_cast %get3A_124 : vector<1x256x640xf32> to vector<256x640xf32>
    %slice3A_126 = vector.extract_strided_slice %get3A_125 {offsets = [0, 0], sizes = [256, 512], strides = [1, 1]} : vector<256x640xf32> to vector<256x512xf32>
    %mul3A_127 = vector.broadcast %div3A_120 : vector<256x1xf32> to vector<256x512xf32>
    %mul3A_128 = arith.mulf %mul3A_127, %slice3A_126 : vector<256x512xf32>
    %add3A_129 = arith.addf %mul3A_119, %mul3A_128 : vector<256x512xf32>
    %div3A_130 = arith.divf %div3A_108, %add3A_110 : vector<256x1xf32>
    %get3A_131 = arith.constant 2 : index
    %get3A_132 = arith.constant 0 : index
    %get3A_133 = arith.constant 0 : index
    %get3A_134 = vector.load %arg2[%get3A_131, %get3A_132, %get3A_133] : memref<3x256x640xf32, #tpu.memory_space<vmem>>, vector<1x256x640xf32>
    %get3A_135 = vector.shape_cast %get3A_134 : vector<1x256x640xf32> to vector<256x640xf32>
    %slice3A_136 = vector.extract_strided_slice %get3A_135 {offsets = [0, 0], sizes = [256, 512], strides = [1, 1]} : vector<256x640xf32> to vector<256x512xf32>
    %mul3A_137 = vector.broadcast %div3A_130 : vector<256x1xf32> to vector<256x512xf32>
    %mul3A_138 = arith.mulf %mul3A_137, %slice3A_136 : vector<256x512xf32>
    %add3A_139 = arith.addf %add3A_129, %mul3A_138 : vector<256x512xf32>
    %get3A_140 = arith.constant 0 : index
    %get3A_141 = arith.constant 0 : index
    %get3A_142 = arith.constant 0 : index
    %get3A_143 = vector.load %arg3[%get3A_140, %get3A_141, %get3A_142] : memref<1x1x128xf32, #tpu.memory_space<vmem>>, vector<1x1x128xf32>
    %get3A_144 = vector.shape_cast %get3A_143 : vector<1x1x128xf32> to vector<1x128xf32>
    %broadcast_in_dim3A = vector.shape_cast %get3A_144 : vector<1x128xf32> to vector<1x128xf32>
    %broadcast_in_dim3A_145 = vector.broadcast %broadcast_in_dim3A : vector<1x128xf32> to vector<256x128xf32>
    %concatenate3A = tpu.concatenate %get3A_3, %add3A_139, %broadcast_in_dim3A_145 in 1 : vector<256x3xf32>, vector<256x512xf32>, vector<256x128xf32> -> vector<256x643xf32>
    %get3A_146 = arith.constant 0 : index
    %get3A_147 = arith.constant 0 : index
    %get3A_148 = vector.load %arg4[%get3A_146, %get3A_147] : memref<643x256xf32, #tpu.memory_space<vmem>>, vector<643x256xf32>
    %dot_general3A = arith.constant dense<0.000000e+00> : vector<256x256xf32>
    %dot_general3A_149 = tpu.matmul %concatenate3A, %get3A_148, %dot_general3A {dimension_numbers = #tpu.dot_dimension_numbers<[1], [0], [0], [1], [0, 0, 1, 1], [], []>, transpose_lhs_hint = false} : vector<256x643xf32>, vector<643x256xf32>, vector<256x256xf32> -> vector<256x256xf32>
    %get3A_150 = arith.constant 0 : index
    %get3A_151 = arith.constant 0 : index
    %get3A_152 = vector.load %arg5[%get3A_150, %get3A_151] : memref<1x256xf32, #tpu.memory_space<vmem>>, vector<1x256xf32>
    %add3A_153 = vector.broadcast %get3A_152 : vector<1x256xf32> to vector<256x256xf32>
    %add3A_154 = arith.addf %dot_general3A_149, %add3A_153 : vector<256x256xf32>
    %max3A = arith.constant 0.000000e+00 : f32
    %max3A_155 = vector.broadcast %max3A : f32 to vector<256x256xf32>
    %max3A_156 = arith.maximumf %add3A_154, %max3A_155 : vector<256x256xf32>
    %get3A_157 = arith.constant 0 : index
    %get3A_158 = arith.constant 0 : index
    %get3A_159 = vector.load %arg6[%get3A_157, %get3A_158] : memref<256x64xf32, #tpu.memory_space<vmem>>, vector<256x64xf32>
    %dot_general3A_160 = arith.constant dense<0.000000e+00> : vector<256x64xf32>
    %dot_general3A_161 = tpu.matmul %max3A_156, %get3A_159, %dot_general3A_160 {dimension_numbers = #tpu.dot_dimension_numbers<[1], [0], [0], [1], [0, 0, 1, 1], [], []>, transpose_lhs_hint = false} : vector<256x256xf32>, vector<256x64xf32>, vector<256x64xf32> -> vector<256x64xf32>
    %get3A_162 = arith.constant 0 : index
    %get3A_163 = arith.constant 0 : index
    %get3A_164 = vector.load %arg7[%get3A_162, %get3A_163] : memref<1x64xf32, #tpu.memory_space<vmem>>, vector<1x64xf32>
    %add3A_165 = vector.broadcast %get3A_164 : vector<1x64xf32> to vector<256x64xf32>
    %add3A_166 = arith.addf %dot_general3A_161, %add3A_165 : vector<256x64xf32>
    %max3A_167 = arith.constant 0.000000e+00 : f32
    %max3A_168 = vector.broadcast %max3A_167 : f32 to vector<256x64xf32>
    %max3A_169 = arith.maximumf %add3A_166, %max3A_168 : vector<256x64xf32>
    %get3A_170 = arith.constant 0 : index
    %get3A_171 = arith.constant 0 : index
    %get3A_172 = vector.load %arg8[%get3A_170, %get3A_171] : memref<64x1xf32, #tpu.memory_space<vmem>>, vector<64x1xf32>
    %dot_general3A_173 = arith.constant dense<0.000000e+00> : vector<256x1xf32>
    %dot_general3A_174 = tpu.matmul %max3A_169, %get3A_172, %dot_general3A_173 {dimension_numbers = #tpu.dot_dimension_numbers<[1], [0], [0], [1], [0, 0, 1, 1], [], []>, transpose_lhs_hint = false} : vector<256x64xf32>, vector<64x1xf32>, vector<256x1xf32> -> vector<256x1xf32>
    %get3A_175 = arith.constant 0 : index
    %get3A_176 = arith.constant 0 : index
    %get3A_177 = vector.load %arg9[%get3A_175, %get3A_176] : memref<1x1xf32, #tpu.memory_space<vmem>>, vector<1x1xf32>
    %add3A_178 = vector.broadcast %get3A_177 : vector<1x1xf32> to vector<256x1xf32>
    %add3A_179 = arith.addf %dot_general3A_174, %add3A_178 : vector<256x1xf32>
    %swap3A = arith.constant 0 : index
    %swap3A_180 = arith.constant 0 : index
    %swap3A_181 = arith.constant 0 : index
    %swap3A_182 = vector.load %arg10[%swap3A, %swap3A_180, %swap3A_181] : memref<1x256x1xf32, #tpu.memory_space<vmem>>, vector<1x256x1xf32>
    %swap3A_183 = vector.shape_cast %swap3A_182 : vector<1x256x1xf32> to vector<256x1xf32>
    %swap3A_184 = vector.shape_cast %add3A_179 : vector<256x1xf32> to vector<1x256x1xf32>
    tpu.vector_store %arg10[%swap3A, %swap3A_180, %swap3A_181], %swap3A_184 {strides = array<i32>} : memref<1x256x1xf32, #tpu.memory_space<vmem>>, vector<1x256x1xf32>,
    return
  }
  func.func @transform_0(%arg0: i32) -> (i32, i32, i32) {
    %c0_i32 = arith.constant 0 : i32
    %c0_i32_0 = arith.constant 0 : i32
    %c0_i32_1 = arith.constant 0 : i32
    return %c0_i32, %arg0, %c0_i32_0 : i32, i32, i32
  }
  func.func @transform_1(%arg0: i32) -> (i32, i32, i32) {
    %c0_i32 = arith.constant 0 : i32
    %c0_i32_0 = arith.constant 0 : i32
    %c0_i32_1 = arith.constant 0 : i32
    return %c0_i32, %arg0, %c0_i32_0 : i32, i32, i32
  }
  func.func @transform_2(%arg0: i32) -> (i32, i32, i32) {
    %c0_i32 = arith.constant 0 : i32
    %c0_i32_0 = arith.constant 0 : i32
    %c0_i32_1 = arith.constant 0 : i32
    %c0_i32_2 = arith.constant 0 : i32
    return %c0_i32, %c0_i32_0, %c0_i32_1 : i32, i32, i32
  }
  func.func @transform_3(%arg0: i32) -> (i32, i32) {
    %c0_i32 = arith.constant 0 : i32
    %c0_i32_0 = arith.constant 0 : i32
    %c0_i32_1 = arith.constant 0 : i32
    return %c0_i32, %c0_i32_0 : i32, i32
  }
  func.func @transform_4(%arg0: i32) -> (i32, i32) {
    %c0_i32 = arith.constant 0 : i32
    %c0_i32_0 = arith.constant 0 : i32
    %c0_i32_1 = arith.constant 0 : i32
    return %c0_i32, %c0_i32_0 : i32, i32
  }
  func.func @transform_5(%arg0: i32) -> (i32, i32) {
    %c0_i32 = arith.constant 0 : i32
    %c0_i32_0 = arith.constant 0 : i32
    %c0_i32_1 = arith.constant 0 : i32
    return %c0_i32, %c0_i32_0 : i32, i32
  }
  func.func @transform_6(%arg0: i32) -> (i32, i32) {
    %c0_i32 = arith.constant 0 : i32
    %c0_i32_0 = arith.constant 0 : i32
    %c0_i32_1 = arith.constant 0 : i32
    return %c0_i32, %c0_i32_0 : i32, i32
  }
  func.func @transform_7(%arg0: i32) -> (i32, i32) {
    %c0_i32 = arith.constant 0 : i32
    %c0_i32_0 = arith.constant 0 : i32
    %c0_i32_1 = arith.constant 0 : i32
    return %c0_i32, %c0_i32_0 : i32, i32
  }
  func.func @transform_8(%arg0: i32) -> (i32, i32) {
    %c0_i32 = arith.constant 0 : i32
    %c0_i32_0 = arith.constant 0 : i32
    %c0_i32_1 = arith.constant 0 : i32
    return %c0_i32, %c0_i32_0 : i32, i32
  }
  func.func @transform_9(%arg0: i32) -> (i32, i32, i32) {
    %c0_i32 = arith.constant 0 : i32
    %c0_i32_0 = arith.constant 0 : i32
    %c0_i32_1 = arith.constant 0 : i32
    return %c0_i32, %arg0, %c0_i32_0 : i32, i32, i32
  }
}

</mosaic_0001>

<sc_bundles>
// kernel: kernel.12.cloned.1.call-start
scs
__scs_entry_jumppad:
0x0: {  	(pc) =	sbr.rel $0x88, $3  }
0x1: {  	(tag) =	ssettag $0x0;
	lr =	simm.s32 $0x1  }
0x2: {  	[smem:$0x3F91] =	sst lr;
	_ =	strace $0xD0000000  }
0x3: {  	_ = 	snop  }
0x4: {  	_ = 	snop  }
0x5: {  	_ = 	snop  }
0x6: {  	_ = 	snop  }
0x7: {  	_ = 	snop  }
__scs_overlays_trampoline_lowered:
0x8: {  	[smem:$0x3FA0] =	sst s0  }
0x9: {  	[smem:$0x3FA1] =	sst s1  }
0xa: {  	[smem:$0x3FA2] =	sst s2  }
0xb: {  	[smem:$0x3FA3] =	sst s3  }
0xc: {  	[smem:$0x3FA4] =	sst s4  }
0xd: {  	[smem:$0x3FA5] =	sst s5  }
0xe: {  	[smem:$0x3FA6] =	sst s6  }
0xf: {  	[smem:$0x3FA7] =	sst s7  }
0x10: {  	[smem:$0x3FA8] =	sst s8  }
0x11: {  	[smem:$0x3FA9] =	sst s9;
	s0 =	simm.s32 @!p0 $0x0  }
0x12: {  	s1 =	sld [smem:$0x3F8F];
	s0 =	simm.s32 @p0 $0x1  }
0x13: {  	[smem:$0x3FAA] =	sst s0;
	s0 =	simm.s32 @!p1 $0x0  }
0x14: {  	s2 =	sld [smem:$0x3F8E];
	s0 =	simm.s32 @p1 $0x1  }
0x15: {  	[smem:$0x3FAB] =	sst s0;
	s0 =	simm.s32 @!p2 $0x0  }
0x16: {  	s3 =	sld [smem:$0x3FDB];
	s0 =	simm.s32 @p2 $0x1  }
0x17: {  	s4 =	simm.s32 $0x1BF5;
	[smem:$0x3FAD] =	sst s0  }
0x18: {  	s0 =	sld [smem:$0x3F90];
	_ =	swait.ge [sflag:s4], $0x0  }
0x19: {  	s7 =	sld [smem:$0x3F91]  }
0x1a: {  	s8 =	sadd.s32 $0xFFFFE003, lr  }
0x1b: {  	s9 =	sadd.s32 $0xFFFFFEF7, lr;
	s5 =	simm.s32 $0xFFFFFFFF;
	p2 =	slt.u32 s8, $0xFFFFF086  }
0x1c: {  	p1 =	slt.u32 s9, $0xF7A;
	s5 =	simm.s32 @!p2 $0x0  }
0x1d: {  	s5 =	simm.s32 @p1 $0x1;
	p0 =	seq.s32 s7, s2  }
0x1e: {  	s7 =	smul.u32 @!p0 $0xF7A, s2;
	p2 =	seq.s32 @!p0 s5, $0x0  }
0x1f: {  	s9 =	smul.u32 $0xF7A, s1;
	s8 =	simm.s32 @!p0 $0x1BF5;
	p2 =	por !p2, p0  }
0x20: {  	[sflag:s8] =	ssyncset.s32 @!p0 $0xFFFFF086;
	s6 =	sadd.s32 @!p0 s3, s7;
	s7 =	simm.s32 @!p0 $0x108  }
0x21: {  	s3 =	sadd.s32 s3, s9;
	s6 =	sadd.s32 @!p0 $0x88, s6;
	s7 =	simm.s32 @p2 $0x1082  }
0x22: {  	[simem:s7], [sflag:s8] =	dma.local @!p0 [hbm:s6], $0xF7A  }
0x23: {  	s9 =	sor.u32 $0xD0000000, s2;
	s6 =	simm.s32 $0x108;
	_ =	swait.ge @!p0 [sflag:s8], $0x0  }
0x24: {  	s3 =	sadd.s32 $0x88, s3;
	s6 =	simm.s32 @!p1 $0x1082;
	[sflag:s4] =	ssyncset.s32 $0xFFFFF086  }
0x25: {  	[simem:s6], [sflag:s4] =	dma.local [hbm:s3], $0xF7A  }
0x26: {  	[smem:$0x3F91] =	sst s1;
	(tag) =	ssettag s2;
	_ =	strace s9  }
0x27: {  	s1 =	sld [smem:$0x3FA1]  }
0x28: {  	s2 =	sld [smem:$0x3FA2]  }
0x29: {  	s4 =	sld [smem:$0x3FA4]  }
0x2a: {  	p0 =	seq.s32 s5, $0x0;
	s5 =	sld [smem:$0x3FA5]  }
0x2b: {  	s6 =	sld [smem:$0x3FA6]  }
0x2c: {  	s7 =	sld [smem:$0x3FA7]  }
0x2d: {  	s3 =	simm.s32 $0x108;
	s8 =	sld [smem:$0x3FA8]  }
0x2e: {  	s3 =	simm.s32 @!p0 $0x1082;
	s9 =	sld [smem:$0x3FA9]  }
0x2f: {  	lr =	sadd.s32 s0, s3;
	s0 =	sld [smem:$0x3FA0]  }
0x30: {  	s3 =	sld [smem:$0x3FA3]  }
0x31: {  	[smem:$0x3FAC] =	sst s10  }
0x32: {  	s10 =	sld [smem:$0x3FAA];
	_ =	sdelay $0x3  }
0x33: {  	p0 =	seq.s32 s10, $0x1;
	s10 =	sld [smem:$0x3FAC];
	_ =	sdelay $0x3  }
0x34: {  	[smem:$0x3FAC] =	sst s10  }
0x35: {  	s10 =	sld [smem:$0x3FAB];
	_ =	sdelay $0x3  }
0x36: {  	p1 =	seq.s32 s10, $0x1;
	s10 =	sld [smem:$0x3FAC];
	_ =	sdelay $0x3  }
0x37: {  	[smem:$0x3FAC] =	sst s10  }
0x38: {  	s10 =	sld [smem:$0x3FAD]  }
0x39: {  	_ = 	snop;
	(pc) =	sbr.ind lr, $3  }
0x3a: {  	_ = 	snop  }
0x3b: {  	_ = 	snop  }
0x3c: {  	p2 =	seq.s32 s10, $0x1;
	s10 =	sld [smem:$0x3FAC]  }
0x3d: {  	_ =	shalt  }
0x3e: {  	_ =	shalt  }
0x3f: {  	_ =	shalt  }
0x40: {  	_ =	shalt  }
0x41: {  	_ =	shalt  }
0x42: {  	_ =	shalt  }
0x43: {  	_ =	shalt  }
0x44: {  	_ =	shalt  }
0x45: {  	_ =	shalt  }
0x46: {  	_ =	shalt  }
0x47: {  	_ =	shalt  }
0x48: {  	_ =	shalt  }
0x49: {  	_ =	shalt  }
0x4a: {  	_ =	shalt  }
0x4b: {  	_ =	shalt  }
0x4c: {  	_ =	shalt  }
0x4d: {  	_ =	shalt  }
0x4e: {  	_ =	shalt  }
0x4f: {  	_ =	shalt  }
0x50: {  	_ =	shalt  }
0x51: {  	_ =	shalt  }
0x52: {  	_ =	shalt  }
0x53: {  	_ =	shalt  }
0x54: {  	_ =	shalt  }
0x55: {  	_ =	shalt  }
0x56: {  	_ =	shalt  }
0x57: {  	_ =	shalt  }
0x58: {  	_ =	shalt  }
0x59: {  	_ =	shalt  }
0x5a: {  	_ =	shalt  }
0x5b: {  	_ =	shalt  }
0x5c: {  	_ =	shalt  }
0x5d: {  	_ =	shalt  }
0x5e: {  	_ =	shalt  }
0x5f: {  	_ =	shalt  }
0x60: {  	_ =	shalt  }
0x61: {  	_ =	shalt  }
0x62: {  	_ =	shalt  }
0x63: {  	_ =	shalt  }
0x64: {  	_ =	shalt  }
0x65: {  	_ =	shalt  }
0x66: {  	_ =	shalt  }
0x67: {  	_ =	shalt  }
0x68: {  	_ =	shalt  }
0x69: {  	_ =	shalt  }
0x6a: {  	_ =	shalt  }
0x6b: {  	_ =	shalt  }
0x6c: {  	_ =	shalt  }
0x6d: {  	_ =	shalt  }
0x6e: {  	_ =	shalt  }
0x6f: {  	_ =	shalt  }
0x70: {  	_ =	shalt  }
0x71: {  	_ =	shalt  }
0x72: {  	_ =	shalt  }
0x73: {  	_ =	shalt  }
0x74: {  	_ =	shalt  }
0x75: {  	_ =	shalt  }
0x76: {  	_ =	shalt  }
0x77: {  	_ =	shalt  }
0x78: {  	_ =	shalt  }
0x79: {  	_ =	shalt  }
0x7a: {  	_ =	shalt  }
0x7b: {  	_ =	shalt  }
0x7c: {  	_ =	shalt  }
0x7d: {  	_ =	shalt  }
0x7e: {  	_ =	shalt  }
0x7f: {  	_ =	shalt  }
0x80: {  	_ =	shalt  }
0x81: {  	_ =	shalt  }
0x82: {  	_ =	shalt  }
0x83: {  	_ =	shalt  }
0x84: {  	_ =	shalt  }
0x85: {  	_ =	shalt  }
0x86: {  	_ =	shalt  }
0x87: {  	_ =	shalt  }
.Lfunc_end0:
.L_simem_size_0:
called_computation.1_lowered:
.L_overlay_start_0:
0x88: {  	s2 =	sld [smem:$0x3FD9]  }
0x89: {  	s3 =	sld [smem:$0x3FFE];
	_ =	sdelay $0x1  }
0x8a: {  	s1 =	srdreg.scid  }
0x8b: {  	s0 =	sand.u32 $0x1, s1  }
0x8c: {  	s16 =	sshll.u32 s0, $0xA;
	s2 =	sadd.s32 s3, s2  }
0x8d: {  	s2 =	sadd.s32 s2, s16  }
0x8e: {  	[smem:$0x3FB8] =	sst s2  }
0x8f: {  	_ = 	snop  }
0x90: {  	(tm) =	ssettm $0x1  }
0x91: {  	s17 =	sld [smem:$0x3FFB];
	_ =	sdelay $0x3  }
0x92: {  	_ =	strace s17  }
0x93: {  	s2 =	sld [smem:$0x3FFC];
	_ =	sdelay $0x3  }
0x94: {  	_ =	strace s2  }
0x95: {  	s2 =	sld [smem:$0x3FFD];
	_ =	sdelay $0x3  }
0x96: {  	_ =	strace s2  }
0x97: {  	_ =	strace $0x8FFFFFFF  }
0x98: {  	s18 =	sld [smem:$0x3FDB];
	_ =	sdelay $0x1  }
0x99: {  	s19 =	simm.s32 $_scs_section_size  }
0x9a: {  	s4 =	simm.s32 $_size__tile_overlayer_lowered;
	s5 =	simm.s32 $_tile_overlayer_lowered  }
0x9b: {  	s22 =	simm.s32 $0x1BFF;
	s21 =	sshll.u32 s5, $0x1;
	s2 =	sadd.s32 s19, s18  }
0x9c: {  	s6 =	simm.s32 $0x0;
	s20 =	sshll.u32 s4, $0x1;
	s4 =	sadd.s32 s21, s2  }
0x9d: {  	[timem:s6], [sflag:s22] =	dma.local [hbm:s4], s20  }
0x9e: {  	_ =	swait.ge [sflag:s22], s20  }
0x9f: {  	s3 =	ssub.s32 $0x0, s20;
	[sflag:s22] =	ssyncset.done $0x0  }
0xa0: {  	[sflag:s22] =	ssyncadd.s32 s3;
	_ =	sdelay $0x1  }
0xa1: {  	s23 =	simm.s32 $0x1B8B  }
0xa2: {  	_ =	swait.ge [sflag:s23], $0x1  }
0xa3: {  	[sflag:s23] =	ssyncset.done $0x0  }
0xa4: {  	s25 =	simm.s32 $0x1B8E;
	s24 =	sld [smem:$0x3FFE];
	[sflag:s23] =	ssyncadd.s32 $0xFFFFFFFF  }
0xa5: {  	s26 =	simm.s32 $execute0_lowered;
	[smem:$0x3FD2] =	sst s25  }
0xa6: {  	s4 =	sshll.u32 s26, $0x1;
	_ =	strace $0x80000046;
	[dreg:$0x1] =	wrdreg $0xFFFFFFFF  }
0xa7: {  	s28 =	simm.s32 $_size_execute0_lowered;
	s2 =	sadd.s32 s2, s4;
	[dreg:$0x0] =	wrdreg $0x0  }
0xa8: {  	s4 =	sshll.u32 s28, $0x1;
	[dreg:$0x2] =	wrdreg s2  }
0xa9: {  	[dreg:$0x3] =	wrdreg s4  }
0xaa: {  	[dreg:$0x4] =	wrdreg $0xC0  }
0xab: {  	_ =	task [dreg:s6], $0x5FFFF  }
0xac: {  	[dreg:$0x1] =	wrdreg $0xFFFFFFFF  }
0xad: {  	[dreg:$0x0] =	wrdreg $0x60  }
0xae: {  	[dreg:$0x2] =	wrdreg s24  }
0xaf: {  	[dreg:$0x3] =	wrdreg $0xA  }
0xb0: {  	_ =	task.clear_ibuf [dreg:s6], $0x4FFFF;
	_ =	strace $0x90000046  }
0xb1: {  	s29 =	simm.s32 $0xA;
	_ =	strace $0x80000048  }
0xb2: {  	_ =	swait.ge [sflag:s29], $0x1  }
0xb3: {  	[sflag:s29] =	ssyncadd.s32 $0xFFFFFFFF  }
0xb4: {  	_ =	strace $0x90000048  }
0xb5: {  	_ =	sfence  }
0xb6: {  	s30 =	sld [smem:$0x0];
	_ =	sdelay $0x2  }
0xb7: {  	s31 =	sshll.u32 s1, $0xD;
	s1 =	sshrl.u32 s1, $0x2  }
0xb8: {  	s3 =	sand.u32 $0x4000, s31;
	s1 =	sadd.s32 s1, s30  }
0xb9: {  	s0 =	sor.u32 s3, s0;
	s1 =	sshll.u32 s1, $0x11  }
0xba: {  	s0 =	sor.u32 s1, s0  }
0xbb: {  	s0 =	sadd.s32 $0x8F2B, s0  }
0xbc: {  	[sflag:s0] =	ssyncadd.remote.s32 $0x1  }
0xbd: {  	_ =	sfence.sel $0xFFFF  }
0xbe: {  	[dreg:$0x0] =	wrdreg $0xFFFFFFFF;
	(pc) =	sbr.abs _section_cstart, $3  }
0xbf: {  	[dreg:$0x1] =	wrdreg $0xFFFFFFFF  }
0xc0: {  	_ =	task.clear_ibuf [dreg:s6], $0x2FFFF;
	_ =	strace $0x9FFFFFFF  }
0xc1: {  	(tm) =	ssettm $0x7FFFFFFF  }
tec
execute0_lowered:
.L_overlay_start_1:
0x0: {  	(tag) =	ssettag $0x1  }
0x1: {  	s0 =	srdreg.scid  }
0x2: {  	s1 =	stileid.u32;
	s4 =	rddreg [dreg:$0x0];
	s2 =	simm.s32 $0x0  }
0x3: {  	s9 =	simm.s32 $0x4;
	s16 =	simm.s32 $0x980;
	s17 =	simm.s32 $0x1180  }
0x4: {  	s18 =	simm.s32 $0x1580;
	s19 =	simm.s32 $0x1D80;
	s20 =	simm.s32 $0x2580  }
0x5: {  	s21 =	simm.s32 $0x2980;
	s28 =	simm.s32 $0x4D80;
	s29 =	simm.s32 $0x5180  }
0x6: {  	s30 =	simm.s32 $0x5980;
	s0 =	sand.u32 $0x1, s0;
	s1 =	sshll.u32 s1, $0x1  }
0x7: {  	s31 =	simm.s32 $0x6180;
	s10 =	simm.s32 $0x7580;
	s1 =	sor.u32 s0, s1  }
0x8: {  	s11 =	simm.s32 $0x8D80;
	s12 =	simm.s32 $0x9D80;
	s1 =	smul.u32 $0x180, s1  }
0x9: {  	s13 =	simm.s32 $0xA180;
	s14 =	simm.s32 $0x1;
	[smem:$0x7FF] =	sst s2  }
0xa: {  	s3 =	sadd.s32 $0x2000, s4;
	s7 =	sadd.s32 $0xA2000, s4;
	s1 =	sshrl.u32 s1, $0x3  }
0xb: {  	_ =	strace $0x80000047;
	s0 =	ssub.s32 $0x2, s0;
	s5 =	smul.u32 $0x1400, s1  }
0xc: {  	s24 =	sshrl.u32 s0, $0x1;
	s6 =	sadd.s32 s1, s4;
	s1 =	smul.u32 $0x280, s1  }
0xd: {  	s0 =	ssub.s32 s0, s24;
	s24 =	simm.s32 $0x3980;
	s6 =	sadd.s32 $0x1A00, s6  }
0xe: {  	s5 =	sshrl.u32 s5, $0x3;
	[dreg:$0x2] =	wrdreg s6;
	s22 =	sadd.s32 s7, s1  }
0xf: {  	s6 =	sadd.s32 $0x2200, s4;
	s5 =	sadd.s32 s7, s5;
	s25 =	sadd.s32 $0x3C00, s22  }
0x10: {  	[dreg:$0x6] =	wrdreg s22;
	s26 =	sadd.s32 $0x5A00, s22;
	s7 =	smax.u32 s0, $0x1  }
0x11: {  	v2 =	vlaneseq.u32;
	s22 =	simm.s32 $0x9580;
	s23 =	sadd.s32 $0x1E00, s5;
	[dreg:$0x4] =	wrdreg s25  }
0x12: {  	vm0 =	vmmov $0xffff;
	vm1 =	vmmov $0xff;
	v1 =	vshrl.u32 v2, $0x3;
	s5 =	sadd.s32 $0x2100, s4;
	[dreg:$0x5] =	wrdreg s26;
	s25 =	simm.s32 $0x3D80  }
0x13: {  	v0 =	vand.u32 $0x7, v2;
	v2 =	vor.u32 $0x8, v2;
	v1 =	vmul.u32 $0x8, v1;
	s26 =	simm.s32 $0x4580;
	[dreg:$0x3] =	wrdreg s23;
	s23 =	simm.s32 $0x3180  }
.LBB2_1:
0x14: {  	s15 =	rddreg [dreg:$0x2];
	s0 =	simm.s32 $0x5  }
0x15: {  	[tilespmem:s2], [sflag:$0x5] =	stream.linear.gather [hbm4b:s15+s2], $0x180, $0x38;
	[tilespmem:$0x1E180] =	vst v63  }
0x16: {  	_ =	swait.ge [sflag:s0], $0x180  }
0x17: {  	[sflag:s0] =	ssyncset.done $0x0  }
0x18: {  	[sflag:s0] =	ssyncadd.s32 $0xFFFFFE80  }
0x19: {  	v3 =	vld [tilespmem:$0x0];
	_ =	sdelay $0x4  }
0x1a: {  	v4 =	vshrl.u32 v3, $0x3  }
0x1b: {  	v4 =	vmul.u32 $0x28, v4  }
0x1c: {  	v3 =	vand.u32 $0x7, v3  }
0x1d: {  	v3 =	vor.u32 v3, v4  }
0x1e: {  	v4 =	vperm.xlane v3, v0;
	_ =	sdelay $0x1  }
0x1f: {  	v4 =	vadd.s32 v1, v4;
	_ =	sdelay $0x3  }
0x20: {  	s4 =	simm.s32 $0x180;
	v3 =	vperm.xlane v3, v2  }
0x21: {  	[tilespmem:s4], [sflag:$0x1] =	stream.indirect_vreg.gather [hbm4b:s3+s2], $0x80, v4, vm0, $0xb8;
	[tilespmem:$0x1E180] =	vst v63  }
0x22: {  	v3 =	vadd.s32 v1, v3  }
0x23: {  	[tilespmem:s16], [sflag:$0x1] =	stream.indirect_vreg.gather [hbm4b:s5+s2], $0x80, v4, vm0, $0xb8;
	[tilespmem:$0x1E180] =	vst v63  }
0x24: {  	_ = 	snop  }
0x25: {  	[tilespmem:s17], [sflag:$0x1] =	stream.indirect_vreg.gather [hbm4b:s6+s2], $0x80, v4, vm1, $0xb8;
	[tilespmem:$0x1E180] =	vst v63  }
0x26: {  	_ = 	snop  }
0x27: {  	[tilespmem:s18], [sflag:$0x1] =	stream.indirect_vreg.gather [hbm4b:s3+s2], $0x80, v3, vm0, $0xb8;
	[tilespmem:$0x1E180] =	vst v63  }
0x28: {  	_ = 	snop  }
0x29: {  	[tilespmem:s19], [sflag:$0x1] =	stream.indirect_vreg.gather [hbm4b:s5+s2], $0x80, v3, vm0, $0xb8;
	[tilespmem:$0x1E180] =	vst v63  }
0x2a: {  	_ = 	snop  }
0x2b: {  	[tilespmem:s20], [sflag:$0x1] =	stream.indirect_vreg.gather [hbm4b:s6+s2], $0x80, v3, vm1, $0xb8;
	[tilespmem:$0x1E180] =	vst v63  }
0x2c: {  	v3 =	vld [tilespmem:$0x10];
	_ =	sdelay $0x4  }
0x2d: {  	v41 =	vshrl.u32 v3, $0x3  }
0x2e: {  	v4 =	vmul.u32 $0x28, v41  }
0x2f: {  	v3 =	vand.u32 $0x7, v3  }
0x30: {  	v3 =	vor.u32 v3, v4  }
0x31: {  	v4 =	vperm.xlane v3, v0;
	_ =	sdelay $0x1  }
0x32: {  	v4 =	vadd.s32 v1, v4;
	_ =	sdelay $0x3  }
0x33: {  	v3 =	vperm.xlane v3, v2  }
0x34: {  	[tilespmem:s21], [sflag:$0x1] =	stream.indirect_vreg.gather [hbm4b:s3+s2], $0x80, v4, vm0, $0xb8;
	[tilespmem:$0x1E180] =	vst v63  }
0x35: {  	v3 =	vadd.s32 v1, v3  }
0x36: {  	[tilespmem:s23], [sflag:$0x1] =	stream.indirect_vreg.gather [hbm4b:s5+s2], $0x80, v4, vm0, $0xb8;
	[tilespmem:$0x1E180] =	vst v63  }
0x37: {  	_ = 	snop  }
0x38: {  	[tilespmem:s24], [sflag:$0x1] =	stream.indirect_vreg.gather [hbm4b:s6+s2], $0x80, v4, vm1, $0xb8;
	[tilespmem:$0x1E180] =	vst v63  }
0x39: {  	_ = 	snop  }
0x3a: {  	[tilespmem:s25], [sflag:$0x1] =	stream.indirect_vreg.gather [hbm4b:s3+s2], $0x80, v3, vm0, $0xb8;
	[tilespmem:$0x1E180] =	vst v63  }
0x3b: {  	_ = 	snop  }
0x3c: {  	[tilespmem:s26], [sflag:$0x1] =	stream.indirect_vreg.gather [hbm4b:s5+s2], $0x80, v3, vm0, $0xb8;
	[tilespmem:$0x1E180] =	vst v63  }
0x3d: {  	_ = 	snop  }
0x3e: {  	[tilespmem:s28], [sflag:$0x1] =	stream.indirect_vreg.gather [hbm4b:s6+s2], $0x80, v3, vm1, $0xb8;
	[tilespmem:$0x1E180] =	vst v63  }
0x3f: {  	v3 =	vld [tilespmem:$0x20];
	_ =	sdelay $0x4  }
0x40: {  	v42 =	vshrl.u32 v3, $0x3  }
0x41: {  	v4 =	vmul.u32 $0x28, v42  }
0x42: {  	v3 =	vand.u32 $0x7, v3  }
0x43: {  	v3 =	vor.u32 v3, v4  }
0x44: {  	v4 =	vperm.xlane v3, v0;
	_ =	sdelay $0x1  }
0x45: {  	v4 =	vadd.s32 v1, v4;
	_ =	sdelay $0x3  }
0x46: {  	v3 =	vperm.xlane v3, v2  }
0x47: {  	[tilespmem:s29], [sflag:$0x1] =	stream.indirect_vreg.gather [hbm4b:s3+s2], $0x80, v4, vm0, $0xb8;
	[tilespmem:$0x1E180] =	vst v63  }
0x48: {  	v3 =	vadd.s32 v1, v3  }
0x49: {  	[tilespmem:s30], [sflag:$0x1] =	stream.indirect_vreg.gather [hbm4b:s5+s2], $0x80, v4, vm0, $0xb8;
	[tilespmem:$0x1E180] =	vst v63  }
0x4a: {  	_ = 	snop  }
0x4b: {  	[tilespmem:s31], [sflag:$0x1] =	stream.indirect_vreg.gather [hbm4b:s6+s2], $0x80, v4, vm1, $0xb8;
	[tilespmem:$0x1E180] =	vst v63  }
0x4c: {  	s8 =	simm.s32 $0x6580  }
0x4d: {  	[tilespmem:s8], [sflag:$0x1] =	stream.indirect_vreg.gather [hbm4b:s3+s2], $0x80, v3, vm0, $0xb8;
	[tilespmem:$0x1E180] =	vst v63  }
0x4e: {  	s15 =	simm.s32 $0x6D80  }
0x4f: {  	[tilespmem:s15], [sflag:$0x1] =	stream.indirect_vreg.gather [hbm4b:s5+s2], $0x80, v3, vm0, $0xb8;
	[tilespmem:$0x1E180] =	vst v63  }
0x50: {  	_ = 	snop  }
0x51: {  	[tilespmem:s10], [sflag:$0x1] =	stream.indirect_vreg.gather [hbm4b:s6+s2], $0x80, v3, vm1, $0xb8;
	[tilespmem:$0x1E180] =	vst v63  }
0x52: {  	v3 =	vld [tilespmem:$0x30];
	_ =	sdelay $0x4  }
0x53: {  	v43 =	vshrl.u32 v3, $0x3  }
0x54: {  	v4 =	vmul.u32 $0x28, v43  }
0x55: {  	v3 =	vand.u32 $0x7, v3  }
0x56: {  	v3 =	vor.u32 v3, v4  }
0x57: {  	v4 =	vperm.xlane v3, v0;
	_ =	sdelay $0x1  }
0x58: {  	v4 =	vadd.s32 v1, v4;
	_ =	sdelay $0x3  }
0x59: {  	s1 =	simm.s32 $0x7980;
	v3 =	vperm.xlane v3, v2  }
0x5a: {  	[tilespmem:s1], [sflag:$0x1] =	stream.indirect_vreg.gather [hbm4b:s3+s2], $0x80, v4, vm0, $0xb8;
	[tilespmem:$0x1E180] =	vst v63  }
0x5b: {  	s8 =	simm.s32 $0x8180;
	v3 =	vadd.s32 v1, v3  }
0x5c: {  	[tilespmem:s8], [sflag:$0x1] =	stream.indirect_vreg.gather [hbm4b:s5+s2], $0x80, v4, vm0, $0xb8;
	[tilespmem:$0x1E180] =	vst v63  }
0x5d: {  	s4 =	simm.s32 $0x8980  }
0x5e: {  	[tilespmem:s4], [sflag:$0x1] =	stream.indirect_vreg.gather [hbm4b:s6+s2], $0x80, v4, vm1, $0xb8;
	[tilespmem:$0x1E180] =	vst v63  }
0x5f: {  	_ = 	snop  }
0x60: {  	[tilespmem:s11], [sflag:$0x1] =	stream.indirect_vreg.gather [hbm4b:s3+s2], $0x80, v3, vm0, $0xb8;
	[tilespmem:$0x1E180] =	vst v63  }
0x61: {  	_ = 	snop  }
0x62: {  	[tilespmem:s22], [sflag:$0x1] =	stream.indirect_vreg.gather [hbm4b:s5+s2], $0x80, v3, vm0, $0xb8;
	[tilespmem:$0x1E180] =	vst v63  }
0x63: {  	_ = 	snop  }
0x64: {  	[tilespmem:s12], [sflag:$0x1] =	stream.indirect_vreg.gather [hbm4b:s6+s2], $0x80, v3, vm1, $0xb8;
	[tilespmem:$0x1E180] =	vst v63  }
0x65: {  	v3 =	vld [tilespmem:$0x40];
	_ =	sdelay $0x4  }
0x66: {  	v44 =	vshrl.u32 v3, $0x3  }
0x67: {  	v4 =	vmul.u32 $0x28, v44  }
0x68: {  	v3 =	vand.u32 $0x7, v3  }
0x69: {  	v3 =	vor.u32 v3, v4  }
0x6a: {  	v4 =	vperm.xlane v3, v0;
	_ =	sdelay $0x1  }
0x6b: {  	v4 =	vadd.s32 v1, v4;
	_ =	sdelay $0x3  }
0x6c: {  	v3 =	vperm.xlane v3, v2  }
0x6d: {  	[tilespmem:s13], [sflag:$0x1] =	stream.indirect_vreg.gather [hbm4b:s3+s2], $0x80, v4, vm0, $0xb8;
	[tilespmem:$0x1E180] =	vst v63  }
0x6e: {  	s15 =	simm.s32 $0xA980;
	v3 =	vadd.s32 v1, v3  }
0x6f: {  	[tilespmem:s15], [sflag:$0x1] =	stream.indirect_vreg.gather [hbm4b:s5+s2], $0x80, v4, vm0, $0xb8;
	[tilespmem:$0x1E180] =	vst v63  }
0x70: {  	s1 =	simm.s32 $0xB180  }
0x71: {  	[tilespmem:s1], [sflag:$0x1] =	stream.indirect_vreg.gather [hbm4b:s6+s2], $0x80, v4, vm1, $0xb8;
	[tilespmem:$0x1E180] =	vst v63  }
0x72: {  	s4 =	simm.s32 $0xB580  }
0x73: {  	[tilespmem:s4], [sflag:$0x1] =	stream.indirect_vreg.gather [hbm4b:s3+s2], $0x80, v3, vm0, $0xb8;
	[tilespmem:$0x1E180] =	vst v63  }
0x74: {  	s15 =	simm.s32 $0xBD80  }
0x75: {  	[tilespmem:s15], [sflag:$0x1] =	stream.indirect_vreg.gather [hbm4b:s5+s2], $0x80, v3, vm0, $0xb8;
	[tilespmem:$0x1E180] =	vst v63  }
0x76: {  	s1 =	simm.s32 $0xC580  }
0x77: {  	[tilespmem:s1], [sflag:$0x1] =	stream.indirect_vreg.gather [hbm4b:s6+s2], $0x80, v3, vm1, $0xb8;
	[tilespmem:$0x1E180] =	vst v63  }
0x78: {  	v3 =	vld [tilespmem:$0x50];
	_ =	sdelay $0x4  }
0x79: {  	v45 =	vshrl.u32 v3, $0x3  }
0x7a: {  	v4 =	vmul.u32 $0x28, v45  }
0x7b: {  	v3 =	vand.u32 $0x7, v3  }
0x7c: {  	v3 =	vor.u32 v3, v4  }
0x7d: {  	v4 =	vperm.xlane v3, v0;
	_ =	sdelay $0x1  }
0x7e: {  	v4 =	vadd.s32 v1, v4;
	_ =	sdelay $0x3  }
0x7f: {  	s4 =	simm.s32 $0xC980;
	v3 =	vperm.xlane v3, v2  }
0x80: {  	[tilespmem:s4], [sflag:$0x1] =	stream.indirect_vreg.gather [hbm4b:s3+s2], $0x80, v4, vm0, $0xb8;
	[tilespmem:$0x1E180] =	vst v63  }
0x81: {  	s15 =	simm.s32 $0xD180;
	v3 =	vadd.s32 v1, v3  }
0x82: {  	[tilespmem:s15], [sflag:$0x1] =	stream.indirect_vreg.gather [hbm4b:s5+s2], $0x80, v4, vm0, $0xb8;
	[tilespmem:$0x1E180] =	vst v63  }
0x83: {  	s1 =	simm.s32 $0xD980  }
0x84: {  	[tilespmem:s1], [sflag:$0x1] =	stream.indirect_vreg.gather [hbm4b:s6+s2], $0x80, v4, vm1, $0xb8;
	[tilespmem:$0x1E180] =	vst v63  }
0x85: {  	s4 =	simm.s32 $0xDD80  }
0x86: {  	[tilespmem:s4], [sflag:$0x1] =	stream.indirect_vreg.gather [hbm4b:s3+s2], $0x80, v3, vm0, $0xb8;
	[tilespmem:$0x1E180] =	vst v63  }
0x87: {  	s15 =	simm.s32 $0xE580  }
0x88: {  	[tilespmem:s15], [sflag:$0x1] =	stream.indirect_vreg.gather [hbm4b:s5+s2], $0x80, v3, vm0, $0xb8;
	[tilespmem:$0x1E180] =	vst v63  }
0x89: {  	s1 =	simm.s32 $0xED80  }
0x8a: {  	[tilespmem:s1], [sflag:$0x1] =	stream.indirect_vreg.gather [hbm4b:s6+s2], $0x80, v3, vm1, $0xb8;
	[tilespmem:$0x1E180] =	vst v63  }
0x8b: {  	v3 =	vld [tilespmem:$0x60];
	_ =	sdelay $0x4  }
0x8c: {  	v46 =	vshrl.u32 v3, $0x3  }
0x8d: {  	v4 =	vmul.u32 $0x28, v46  }
0x8e: {  	v3 =	vand.u32 $0x7, v3  }
0x8f: {  	v3 =	vor.u32 v3, v4  }
0x90: {  	v4 =	vperm.xlane v3, v0;
	_ =	sdelay $0x1  }
0x91: {  	v4 =	vadd.s32 v1, v4;
	_ =	sdelay $0x3  }
0x92: {  	s0 =	simm.s32 $0xF180;
	v3 =	vperm.xlane v3, v2  }
0x93: {  	[tilespmem:s0], [sflag:$0x2] =	stream.indirect_vreg.gather [hbm4b:s3+s2], $0x80, v4, vm0, $0xb8;
	[tilespmem:$0x1E180] =	vst v63  }
0x94: {  	s1 =	simm.s32 $0xF980;
	v3 =	vadd.s32 v1, v3  }
0x95: {  	[tilespmem:s1], [sflag:$0x2] =	stream.indirect_vreg.gather [hbm4b:s5+s2], $0x80, v4, vm0, $0xb8;
	[tilespmem:$0x1E180] =	vst v63  }
0x96: {  	s4 =	simm.s32 $0x10180  }
0x97: {  	[tilespmem:s4], [sflag:$0x2] =	stream.indirect_vreg.gather [hbm4b:s6+s2], $0x80, v4, vm1, $0xb8;
	[tilespmem:$0x1E180] =	vst v63  }
0x98: {  	s15 =	simm.s32 $0x10580  }
0x99: {  	[tilespmem:s15], [sflag:$0x2] =	stream.indirect_vreg.gather [hbm4b:s3+s2], $0x80, v3, vm0, $0xb8;
	[tilespmem:$0x1E180] =	vst v63  }
0x9a: {  	s4 =	simm.s32 $0x10D80  }
0x9b: {  	[tilespmem:s4], [sflag:$0x2] =	stream.indirect_vreg.gather [hbm4b:s5+s2], $0x80, v3, vm0, $0xb8;
	[tilespmem:$0x1E180] =	vst v63  }
0x9c: {  	s15 =	simm.s32 $0x11580  }
0x9d: {  	[tilespmem:s15], [sflag:$0x2] =	stream.indirect_vreg.gather [hbm4b:s6+s2], $0x80, v3, vm1, $0xb8;
	[tilespmem:$0x1E180] =	vst v63  }
0x9e: {  	v3 =	vld [tilespmem:$0x70];
	_ =	sdelay $0x4  }
0x9f: {  	v47 =	vshrl.u32 v3, $0x3  }
0xa0: {  	v4 =	vmul.u32 $0x28, v47  }
0xa1: {  	v3 =	vand.u32 $0x7, v3  }
0xa2: {  	v3 =	vor.u32 v3, v4  }
0xa3: {  	v4 =	vperm.xlane v3, v0;
	_ =	sdelay $0x1  }
0xa4: {  	v4 =	vadd.s32 v1, v4;
	_ =	sdelay $0x3  }
0xa5: {  	s4 =	simm.s32 $0x11980;
	v3 =	vperm.xlane v3, v2  }
0xa6: {  	[tilespmem:s4], [sflag:$0x2] =	stream.indirect_vreg.gather [hbm4b:s3+s2], $0x80, v4, vm0, $0xb8;
	[tilespmem:$0x1E180] =	vst v63  }
0xa7: {  	s15 =	simm.s32 $0x12180;
	v3 =	vadd.s32 v1, v3  }
0xa8: {  	[tilespmem:s15], [sflag:$0x2] =	stream.indirect_vreg.gather [hbm4b:s5+s2], $0x80, v4, vm0, $0xb8;
	[tilespmem:$0x1E180] =	vst v63  }
0xa9: {  	s4 =	simm.s32 $0x12980  }
0xaa: {  	[tilespmem:s4], [sflag:$0x2] =	stream.indirect_vreg.gather [hbm4b:s6+s2], $0x80, v4, vm1, $0xb8;
	[tilespmem:$0x1E180] =	vst v63  }
0xab: {  	s15 =	simm.s32 $0x12D80  }
0xac: {  	[tilespmem:s15], [sflag:$0x2] =	stream.indirect_vreg.gather [hbm4b:s3+s2], $0x80, v3, vm0, $0xb8;
	[tilespmem:$0x1E180] =	vst v63  }
0xad: {  	s4 =	simm.s32 $0x13580  }
0xae: {  	[tilespmem:s4], [sflag:$0x2] =	stream.indirect_vreg.gather [hbm4b:s5+s2], $0x80, v3, vm0, $0xb8;
	[tilespmem:$0x1E180] =	vst v63  }
0xaf: {  	s15 =	simm.s32 $0x13D80  }
0xb0: {  	[tilespmem:s15], [sflag:$0x2] =	stream.indirect_vreg.gather [hbm4b:s6+s2], $0x80, v3, vm1, $0xb8;
	[tilespmem:$0x1E180] =	vst v63  }
0xb1: {  	v3 =	vld [tilespmem:$0x80];
	_ =	sdelay $0x4  }
0xb2: {  	v48 =	vshrl.u32 v3, $0x3  }
0xb3: {  	v4 =	vmul.u32 $0x28, v48  }
0xb4: {  	v3 =	vand.u32 $0x7, v3  }
0xb5: {  	v3 =	vor.u32 v3, v4  }
0xb6: {  	v4 =	vperm.xlane v3, v0;
	_ =	sdelay $0x1  }
0xb7: {  	v4 =	vadd.s32 v1, v4;
	_ =	sdelay $0x3  }
0xb8: {  	s4 =	simm.s32 $0x14180;
	v3 =	vperm.xlane v3, v2  }
0xb9: {  	[tilespmem:s4], [sflag:$0x2] =	stream.indirect_vreg.gather [hbm4b:s3+s2], $0x80, v4, vm0, $0xb8;
	[tilespmem:$0x1E180] =	vst v63  }
0xba: {  	s15 =	simm.s32 $0x14980;
	v3 =	vadd.s32 v1, v3  }
0xbb: {  	[tilespmem:s15], [sflag:$0x2] =	stream.indirect_vreg.gather [hbm4b:s5+s2], $0x80, v4, vm0, $0xb8;
	[tilespmem:$0x1E180] =	vst v63  }
0xbc: {  	s4 =	simm.s32 $0x15180  }
0xbd: {  	[tilespmem:s4], [sflag:$0x2] =	stream.indirect_vreg.gather [hbm4b:s6+s2], $0x80, v4, vm1, $0xb8;
	[tilespmem:$0x1E180] =	vst v63  }
0xbe: {  	s15 =	simm.s32 $0x15580  }
0xbf: {  	[tilespmem:s15], [sflag:$0x2] =	stream.indirect_vreg.gather [hbm4b:s3+s2], $0x80, v3, vm0, $0xb8;
	[tilespmem:$0x1E180] =	vst v63  }
0xc0: {  	s4 =	simm.s32 $0x15D80  }
0xc1: {  	[tilespmem:s4], [sflag:$0x2] =	stream.indirect_vreg.gather [hbm4b:s5+s2], $0x80, v3, vm0, $0xb8;
	[tilespmem:$0x1E180] =	vst v63  }
0xc2: {  	s15 =	simm.s32 $0x16580  }
0xc3: {  	[tilespmem:s15], [sflag:$0x2] =	stream.indirect_vreg.gather [hbm4b:s6+s2], $0x80, v3, vm1, $0xb8;
	[tilespmem:$0x1E180] =	vst v63  }
0xc4: {  	v3 =	vld [tilespmem:$0x90];
	_ =	sdelay $0x4  }
0xc5: {  	v49 =	vshrl.u32 v3, $0x3  }
0xc6: {  	v4 =	vmul.u32 $0x28, v49  }
0xc7: {  	v3 =	vand.u32 $0x7, v3  }
0xc8: {  	v3 =	vor.u32 v3, v4  }
0xc9: {  	v4 =	vperm.xlane v3, v0;
	_ =	sdelay $0x1  }
0xca: {  	v4 =	vadd.s32 v1, v4;
	_ =	sdelay $0x3  }
0xcb: {  	s4 =	simm.s32 $0x16980;
	v3 =	vperm.xlane v3, v2  }
0xcc: {  	[tilespmem:s4], [sflag:$0x2] =	stream.indirect_vreg.gather [hbm4b:s3+s2], $0x80, v4, vm0, $0xb8;
	[tilespmem:$0x1E180] =	vst v63  }
0xcd: {  	s15 =	simm.s32 $0x17180;
	v3 =	vadd.s32 v1, v3  }
0xce: {  	[tilespmem:s15], [sflag:$0x2] =	stream.indirect_vreg.gather [hbm4b:s5+s2], $0x80, v4, vm0, $0xb8;
	[tilespmem:$0x1E180] =	vst v63  }
0xcf: {  	s4 =	simm.s32 $0x17980  }
0xd0: {  	[tilespmem:s4], [sflag:$0x2] =	stream.indirect_vreg.gather [hbm4b:s6+s2], $0x80, v4, vm1, $0xb8;
	[tilespmem:$0x1E180] =	vst v63  }
0xd1: {  	s15 =	simm.s32 $0x17D80  }
0xd2: {  	[tilespmem:s15], [sflag:$0x2] =	stream.indirect_vreg.gather [hbm4b:s3+s2], $0x80, v3, vm0, $0xb8;
	[tilespmem:$0x1E180] =	vst v63  }
0xd3: {  	s4 =	simm.s32 $0x18580  }
0xd4: {  	[tilespmem:s4], [sflag:$0x2] =	stream.indirect_vreg.gather [hbm4b:s5+s2], $0x80, v3, vm0, $0xb8;
	[tilespmem:$0x1E180] =	vst v63  }
0xd5: {  	s15 =	simm.s32 $0x18D80  }
0xd6: {  	[tilespmem:s15], [sflag:$0x2] =	stream.indirect_vreg.gather [hbm4b:s6+s2], $0x80, v3, vm1, $0xb8;
	[tilespmem:$0x1E180] =	vst v63  }
0xd7: {  	v3 =	vld [tilespmem:$0xA0];
	_ =	sdelay $0x4  }
0xd8: {  	v50 =	vshrl.u32 v3, $0x3  }
0xd9: {  	v4 =	vmul.u32 $0x28, v50  }
0xda: {  	v3 =	vand.u32 $0x7, v3  }
0xdb: {  	v3 =	vor.u32 v3, v4  }
0xdc: {  	v4 =	vperm.xlane v3, v0;
	_ =	sdelay $0x1  }
0xdd: {  	v4 =	vadd.s32 v1, v4;
	_ =	sdelay $0x3  }
0xde: {  	s4 =	simm.s32 $0x19180;
	v3 =	vperm.xlane v3, v2  }
0xdf: {  	[tilespmem:s4], [sflag:$0x2] =	stream.indirect_vreg.gather [hbm4b:s3+s2], $0x80, v4, vm0, $0xb8;
	[tilespmem:$0x1E180] =	vst v63  }
0xe0: {  	s15 =	simm.s32 $0x19980;
	v3 =	vadd.s32 v1, v3  }
0xe1: {  	[tilespmem:s15], [sflag:$0x2] =	stream.indirect_vreg.gather [hbm4b:s5+s2], $0x80, v4, vm0, $0xb8;
	[tilespmem:$0x1E180] =	vst v63  }
0xe2: {  	s4 =	simm.s32 $0x1A180  }
0xe3: {  	[tilespmem:s4], [sflag:$0x2] =	stream.indirect_vreg.gather [hbm4b:s6+s2], $0x80, v4, vm1, $0xb8;
	[tilespmem:$0x1E180] =	vst v63  }
0xe4: {  	s15 =	simm.s32 $0x1A580  }
0xe5: {  	[tilespmem:s15], [sflag:$0x2] =	stream.indirect_vreg.gather [hbm4b:s3+s2], $0x80, v3, vm0, $0xb8;
	[tilespmem:$0x1E180] =	vst v63  }
0xe6: {  	s4 =	simm.s32 $0x1AD80  }
0xe7: {  	[tilespmem:s4], [sflag:$0x2] =	stream.indirect_vreg.gather [hbm4b:s5+s2], $0x80, v3, vm0, $0xb8;
	[tilespmem:$0x1E180] =	vst v63  }
0xe8: {  	s15 =	simm.s32 $0x1B580  }
0xe9: {  	[tilespmem:s15], [sflag:$0x2] =	stream.indirect_vreg.gather [hbm4b:s6+s2], $0x80, v3, vm1, $0xb8;
	[tilespmem:$0x1E180] =	vst v63  }
0xea: {  	v3 =	vld [tilespmem:$0xB0];
	_ =	sdelay $0x4  }
0xeb: {  	v51 =	vshrl.u32 v3, $0x3  }
0xec: {  	v4 =	vmul.u32 $0x28, v51  }
0xed: {  	v3 =	vand.u32 $0x7, v3  }
0xee: {  	v3 =	vor.u32 v3, v4  }
0xef: {  	v4 =	vperm.xlane v3, v0;
	_ =	sdelay $0x1  }
0xf0: {  	v4 =	vadd.s32 v1, v4;
	_ =	sdelay $0x3  }
0xf1: {  	s4 =	simm.s32 $0x1B980;
	v3 =	vperm.xlane v3, v2  }
0xf2: {  	[tilespmem:s4], [sflag:$0x2] =	stream.indirect_vreg.gather [hbm4b:s3+s2], $0x80, v4, vm0, $0xb8;
	[tilespmem:$0x1E180] =	vst v63  }
0xf3: {  	s15 =	simm.s32 $0x1C180;
	v3 =	vadd.s32 v1, v3  }
0xf4: {  	[tilespmem:s15], [sflag:$0x2] =	stream.indirect_vreg.gather [hbm4b:s5+s2], $0x80, v4, vm0, $0xb8;
	[tilespmem:$0x1E180] =	vst v63  }
0xf5: {  	s4 =	simm.s32 $0x1C980  }
0xf6: {  	[tilespmem:s4], [sflag:$0x2] =	stream.indirect_vreg.gather [hbm4b:s6+s2], $0x80, v4, vm1, $0xb8;
	[tilespmem:$0x1E180] =	vst v63  }
0xf7: {  	s15 =	simm.s32 $0x1CD80  }
0xf8: {  	[tilespmem:s15], [sflag:$0x2] =	stream.indirect_vreg.gather [hbm4b:s3+s2], $0x80, v3, vm0, $0xb8;
	[tilespmem:$0x1E180] =	vst v63  }
0xf9: {  	s4 =	simm.s32 $0x1D580  }
0xfa: {  	[tilespmem:s4], [sflag:$0x2] =	stream.indirect_vreg.gather [hbm4b:s5+s2], $0x80, v3, vm0, $0xb8;
	[tilespmem:$0x1E180] =	vst v63  }
0xfb: {  	s15 =	simm.s32 $0x1DD80  }
0xfc: {  	[tilespmem:s15], [sflag:$0x2] =	stream.indirect_vreg.gather [hbm4b:s6+s2], $0x80, v3, vm1, $0xb8;
	[tilespmem:$0x1E180] =	vst v63  }
0xfd: {  	_ =	swait.ge [sflag:s14], $0xF000  }
0xfe: {  	[sflag:s14] =	ssyncset.done $0x0  }
0xff: {  	s4 =	simm.s32 $0x180;
	s1 =	rddreg [dreg:$0x6];
	[sflag:s14] =	ssyncadd.s32 $0xFFFF1000  }
0x100: {  	[hbm4b:s1+s2] =	stream.linear.scatter [tilespmem:s4], [sflag:$0x3], $0xF000, $0x38;
	[tilespmem:$0x1E180] =	vst v63  }
0x101: {  	s1 =	simm.s32 $0x3  }
0x102: {  	_ =	swait.ge [sflag:s1], $0xF000  }
0x103: {  	[sflag:s1] =	ssyncset.done $0x0  }
0x104: {  	[sflag:s1] =	ssyncadd.s32 $0xFFFF1000  }
0x105: {  	v3 =	vld [tilespmem:$0xC0];
	_ =	sdelay $0x4  }
0x106: {  	v52 =	vshrl.u32 v3, $0x3  }
0x107: {  	v4 =	vmul.u32 $0x28, v52  }
0x108: {  	v3 =	vand.u32 $0x7, v3  }
0x109: {  	v3 =	vor.u32 v3, v4  }
0x10a: {  	v4 =	vperm.xlane v3, v0;
	_ =	sdelay $0x1  }
0x10b: {  	v4 =	vadd.s32 v1, v4;
	_ =	sdelay $0x3  }
0x10c: {  	v3 =	vperm.xlane v3, v2  }
0x10d: {  	[tilespmem:s4], [sflag:$0x1] =	stream.indirect_vreg.gather [hbm4b:s3+s2], $0x80, v4, vm0, $0xb8;
	[tilespmem:$0x1E180] =	vst v63  }
0x10e: {  	v3 =	vadd.s32 v1, v3  }
0x10f: {  	[tilespmem:s16], [sflag:$0x1] =	stream.indirect_vreg.gather [hbm4b:s5+s2], $0x80, v4, vm0, $0xb8;
	[tilespmem:$0x1E180] =	vst v63  }
0x110: {  	_ = 	snop  }
0x111: {  	[tilespmem:s17], [sflag:$0x1] =	stream.indirect_vreg.gather [hbm4b:s6+s2], $0x80, v4, vm1, $0xb8;
	[tilespmem:$0x1E180] =	vst v63  }
0x112: {  	_ = 	snop  }
0x113: {  	[tilespmem:s18], [sflag:$0x1] =	stream.indirect_vreg.gather [hbm4b:s3+s2], $0x80, v3, vm0, $0xb8;
	[tilespmem:$0x1E180] =	vst v63  }
0x114: {  	_ = 	snop  }
0x115: {  	[tilespmem:s19], [sflag:$0x1] =	stream.indirect_vreg.gather [hbm4b:s5+s2], $0x80, v3, vm0, $0xb8;
	[tilespmem:$0x1E180] =	vst v63  }
0x116: {  	_ = 	snop  }
0x117: {  	[tilespmem:s20], [sflag:$0x1] =	stream.indirect_vreg.gather [hbm4b:s6+s2], $0x80, v3, vm1, $0xb8;
	[tilespmem:$0x1E180] =	vst v63  }
0x118: {  	v3 =	vld [tilespmem:$0xD0];
	_ =	sdelay $0x4  }
0x119: {  	v53 =	vshrl.u32 v3, $0x3  }
0x11a: {  	v4 =	vmul.u32 $0x28, v53  }
0x11b: {  	v3 =	vand.u32 $0x7, v3  }
0x11c: {  	v3 =	vor.u32 v3, v4  }
0x11d: {  	v4 =	vperm.xlane v3, v0;
	_ =	sdelay $0x1  }
0x11e: {  	v4 =	vadd.s32 v1, v4;
	_ =	sdelay $0x3  }
0x11f: {  	v3 =	vperm.xlane v3, v2  }
0x120: {  	[tilespmem:s21], [sflag:$0x1] =	stream.indirect_vreg.gather [hbm4b:s3+s2], $0x80, v4, vm0, $0xb8;
	[tilespmem:$0x1E180] =	vst v63  }
0x121: {  	v3 =	vadd.s32 v1, v3  }
0x122: {  	[tilespmem:s23], [sflag:$0x1] =	stream.indirect_vreg.gather [hbm4b:s5+s2], $0x80, v4, vm0, $0xb8;
	[tilespmem:$0x1E180] =	vst v63  }
0x123: {  	_ = 	snop  }
0x124: {  	[tilespmem:s24], [sflag:$0x1] =	stream.indirect_vreg.gather [hbm4b:s6+s2], $0x80, v4, vm1, $0xb8;
	[tilespmem:$0x1E180] =	vst v63  }
0x125: {  	_ = 	snop  }
0x126: {  	[tilespmem:s25], [sflag:$0x1] =	stream.indirect_vreg.gather [hbm4b:s3+s2], $0x80, v3, vm0, $0xb8;
	[tilespmem:$0x1E180] =	vst v63  }
0x127: {  	_ = 	snop  }
0x128: {  	[tilespmem:s26], [sflag:$0x1] =	stream.indirect_vreg.gather [hbm4b:s5+s2], $0x80, v3, vm0, $0xb8;
	[tilespmem:$0x1E180] =	vst v63  }
0x129: {  	_ = 	snop  }
0x12a: {  	[tilespmem:s28], [sflag:$0x1] =	stream.indirect_vreg.gather [hbm4b:s6+s2], $0x80, v3, vm1, $0xb8;
	[tilespmem:$0x1E180] =	vst v63  }
0x12b: {  	v3 =	vld [tilespmem:$0xE0];
	_ =	sdelay $0x4  }
0x12c: {  	v54 =	vshrl.u32 v3, $0x3  }
0x12d: {  	v4 =	vmul.u32 $0x28, v54  }
0x12e: {  	v3 =	vand.u32 $0x7, v3  }
0x12f: {  	v3 =	vor.u32 v3, v4  }
0x130: {  	v4 =	vperm.xlane v3, v0;
	_ =	sdelay $0x1  }
0x131: {  	v4 =	vadd.s32 v1, v4;
	_ =	sdelay $0x3  }
0x132: {  	v3 =	vperm.xlane v3, v2  }
0x133: {  	[tilespmem:s29], [sflag:$0x1] =	stream.indirect_vreg.gather [hbm4b:s3+s2], $0x80, v4, vm0, $0xb8;
	[tilespmem:$0x1E180] =	vst v63  }
0x134: {  	v3 =	vadd.s32 v1, v3  }
0x135: {  	[tilespmem:s30], [sflag:$0x1] =	stream.indirect_vreg.gather [hbm4b:s5+s2], $0x80, v4, vm0, $0xb8;
	[tilespmem:$0x1E180] =	vst v63  }
0x136: {  	_ = 	snop  }
0x137: {  	[tilespmem:s31], [sflag:$0x1] =	stream.indirect_vreg.gather [hbm4b:s6+s2], $0x80, v4, vm1, $0xb8;
	[tilespmem:$0x1E180] =	vst v63  }
0x138: {  	s15 =	simm.s32 $0x6580  }
0x139: {  	[tilespmem:s15], [sflag:$0x1] =	stream.indirect_vreg.gather [hbm4b:s3+s2], $0x80, v3, vm0, $0xb8;
	[tilespmem:$0x1E180] =	vst v63  }
0x13a: {  	s15 =	simm.s32 $0x6D80  }
0x13b: {  	[tilespmem:s15], [sflag:$0x1] =	stream.indirect_vreg.gather [hbm4b:s5+s2], $0x80, v3, vm0, $0xb8;
	[tilespmem:$0x1E180] =	vst v63  }
0x13c: {  	_ = 	snop  }
0x13d: {  	[tilespmem:s10], [sflag:$0x1] =	stream.indirect_vreg.gather [hbm4b:s6+s2], $0x80, v3, vm1, $0xb8;
	[tilespmem:$0x1E180] =	vst v63  }
0x13e: {  	v3 =	vld [tilespmem:$0xF0];
	_ =	sdelay $0x4  }
0x13f: {  	v55 =	vshrl.u32 v3, $0x3  }
0x140: {  	v4 =	vmul.u32 $0x28, v55  }
0x141: {  	v3 =	vand.u32 $0x7, v3  }
0x142: {  	v3 =	vor.u32 v3, v4  }
0x143: {  	v4 =	vperm.xlane v3, v0;
	_ =	sdelay $0x1  }
0x144: {  	v4 =	vadd.s32 v1, v4;
	_ =	sdelay $0x3  }
0x145: {  	s15 =	simm.s32 $0x7980;
	v3 =	vperm.xlane v3, v2  }
0x146: {  	[tilespmem:s15], [sflag:$0x1] =	stream.indirect_vreg.gather [hbm4b:s3+s2], $0x80, v4, vm0, $0xb8;
	[tilespmem:$0x1E180] =	vst v63  }
0x147: {  	v3 =	vadd.s32 v1, v3  }
0x148: {  	[tilespmem:s8], [sflag:$0x1] =	stream.indirect_vreg.gather [hbm4b:s5+s2], $0x80, v4, vm0, $0xb8;
	[tilespmem:$0x1E180] =	vst v63  }
0x149: {  	s8 =	simm.s32 $0x8980  }
0x14a: {  	[tilespmem:s8], [sflag:$0x1] =	stream.indirect_vreg.gather [hbm4b:s6+s2], $0x80, v4, vm1, $0xb8;
	[tilespmem:$0x1E180] =	vst v63  }
0x14b: {  	_ = 	snop  }
0x14c: {  	[tilespmem:s11], [sflag:$0x1] =	stream.indirect_vreg.gather [hbm4b:s3+s2], $0x80, v3, vm0, $0xb8;
	[tilespmem:$0x1E180] =	vst v63  }
0x14d: {  	_ = 	snop  }
0x14e: {  	[tilespmem:s22], [sflag:$0x1] =	stream.indirect_vreg.gather [hbm4b:s5+s2], $0x80, v3, vm0, $0xb8;
	[tilespmem:$0x1E180] =	vst v63  }
0x14f: {  	_ = 	snop  }
0x150: {  	[tilespmem:s12], [sflag:$0x1] =	stream.indirect_vreg.gather [hbm4b:s6+s2], $0x80, v3, vm1, $0xb8;
	[tilespmem:$0x1E180] =	vst v63  }
0x151: {  	v3 =	vld [tilespmem:$0x100];
	_ =	sdelay $0x4  }
0x152: {  	v56 =	vshrl.u32 v3, $0x3  }
0x153: {  	v4 =	vmul.u32 $0x28, v56  }
0x154: {  	v3 =	vand.u32 $0x7, v3  }
0x155: {  	v3 =	vor.u32 v3, v4  }
0x156: {  	v4 =	vperm.xlane v3, v0;
	_ =	sdelay $0x1  }
0x157: {  	v4 =	vadd.s32 v1, v4;
	_ =	sdelay $0x3  }
0x158: {  	v3 =	vperm.xlane v3, v2  }
0x159: {  	[tilespmem:s13], [sflag:$0x1] =	stream.indirect_vreg.gather [hbm4b:s3+s2], $0x80, v4, vm0, $0xb8;
	[tilespmem:$0x1E180] =	vst v63  }
0x15a: {  	s15 =	simm.s32 $0xA980;
	v3 =	vadd.s32 v1, v3  }
0x15b: {  	[tilespmem:s15], [sflag:$0x1] =	stream.indirect_vreg.gather [hbm4b:s5+s2], $0x80, v4, vm0, $0xb8;
	[tilespmem:$0x1E180] =	vst v63  }
0x15c: {  	s8 =	simm.s32 $0xB180  }
0x15d: {  	[tilespmem:s8], [sflag:$0x1] =	stream.indirect_vreg.gather [hbm4b:s6+s2], $0x80, v4, vm1, $0xb8;
	[tilespmem:$0x1E180] =	vst v63  }
0x15e: {  	s15 =	simm.s32 $0xB580  }
0x15f: {  	[tilespmem:s15], [sflag:$0x1] =	stream.indirect_vreg.gather [hbm4b:s3+s2], $0x80, v3, vm0, $0xb8;
	[tilespmem:$0x1E180] =	vst v63  }
0x160: {  	s8 =	simm.s32 $0xBD80  }
0x161: {  	[tilespmem:s8], [sflag:$0x1] =	stream.indirect_vreg.gather [hbm4b:s5+s2], $0x80, v3, vm0, $0xb8;
	[tilespmem:$0x1E180] =	vst v63  }
0x162: {  	s15 =	simm.s32 $0xC580  }
0x163: {  	[tilespmem:s15], [sflag:$0x1] =	stream.indirect_vreg.gather [hbm4b:s6+s2], $0x80, v3, vm1, $0xb8;
	[tilespmem:$0x1E180] =	vst v63  }
0x164: {  	v3 =	vld [tilespmem:$0x110];
	_ =	sdelay $0x4  }
0x165: {  	v57 =	vshrl.u32 v3, $0x3  }
0x166: {  	v4 =	vmul.u32 $0x28, v57  }
0x167: {  	v3 =	vand.u32 $0x7, v3  }
0x168: {  	v3 =	vor.u32 v3, v4  }
0x169: {  	v4 =	vperm.xlane v3, v0;
	_ =	sdelay $0x1  }
0x16a: {  	v4 =	vadd.s32 v1, v4;
	_ =	sdelay $0x3  }
0x16b: {  	s8 =	simm.s32 $0xC980;
	v3 =	vperm.xlane v3, v2  }
0x16c: {  	[tilespmem:s8], [sflag:$0x1] =	stream.indirect_vreg.gather [hbm4b:s3+s2], $0x80, v4, vm0, $0xb8;
	[tilespmem:$0x1E180] =	vst v63  }
0x16d: {  	s15 =	simm.s32 $0xD180;
	v3 =	vadd.s32 v1, v3  }
0x16e: {  	[tilespmem:s15], [sflag:$0x1] =	stream.indirect_vreg.gather [hbm4b:s5+s2], $0x80, v4, vm0, $0xb8;
	[tilespmem:$0x1E180] =	vst v63  }
0x16f: {  	s8 =	simm.s32 $0xD980  }
0x170: {  	[tilespmem:s8], [sflag:$0x1] =	stream.indirect_vreg.gather [hbm4b:s6+s2], $0x80, v4, vm1, $0xb8;
	[tilespmem:$0x1E180] =	vst v63  }
0x171: {  	s15 =	simm.s32 $0xDD80  }
0x172: {  	[tilespmem:s15], [sflag:$0x1] =	stream.indirect_vreg.gather [hbm4b:s3+s2], $0x80, v3, vm0, $0xb8;
	[tilespmem:$0x1E180] =	vst v63  }
0x173: {  	s8 =	simm.s32 $0xE580  }
0x174: {  	[tilespmem:s8], [sflag:$0x1] =	stream.indirect_vreg.gather [hbm4b:s5+s2], $0x80, v3, vm0, $0xb8;
	[tilespmem:$0x1E180] =	vst v63  }
0x175: {  	s15 =	simm.s32 $0xED80;
	s8 =	simm.s32 $0x2  }
0x176: {  	[tilespmem:s15], [sflag:$0x1] =	stream.indirect_vreg.gather [hbm4b:s6+s2], $0x80, v3, vm1, $0xb8;
	[tilespmem:$0x1E180] =	vst v63  }
0x177: {  	_ =	swait.ge [sflag:s8], $0xF000  }
0x178: {  	[sflag:s8] =	ssyncset.done $0x0  }
0x179: {  	s4 =	rddreg [dreg:$0x3];
	[sflag:s8] =	ssyncadd.s32 $0xFFFF1000  }
0x17a: {  	[hbm4b:s4+s2] =	stream.linear.scatter [tilespmem:s0], [sflag:$0x4], $0xF000, $0x38;
	[tilespmem:$0x1E180] =	vst v63  }
0x17b: {  	_ =	swait.ge [sflag:s9], $0xF000  }
0x17c: {  	[sflag:s9] =	ssyncset.done $0x0  }
0x17d: {  	[sflag:s9] =	ssyncadd.s32 $0xFFFF1000  }
0x17e: {  	v3 =	vld [tilespmem:$0x120];
	_ =	sdelay $0x4  }
0x17f: {  	v58 =	vshrl.u32 v3, $0x3  }
0x180: {  	v4 =	vmul.u32 $0x28, v58  }
0x181: {  	v3 =	vand.u32 $0x7, v3  }
0x182: {  	v3 =	vor.u32 v3, v4  }
0x183: {  	v4 =	vperm.xlane v3, v0;
	_ =	sdelay $0x1  }
0x184: {  	v4 =	vadd.s32 v1, v4;
	_ =	sdelay $0x3  }
0x185: {  	v3 =	vperm.xlane v3, v2  }
0x186: {  	[tilespmem:s0], [sflag:$0x2] =	stream.indirect_vreg.gather [hbm4b:s3+s2], $0x80, v4, vm0, $0xb8;
	[tilespmem:$0x1E180] =	vst v63  }
0x187: {  	s15 =	simm.s32 $0xF980;
	v3 =	vadd.s32 v1, v3  }
0x188: {  	[tilespmem:s15], [sflag:$0x2] =	stream.indirect_vreg.gather [hbm4b:s5+s2], $0x80, v4, vm0, $0xb8;
	[tilespmem:$0x1E180] =	vst v63  }
0x189: {  	s15 =	simm.s32 $0x10180  }
0x18a: {  	[tilespmem:s15], [sflag:$0x2] =	stream.indirect_vreg.gather [hbm4b:s6+s2], $0x80, v4, vm1, $0xb8;
	[tilespmem:$0x1E180] =	vst v63  }
0x18b: {  	s15 =	simm.s32 $0x10580  }
0x18c: {  	[tilespmem:s15], [sflag:$0x2] =	stream.indirect_vreg.gather [hbm4b:s3+s2], $0x80, v3, vm0, $0xb8;
	[tilespmem:$0x1E180] =	vst v63  }
0x18d: {  	s15 =	simm.s32 $0x10D80  }
0x18e: {  	[tilespmem:s15], [sflag:$0x2] =	stream.indirect_vreg.gather [hbm4b:s5+s2], $0x80, v3, vm0, $0xb8;
	[tilespmem:$0x1E180] =	vst v63  }
0x18f: {  	s15 =	simm.s32 $0x11580  }
0x190: {  	[tilespmem:s15], [sflag:$0x2] =	stream.indirect_vreg.gather [hbm4b:s6+s2], $0x80, v3, vm1, $0xb8;
	[tilespmem:$0x1E180] =	vst v63  }
0x191: {  	v3 =	vld [tilespmem:$0x130];
	_ =	sdelay $0x4  }
0x192: {  	v59 =	vshrl.u32 v3, $0x3  }
0x193: {  	v4 =	vmul.u32 $0x28, v59  }
0x194: {  	v3 =	vand.u32 $0x7, v3  }
0x195: {  	v3 =	vor.u32 v3, v4  }
0x196: {  	v4 =	vperm.xlane v3, v0;
	_ =	sdelay $0x1  }
0x197: {  	v4 =	vadd.s32 v1, v4;
	_ =	sdelay $0x3  }
0x198: {  	s15 =	simm.s32 $0x11980;
	v3 =	vperm.xlane v3, v2  }
0x199: {  	[tilespmem:s15], [sflag:$0x2] =	stream.indirect_vreg.gather [hbm4b:s3+s2], $0x80, v4, vm0, $0xb8;
	[tilespmem:$0x1E180] =	vst v63  }
0x19a: {  	v3 =	vadd.s32 v1, v3;
	s15 =	simm.s32 $0x12180  }
0x19b: {  	[tilespmem:s15], [sflag:$0x2] =	stream.indirect_vreg.gather [hbm4b:s5+s2], $0x80, v4, vm0, $0xb8;
	[tilespmem:$0x1E180] =	vst v63  }
0x19c: {  	s15 =	simm.s32 $0x12980  }
0x19d: {  	[tilespmem:s15], [sflag:$0x2] =	stream.indirect_vreg.gather [hbm4b:s6+s2], $0x80, v4, vm1, $0xb8;
	[tilespmem:$0x1E180] =	vst v63  }
0x19e: {  	s15 =	simm.s32 $0x12D80  }
0x19f: {  	[tilespmem:s15], [sflag:$0x2] =	stream.indirect_vreg.gather [hbm4b:s3+s2], $0x80, v3, vm0, $0xb8;
	[tilespmem:$0x1E180] =	vst v63  }
0x1a0: {  	s15 =	simm.s32 $0x13580  }
0x1a1: {  	[tilespmem:s15], [sflag:$0x2] =	stream.indirect_vreg.gather [hbm4b:s5+s2], $0x80, v3, vm0, $0xb8;
	[tilespmem:$0x1E180] =	vst v63  }
0x1a2: {  	s15 =	simm.s32 $0x13D80  }
0x1a3: {  	[tilespmem:s15], [sflag:$0x2] =	stream.indirect_vreg.gather [hbm4b:s6+s2], $0x80, v3, vm1, $0xb8;
	[tilespmem:$0x1E180] =	vst v63  }
0x1a4: {  	v3 =	vld [tilespmem:$0x140];
	_ =	sdelay $0x4  }
0x1a5: {  	v60 =	vshrl.u32 v3, $0x3  }
0x1a6: {  	v4 =	vmul.u32 $0x28, v60  }
0x1a7: {  	v3 =	vand.u32 $0x7, v3  }
0x1a8: {  	v3 =	vor.u32 v3, v4  }
0x1a9: {  	v4 =	vperm.xlane v3, v0;
	_ =	sdelay $0x1  }
0x1aa: {  	v4 =	vadd.s32 v1, v4;
	_ =	sdelay $0x3  }
0x1ab: {  	s15 =	simm.s32 $0x14180;
	v3 =	vperm.xlane v3, v2  }
0x1ac: {  	[tilespmem:s15], [sflag:$0x2] =	stream.indirect_vreg.gather [hbm4b:s3+s2], $0x80, v4, vm0, $0xb8;
	[tilespmem:$0x1E180] =	vst v63  }
0x1ad: {  	v3 =	vadd.s32 v1, v3;
	s15 =	simm.s32 $0x14980  }
0x1ae: {  	[tilespmem:s15], [sflag:$0x2] =	stream.indirect_vreg.gather [hbm4b:s5+s2], $0x80, v4, vm0, $0xb8;
	[tilespmem:$0x1E180] =	vst v63  }
0x1af: {  	s15 =	simm.s32 $0x15180  }
0x1b0: {  	[tilespmem:s15], [sflag:$0x2] =	stream.indirect_vreg.gather [hbm4b:s6+s2], $0x80, v4, vm1, $0xb8;
	[tilespmem:$0x1E180] =	vst v63  }
0x1b1: {  	s15 =	simm.s32 $0x15580  }
0x1b2: {  	[tilespmem:s15], [sflag:$0x2] =	stream.indirect_vreg.gather [hbm4b:s3+s2], $0x80, v3, vm0, $0xb8;
	[tilespmem:$0x1E180] =	vst v63  }
0x1b3: {  	s15 =	simm.s32 $0x15D80  }
0x1b4: {  	[tilespmem:s15], [sflag:$0x2] =	stream.indirect_vreg.gather [hbm4b:s5+s2], $0x80, v3, vm0, $0xb8;
	[tilespmem:$0x1E180] =	vst v63  }
0x1b5: {  	s15 =	simm.s32 $0x16580  }
0x1b6: {  	[tilespmem:s15], [sflag:$0x2] =	stream.indirect_vreg.gather [hbm4b:s6+s2], $0x80, v3, vm1, $0xb8;
	[tilespmem:$0x1E180] =	vst v63  }
0x1b7: {  	v3 =	vld [tilespmem:$0x150];
	_ =	sdelay $0x4  }
0x1b8: {  	v61 =	vshrl.u32 v3, $0x3  }
0x1b9: {  	v4 =	vmul.u32 $0x28, v61  }
0x1ba: {  	v3 =	vand.u32 $0x7, v3  }
0x1bb: {  	v3 =	vor.u32 v3, v4  }
0x1bc: {  	v4 =	vperm.xlane v3, v0;
	_ =	sdelay $0x1  }
0x1bd: {  	v4 =	vadd.s32 v1, v4;
	_ =	sdelay $0x3  }
0x1be: {  	s15 =	simm.s32 $0x16980;
	v3 =	vperm.xlane v3, v2  }
0x1bf: {  	[tilespmem:s15], [sflag:$0x2] =	stream.indirect_vreg.gather [hbm4b:s3+s2], $0x80, v4, vm0, $0xb8;
	[tilespmem:$0x1E180] =	vst v63  }
0x1c0: {  	v3 =	vadd.s32 v1, v3;
	s15 =	simm.s32 $0x17180  }
0x1c1: {  	[tilespmem:s15], [sflag:$0x2] =	stream.indirect_vreg.gather [hbm4b:s5+s2], $0x80, v4, vm0, $0xb8;
	[tilespmem:$0x1E180] =	vst v63  }
0x1c2: {  	s15 =	simm.s32 $0x17980  }
0x1c3: {  	[tilespmem:s15], [sflag:$0x2] =	stream.indirect_vreg.gather [hbm4b:s6+s2], $0x80, v4, vm1, $0xb8;
	[tilespmem:$0x1E180] =	vst v63  }
0x1c4: {  	s15 =	simm.s32 $0x17D80  }
0x1c5: {  	[tilespmem:s15], [sflag:$0x2] =	stream.indirect_vreg.gather [hbm4b:s3+s2], $0x80, v3, vm0, $0xb8;
	[tilespmem:$0x1E180] =	vst v63  }
0x1c6: {  	s15 =	simm.s32 $0x18580  }
0x1c7: {  	[tilespmem:s15], [sflag:$0x2] =	stream.indirect_vreg.gather [hbm4b:s5+s2], $0x80, v3, vm0, $0xb8;
	[tilespmem:$0x1E180] =	vst v63  }
0x1c8: {  	s15 =	simm.s32 $0x18D80  }
0x1c9: {  	[tilespmem:s15], [sflag:$0x2] =	stream.indirect_vreg.gather [hbm4b:s6+s2], $0x80, v3, vm1, $0xb8;
	[tilespmem:$0x1E180] =	vst v63  }
0x1ca: {  	v3 =	vld [tilespmem:$0x160];
	_ =	sdelay $0x4  }
0x1cb: {  	v62 =	vshrl.u32 v3, $0x3  }
0x1cc: {  	v4 =	vmul.u32 $0x28, v62  }
0x1cd: {  	v3 =	vand.u32 $0x7, v3  }
0x1ce: {  	v3 =	vor.u32 v3, v4  }
0x1cf: {  	v4 =	vperm.xlane v3, v0;
	_ =	sdelay $0x1  }
0x1d0: {  	v4 =	vadd.s32 v1, v4;
	_ =	sdelay $0x3  }
0x1d1: {  	s15 =	simm.s32 $0x19180;
	v3 =	vperm.xlane v3, v2  }
0x1d2: {  	[tilespmem:s15], [sflag:$0x2] =	stream.indirect_vreg.gather [hbm4b:s3+s2], $0x80, v4, vm0, $0xb8;
	[tilespmem:$0x1E180] =	vst v63  }
0x1d3: {  	v3 =	vadd.s32 v1, v3;
	s15 =	simm.s32 $0x19980  }
0x1d4: {  	[tilespmem:s15], [sflag:$0x2] =	stream.indirect_vreg.gather [hbm4b:s5+s2], $0x80, v4, vm0, $0xb8;
	[tilespmem:$0x1E180] =	vst v63  }
0x1d5: {  	s15 =	simm.s32 $0x1A180  }
0x1d6: {  	[tilespmem:s15], [sflag:$0x2] =	stream.indirect_vreg.gather [hbm4b:s6+s2], $0x80, v4, vm1, $0xb8;
	[tilespmem:$0x1E180] =	vst v63  }
0x1d7: {  	s15 =	simm.s32 $0x1A580  }
0x1d8: {  	[tilespmem:s15], [sflag:$0x2] =	stream.indirect_vreg.gather [hbm4b:s3+s2], $0x80, v3, vm0, $0xb8;
	[tilespmem:$0x1E180] =	vst v63  }
0x1d9: {  	s15 =	simm.s32 $0x1AD80  }
0x1da: {  	[tilespmem:s15], [sflag:$0x2] =	stream.indirect_vreg.gather [hbm4b:s5+s2], $0x80, v3, vm0, $0xb8;
	[tilespmem:$0x1E180] =	vst v63  }
0x1db: {  	s15 =	simm.s32 $0x1B580  }
0x1dc: {  	[tilespmem:s15], [sflag:$0x2] =	stream.indirect_vreg.gather [hbm4b:s6+s2], $0x80, v3, vm1, $0xb8;
	[tilespmem:$0x1E180] =	vst v63  }
0x1dd: {  	v3 =	vld [tilespmem:$0x170];
	_ =	sdelay $0x4  }
0x1de: {  	v63 =	vshrl.u32 v3, $0x3  }
0x1df: {  	v4 =	vmul.u32 $0x28, v63  }
0x1e0: {  	v3 =	vand.u32 $0x7, v3  }
0x1e1: {  	v3 =	vor.u32 v3, v4  }
0x1e2: {  	v4 =	vperm.xlane v3, v0;
	_ =	sdelay $0x1  }
0x1e3: {  	v4 =	vadd.s32 v1, v4;
	_ =	sdelay $0x3  }
0x1e4: {  	s15 =	simm.s32 $0x1B980;
	v3 =	vperm.xlane v3, v2  }
0x1e5: {  	[tilespmem:s15], [sflag:$0x2] =	stream.indirect_vreg.gather [hbm4b:s3+s2], $0x80, v4, vm0, $0xb8;
	[tilespmem:$0x1E180] =	vst v63  }
0x1e6: {  	v3 =	vadd.s32 v1, v3;
	s15 =	simm.s32 $0x1C180  }
0x1e7: {  	[tilespmem:s15], [sflag:$0x2] =	stream.indirect_vreg.gather [hbm4b:s5+s2], $0x80, v4, vm0, $0xb8;
	[tilespmem:$0x1E180] =	vst v63  }
0x1e8: {  	s15 =	simm.s32 $0x1C980  }
0x1e9: {  	[tilespmem:s15], [sflag:$0x2] =	stream.indirect_vreg.gather [hbm4b:s6+s2], $0x80, v4, vm1, $0xb8;
	[tilespmem:$0x1E180] =	vst v63  }
0x1ea: {  	s15 =	simm.s32 $0x1CD80  }
0x1eb: {  	[tilespmem:s15], [sflag:$0x2] =	stream.indirect_vreg.gather [hbm4b:s3+s2], $0x80, v3, vm0, $0xb8;
	[tilespmem:$0x1E180] =	vst v63  }
0x1ec: {  	s15 =	simm.s32 $0x1D580  }
0x1ed: {  	[tilespmem:s15], [sflag:$0x2] =	stream.indirect_vreg.gather [hbm4b:s5+s2], $0x80, v3, vm0, $0xb8;
	[tilespmem:$0x1E180] =	vst v63  }
0x1ee: {  	s15 =	simm.s32 $0x1DD80  }
0x1ef: {  	[tilespmem:s15], [sflag:$0x2] =	stream.indirect_vreg.gather [hbm4b:s6+s2], $0x80, v3, vm1, $0xb8;
	[tilespmem:$0x1E180] =	vst v63  }
0x1f0: {  	_ =	swait.ge [sflag:s14], $0xF000  }
0x1f1: {  	[sflag:s14] =	ssyncset.done $0x0  }
0x1f2: {  	s4 =	simm.s32 $0x180;
	s15 =	rddreg [dreg:$0x4];
	[sflag:s14] =	ssyncadd.s32 $0xFFFF1000  }
0x1f3: {  	[hbm4b:s15+s2] =	stream.linear.scatter [tilespmem:s4], [sflag:$0x3], $0xF000, $0x38;
	[tilespmem:$0x1E180] =	vst v63  }
0x1f4: {  	_ =	swait.ge [sflag:s8], $0xF000  }
0x1f5: {  	[sflag:s8] =	ssyncset.done $0x0  }
0x1f6: {  	s4 =	rddreg [dreg:$0x5];
	[sflag:s8] =	ssyncadd.s32 $0xFFFF1000  }
0x1f7: {  	[hbm4b:s4+s2] =	stream.linear.scatter [tilespmem:s0], [sflag:$0x4], $0xF000, $0x38;
	[tilespmem:$0x1E180] =	vst v63  }
0x1f8: {  	p0 =	sne.s32 s7, $0x1;
	_ =	swait.ge [sflag:s1], $0xF000  }
.Ltmp0:
0x1f9: {  	[sflag:s1] =	ssyncset.done $0x0;
	(pc) =	sbr.rel @p0 .LBB2_1-.Ltmp0, $4  }
0x1fa: {  	[sflag:s1] =	ssyncadd.s32 $0xFFFF1000  }
0x1fb: {  	_ =	swait.ge [sflag:s9], $0xF000  }
0x1fc: {  	[sflag:s9] =	ssyncset.done $0x0  }
0x1fd: {  	s7 =	sadd.s32 $0xFFFFFFFF, s7;
	[sflag:s9] =	ssyncadd.s32 $0xFFFF1000  }
0x1fe: {  	_ =	sfence.sel $0x180000  }
0x1ff: {  	[bflag:$0x0] =	sbarrier.arrive $0xFFFF  }
0x200: {  	_ =	strace $0x90000047  }
0x201: {  	s0 =	stileid.u32;
	[bflag:$0x2] =	sbarrier.arrive $0xFFFF  }
0x202: {  	p0 =	sne.s32 s0, $0x0;
	s0 =	rddreg [dreg:$0x1]  }
0x203: {  	s0 =	sadd.s32 @!p0 $0x100000, s0  }
0x204: {  	[sflag:s0] =	ssyncadd.tile.s32 @!p0 $0x1;
	_ =	shalt  }
.Lfunc_end2:
_tile_overlayer_lowered:
.L_overlay_start_2:
0x205: {  	(tag) =	ssettag $0x2  }
0x206: {  	s0 =	rddreg [dreg:$0x0];
	s2 =	stileid.u32  }
0x207: {  	s1 =	rddreg [dreg:$0x1];
	p0 =	sne.s32 s2, $0x0  }
0x208: {  	s3 =	rddreg [dreg:$0x2];
	[bflag:$0x3] =	sbarrier.arrive $0xFFFF;
	s2 =	simm.s32 @!p0 $0x1C05  }
0x209: {  	[timem:s3], [sflag:s2] =	dma.local @!p0 [hbm:s0], s1  }
0x20a: {  	s0 =	simm.s32 @!p0 $0x5  }
0x20b: {  	_ =	swait.ge @!p0 [sflag:s0], s1  }
0x20c: {  	s1 =	ssub.s32 @!p0 $0x0, s1;
	[sflag:s0] =	ssyncset.done @!p0 $0x0  }
0x20d: {  	[sflag:s0] =	ssyncadd.s32 @!p0 s1  }
0x20e: {  	[bflag:$0x3] =	sbarrier.arrive $0xFFFF  }
0x20f: {  	_ =	shalt  }

// kernel: kernel.9.cloned.1.call-start
scs
__scs_entry_jumppad:
0x0: {  	(pc) =	sbr.rel $0x88, $3  }
0x1: {  	(tag) =	ssettag $0x0;
	lr =	simm.s32 $0x1  }
0x2: {  	[smem:$0x3F91] =	sst lr;
	_ =	strace $0xD0000000  }
0x3: {  	_ = 	snop  }
0x4: {  	_ = 	snop  }
0x5: {  	_ = 	snop  }
0x6: {  	_ = 	snop  }
0x7: {  	_ = 	snop  }
__scs_overlays_trampoline_lowered:
0x8: {  	[smem:$0x3FA0] =	sst s0  }
0x9: {  	[smem:$0x3FA1] =	sst s1  }
0xa: {  	[smem:$0x3FA2] =	sst s2  }
0xb: {  	[smem:$0x3FA3] =	sst s3  }
0xc: {  	[smem:$0x3FA4] =	sst s4  }
0xd: {  	[smem:$0x3FA5] =	sst s5  }
0xe: {  	[smem:$0x3FA6] =	sst s6  }
0xf: {  	[smem:$0x3FA7] =	sst s7  }
0x10: {  	[smem:$0x3FA8] =	sst s8  }
0x11: {  	[smem:$0x3FA9] =	sst s9;
	s0 =	simm.s32 @!p0 $0x0  }
0x12: {  	s1 =	sld [smem:$0x3F8F];
	s0 =	simm.s32 @p0 $0x1  }
0x13: {  	[smem:$0x3FAA] =	sst s0;
	s0 =	simm.s32 @!p1 $0x0  }
0x14: {  	s2 =	sld [smem:$0x3F8E];
	s0 =	simm.s32 @p1 $0x1  }
0x15: {  	[smem:$0x3FAB] =	sst s0;
	s0 =	simm.s32 @!p2 $0x0  }
0x16: {  	s3 =	sld [smem:$0x3FDB];
	s0 =	simm.s32 @p2 $0x1  }
0x17: {  	s4 =	simm.s32 $0x1BF5;
	[smem:$0x3FAD] =	sst s0  }
0x18: {  	s0 =	sld [smem:$0x3F90];
	_ =	swait.ge [sflag:s4], $0x0  }
0x19: {  	s7 =	sld [smem:$0x3F91]  }
0x1a: {  	s8 =	sadd.s32 $0xFFFFE003, lr  }
0x1b: {  	s9 =	sadd.s32 $0xFFFFFEF7, lr;
	s5 =	simm.s32 $0xFFFFFFFF;
	p2 =	slt.u32 s8, $0xFFFFF086  }
0x1c: {  	p1 =	slt.u32 s9, $0xF7A;
	s5 =	simm.s32 @!p2 $0x0  }
0x1d: {  	s5 =	simm.s32 @p1 $0x1;
	p0 =	seq.s32 s7, s2  }
0x1e: {  	s7 =	smul.u32 @!p0 $0xF7A, s2;
	p2 =	seq.s32 @!p0 s5, $0x0  }
0x1f: {  	s9 =	smul.u32 $0xF7A, s1;
	s8 =	simm.s32 @!p0 $0x1BF5;
	p2 =	por !p2, p0  }
0x20: {  	[sflag:s8] =	ssyncset.s32 @!p0 $0xFFFFF086;
	s6 =	sadd.s32 @!p0 s3, s7;
	s7 =	simm.s32 @!p0 $0x108  }
0x21: {  	s3 =	sadd.s32 s3, s9;
	s6 =	sadd.s32 @!p0 $0x88, s6;
	s7 =	simm.s32 @p2 $0x1082  }
0x22: {  	[simem:s7], [sflag:s8] =	dma.local @!p0 [hbm:s6], $0xF7A  }
0x23: {  	s9 =	sor.u32 $0xD0000000, s2;
	s6 =	simm.s32 $0x108;
	_ =	swait.ge @!p0 [sflag:s8], $0x0  }
0x24: {  	s3 =	sadd.s32 $0x88, s3;
	s6 =	simm.s32 @!p1 $0x1082;
	[sflag:s4] =	ssyncset.s32 $0xFFFFF086  }
0x25: {  	[simem:s6], [sflag:s4] =	dma.local [hbm:s3], $0xF7A  }
0x26: {  	[smem:$0x3F91] =	sst s1;
	(tag) =	ssettag s2;
	_ =	strace s9  }
0x27: {  	s1 =	sld [smem:$0x3FA1]  }
0x28: {  	s2 =	sld [smem:$0x3FA2]  }
0x29: {  	s4 =	sld [smem:$0x3FA4]  }
0x2a: {  	p0 =	seq.s32 s5, $0x0;
	s5 =	sld [smem:$0x3FA5]  }
0x2b: {  	s6 =	sld [smem:$0x3FA6]  }
0x2c: {  	s7 =	sld [smem:$0x3FA7]  }
0x2d: {  	s3 =	simm.s32 $0x108;
	s8 =	sld [smem:$0x3FA8]  }
0x2e: {  	s3 =	simm.s32 @!p0 $0x1082;
	s9 =	sld [smem:$0x3FA9]  }
0x2f: {  	lr =	sadd.s32 s0, s3;
	s0 =	sld [smem:$0x3FA0]  }
0x30: {  	s3 =	sld [smem:$0x3FA3]  }
0x31: {  	[smem:$0x3FAC] =	sst s10  }
0x32: {  	s10 =	sld [smem:$0x3FAA];
	_ =	sdelay $0x3  }
0x33: {  	p0 =	seq.s32 s10, $0x1;
	s10 =	sld [smem:$0x3FAC];
	_ =	sdelay $0x3  }
0x34: {  	[smem:$0x3FAC] =	sst s10  }
0x35: {  	s10 =	sld [smem:$0x3FAB];
	_ =	sdelay $0x3  }
0x36: {  	p1 =	seq.s32 s10, $0x1;
	s10 =	sld [smem:$0x3FAC];
	_ =	sdelay $0x3  }
0x37: {  	[smem:$0x3FAC] =	sst s10  }
0x38: {  	s10 =	sld [smem:$0x3FAD]  }
0x39: {  	_ = 	snop;
	(pc) =	sbr.ind lr, $3  }
0x3a: {  	_ = 	snop  }
0x3b: {  	_ = 	snop  }
0x3c: {  	p2 =	seq.s32 s10, $0x1;
	s10 =	sld [smem:$0x3FAC]  }
0x3d: {  	_ =	shalt  }
0x3e: {  	_ =	shalt  }
0x3f: {  	_ =	shalt  }
0x40: {  	_ =	shalt  }
0x41: {  	_ =	shalt  }
0x42: {  	_ =	shalt  }
0x43: {  	_ =	shalt  }
0x44: {  	_ =	shalt  }
0x45: {  	_ =	shalt  }
0x46: {  	_ =	shalt  }
0x47: {  	_ =	shalt  }
0x48: {  	_ =	shalt  }
0x49: {  	_ =	shalt  }
0x4a: {  	_ =	shalt  }
0x4b: {  	_ =	shalt  }
0x4c: {  	_ =	shalt  }
0x4d: {  	_ =	shalt  }
0x4e: {  	_ =	shalt  }
0x4f: {  	_ =	shalt  }
0x50: {  	_ =	shalt  }
0x51: {  	_ =	shalt  }
0x52: {  	_ =	shalt  }
0x53: {  	_ =	shalt  }
0x54: {  	_ =	shalt  }
0x55: {  	_ =	shalt  }
0x56: {  	_ =	shalt  }
0x57: {  	_ =	shalt  }
0x58: {  	_ =	shalt  }
0x59: {  	_ =	shalt  }
0x5a: {  	_ =	shalt  }
0x5b: {  	_ =	shalt  }
0x5c: {  	_ =	shalt  }
0x5d: {  	_ =	shalt  }
0x5e: {  	_ =	shalt  }
0x5f: {  	_ =	shalt  }
0x60: {  	_ =	shalt  }
0x61: {  	_ =	shalt  }
0x62: {  	_ =	shalt  }
0x63: {  	_ =	shalt  }
0x64: {  	_ =	shalt  }
0x65: {  	_ =	shalt  }
0x66: {  	_ =	shalt  }
0x67: {  	_ =	shalt  }
0x68: {  	_ =	shalt  }
0x69: {  	_ =	shalt  }
0x6a: {  	_ =	shalt  }
0x6b: {  	_ =	shalt  }
0x6c: {  	_ =	shalt  }
0x6d: {  	_ =	shalt  }
0x6e: {  	_ =	shalt  }
0x6f: {  	_ =	shalt  }
0x70: {  	_ =	shalt  }
0x71: {  	_ =	shalt  }
0x72: {  	_ =	shalt  }
0x73: {  	_ =	shalt  }
0x74: {  	_ =	shalt  }
0x75: {  	_ =	shalt  }
0x76: {  	_ =	shalt  }
0x77: {  	_ =	shalt  }
0x78: {  	_ =	shalt  }
0x79: {  	_ =	shalt  }
0x7a: {  	_ =	shalt  }
0x7b: {  	_ =	shalt  }
0x7c: {  	_ =	shalt  }
0x7d: {  	_ =	shalt  }
0x7e: {  	_ =	shalt  }
0x7f: {  	_ =	shalt  }
0x80: {  	_ =	shalt  }
0x81: {  	_ =	shalt  }
0x82: {  	_ =	shalt  }
0x83: {  	_ =	shalt  }
0x84: {  	_ =	shalt  }
0x85: {  	_ =	shalt  }
0x86: {  	_ =	shalt  }
0x87: {  	_ =	shalt  }
.Lfunc_end0:
.L_simem_size_0:
called_computation_lowered:
.L_overlay_start_0:
0x88: {  	s2 =	sld [smem:$0x3FD9]  }
0x89: {  	s3 =	sld [smem:$0x3FFE];
	_ =	sdelay $0x1  }
0x8a: {  	s1 =	srdreg.scid  }
0x8b: {  	s0 =	sand.u32 $0x1, s1  }
0x8c: {  	s17 =	sshll.u32 s0, $0xA;
	s2 =	sadd.s32 s3, s2  }
0x8d: {  	s2 =	sadd.s32 s2, s17  }
0x8e: {  	[smem:$0x3FB8] =	sst s2  }
0x8f: {  	_ = 	snop  }
0x90: {  	(tm) =	ssettm $0x1  }
0x91: {  	s18 =	sld [smem:$0x3FFB];
	_ =	sdelay $0x3  }
0x92: {  	_ =	strace s18  }
0x93: {  	s2 =	sld [smem:$0x3FFC];
	_ =	sdelay $0x3  }
0x94: {  	_ =	strace s2  }
0x95: {  	s2 =	sld [smem:$0x3FFD];
	_ =	sdelay $0x3  }
0x96: {  	_ =	strace s2  }
0x97: {  	_ =	strace $0x8FFFFFFF  }
0x98: {  	s19 =	sld [smem:$0x3FDB];
	_ =	sdelay $0x1  }
0x99: {  	s20 =	simm.s32 $_scs_section_size  }
0x9a: {  	s4 =	simm.s32 $_size__tile_overlayer_lowered;
	s5 =	simm.s32 $_tile_overlayer_lowered  }
0x9b: {  	s6 =	simm.s32 $0x1BFF;
	s21 =	sshll.u32 s5, $0x1;
	s3 =	sadd.s32 s20, s19  }
0x9c: {  	s22 =	simm.s32 $0x0;
	s4 =	sshll.u32 s4, $0x1;
	s5 =	sadd.s32 s21, s3  }
0x9d: {  	[timem:s22], [sflag:s6] =	dma.local [hbm:s5], s4  }
0x9e: {  	_ =	swait.ge [sflag:s6], s4  }
0x9f: {  	s4 =	ssub.s32 $0x0, s4;
	[sflag:s6] =	ssyncset.done $0x0  }
0xa0: {  	[sflag:s6] =	ssyncadd.s32 s4;
	_ =	sdelay $0x1  }
0xa1: {  	s23 =	simm.s32 $0x1B8B  }
0xa2: {  	_ =	swait.ge [sflag:s23], $0x1  }
0xa3: {  	[sflag:s23] =	ssyncset.done $0x0  }
0xa4: {  	[sflag:s23] =	ssyncadd.s32 $0xFFFFFFFF  }
0xa5: {  	s4 =	sld [smem:$0x0]  }
0xa6: {  	s5 =	sand.u32 $0xFFFFFFFE, s1  }
0xa7: {  	p0 =	sne.s32 s1, s5  }
0xa8: {  	s5 =	sshll.u32 @p0 s5, $0xE  }
0xa9: {  	s5 =	sadd.s32 @p0 $0x11B8D, s5;
	s6 =	sshll.u32 @p0 s4, $0x11  }
0xaa: {  	s5 =	sor.u32 @p0 s6, s5  }
0xab: {  	[sflag:s5] =	ssyncadd.remote.s32 @p0 $0x1;
	_ =	sdelay $0x1  }
0xac: {  	s5 =	simm.s32 @p0 $0x1B8D  }
0xad: {  	_ =	swait.eq @p0 [sflag:s5], $0x1  }
0xae: {  	[sflag:s5] =	ssyncadd.s32 @p0 $0xFFFFFFFF  }
0xaf: {  	s6 =	sshll.u32 @!p0 s1, $0xE  }
0xb0: {  	s6 =	sor.u32 @!p0 $0x4000, s6;
	s5 =	simm.s32 @!p0 $0x1B8D  }
0xb1: {  	s4 =	sshll.u32 @!p0 s4, $0x11;
	s6 =	sadd.s32 @!p0 $0x11B8D, s6;
	_ =	swait.eq @!p0 [sflag:s5], $0x1  }
0xb2: {  	s4 =	sor.u32 @!p0 s4, s6;
	[sflag:s5] =	ssyncadd.s32 @!p0 $0xFFFFFFFF  }
0xb3: {  	s25 =	simm.s32 $0x1B8E;
	s24 =	sld [smem:$0x3FFE];
	[sflag:s4] =	ssyncadd.remote.s32 @!p0 $0x1  }
0xb4: {  	s26 =	simm.s32 $execute0_lowered;
	[smem:$0x3FD2] =	sst s25  }
0xb5: {  	s5 =	sshll.u32 s26, $0x1;
	_ =	strace $0x80000049;
	[dreg:$0x1] =	wrdreg $0xFFFFFFFF  }
0xb6: {  	s28 =	simm.s32 $_size_execute0_lowered;
	s3 =	sadd.s32 s3, s5;
	[dreg:$0x0] =	wrdreg $0x0  }
0xb7: {  	s5 =	sshll.u32 s28, $0x1;
	[dreg:$0x2] =	wrdreg s3  }
0xb8: {  	[dreg:$0x3] =	wrdreg s5  }
0xb9: {  	[dreg:$0x4] =	wrdreg $0xC0  }
0xba: {  	_ =	task [dreg:s22], $0x5FFFF  }
0xbb: {  	[dreg:$0x1] =	wrdreg $0xFFFFFFFF  }
0xbc: {  	[dreg:$0x0] =	wrdreg $0x60  }
0xbd: {  	[dreg:$0x2] =	wrdreg s24  }
0xbe: {  	[dreg:$0x3] =	wrdreg $0x9  }
0xbf: {  	_ =	task.clear_ibuf [dreg:s22], $0x4FFFF;
	_ =	strace $0x90000049  }
0xc0: {  	s29 =	simm.s32 $0x9;
	_ =	strace $0x8000004B  }
0xc1: {  	_ =	swait.ge [sflag:s29], $0x1  }
0xc2: {  	[sflag:s29] =	ssyncadd.s32 $0xFFFFFFFF  }
0xc3: {  	_ =	strace $0x9000004B  }
0xc4: {  	_ =	sfence  }
0xc5: {  	s30 =	sld [smem:$0x0];
	_ =	sdelay $0x2  }
0xc6: {  	s31 =	sshll.u32 s1, $0xD;
	s1 =	sshrl.u32 s1, $0x2  }
0xc7: {  	s4 =	sand.u32 $0x4000, s31;
	s1 =	sadd.s32 s1, s30  }
0xc8: {  	s0 =	sor.u32 s4, s0;
	s1 =	sshll.u32 s1, $0x11  }
0xc9: {  	s0 =	sor.u32 s1, s0  }
0xca: {  	s0 =	sadd.s32 $0x8F2B, s0  }
0xcb: {  	[sflag:s0] =	ssyncadd.remote.s32 $0x1  }
0xcc: {  	_ =	sfence.sel $0xFFFF  }
0xcd: {  	[dreg:$0x0] =	wrdreg $0xFFFFFFFF;
	(pc) =	sbr.abs _section_cstart, $3  }
0xce: {  	[dreg:$0x1] =	wrdreg $0xFFFFFFFF  }
0xcf: {  	_ =	task.clear_ibuf [dreg:s22], $0x2FFFF;
	_ =	strace $0x9FFFFFFF  }
0xd0: {  	(tm) =	ssettm $0x7FFFFFFF  }
0xd1: {  	_ =	shalt  }
tec
execute0_lowered:
.L_overlay_start_1:
0x0: {  	(tag) =	ssettag $0x1  }
0x1: {  	s0 =	srdreg.scid  }
0x2: {  	s1 =	stileid.u32;
	s4 =	rddreg [dreg:$0x0];
	s2 =	simm.s32 $0x0  }
0x3: {  	s9 =	simm.s32 $0x4;
	s16 =	simm.s32 $0x980;
	s17 =	simm.s32 $0x1180  }
0x4: {  	s18 =	simm.s32 $0x1580;
	s19 =	simm.s32 $0x1D80;
	s20 =	simm.s32 $0x2580  }
0x5: {  	s21 =	simm.s32 $0x2980;
	s28 =	simm.s32 $0x4D80;
	s29 =	simm.s32 $0x5180  }
0x6: {  	s30 =	simm.s32 $0x5980;
	s0 =	sand.u32 $0x1, s0;
	s1 =	sshll.u32 s1, $0x1  }
0x7: {  	s31 =	simm.s32 $0x6180;
	s10 =	simm.s32 $0x7580;
	s1 =	sor.u32 s0, s1  }
0x8: {  	s11 =	simm.s32 $0x8D80;
	s12 =	simm.s32 $0x9D80;
	s1 =	smul.u32 $0x180, s1  }
0x9: {  	s13 =	simm.s32 $0xA180;
	s14 =	simm.s32 $0x1;
	[smem:$0x7FF] =	sst s2  }
0xa: {  	s3 =	sadd.s32 $0x2000, s4;
	s7 =	sadd.s32 $0x192600, s4;
	s1 =	sshrl.u32 s1, $0x3  }
0xb: {  	_ =	strace $0x8000004A;
	s0 =	ssub.s32 $0x2, s0;
	s5 =	smul.u32 $0x1400, s1  }
0xc: {  	s24 =	sshrl.u32 s0, $0x1;
	s6 =	sadd.s32 s1, s4;
	s1 =	smul.u32 $0x280, s1  }
0xd: {  	s0 =	ssub.s32 s0, s24;
	s24 =	simm.s32 $0x3980;
	s6 =	sadd.s32 $0x192000, s6  }
0xe: {  	s5 =	sshrl.u32 s5, $0x3;
	[dreg:$0x2] =	wrdreg s6;
	s22 =	sadd.s32 s7, s1  }
0xf: {  	s6 =	sadd.s32 $0x2200, s4;
	s5 =	sadd.s32 s7, s5;
	s25 =	sadd.s32 $0x3C00, s22  }
0x10: {  	[dreg:$0x6] =	wrdreg s22;
	s26 =	sadd.s32 $0x5A00, s22;
	s7 =	smax.u32 s0, $0x1  }
0x11: {  	v2 =	vlaneseq.u32;
	s22 =	simm.s32 $0x9580;
	s23 =	sadd.s32 $0x1E00, s5;
	[dreg:$0x4] =	wrdreg s25  }
0x12: {  	vm0 =	vmmov $0xffff;
	vm1 =	vmmov $0xff;
	v1 =	vshrl.u32 v2, $0x3;
	s5 =	sadd.s32 $0x2100, s4;
	[dreg:$0x5] =	wrdreg s26;
	s25 =	simm.s32 $0x3D80  }
0x13: {  	v0 =	vand.u32 $0x7, v2;
	v2 =	vor.u32 $0x8, v2;
	v1 =	vmul.u32 $0x8, v1;
	s26 =	simm.s32 $0x4580;
	[dreg:$0x3] =	wrdreg s23;
	s23 =	simm.s32 $0x3180  }
.LBB2_1:
0x14: {  	s15 =	rddreg [dreg:$0x2];
	s0 =	simm.s32 $0x5  }
0x15: {  	[tilespmem:s2], [sflag:$0x5] =	stream.linear.gather [hbm4b:s15+s2], $0x180, $0x38;
	[tilespmem:$0x1E180] =	vst v63  }
0x16: {  	_ =	swait.ge [sflag:s0], $0x180  }
0x17: {  	[sflag:s0] =	ssyncset.done $0x0  }
0x18: {  	[sflag:s0] =	ssyncadd.s32 $0xFFFFFE80  }
0x19: {  	v3 =	vld [tilespmem:$0x0];
	_ =	sdelay $0x4  }
0x1a: {  	v4 =	vshrl.u32 v3, $0x3  }
0x1b: {  	v4 =	vmul.u32 $0x28, v4  }
0x1c: {  	v3 =	vand.u32 $0x7, v3  }
0x1d: {  	v3 =	vor.u32 v3, v4  }
0x1e: {  	v4 =	vperm.xlane v3, v0;
	_ =	sdelay $0x1  }
0x1f: {  	v4 =	vadd.s32 v1, v4;
	_ =	sdelay $0x3  }
0x20: {  	s4 =	simm.s32 $0x180;
	v3 =	vperm.xlane v3, v2  }
0x21: {  	[tilespmem:s4], [sflag:$0x1] =	stream.indirect_vreg.gather [hbm4b:s3+s2], $0x80, v4, vm0, $0xb8;
	[tilespmem:$0x1E180] =	vst v63  }
0x22: {  	v3 =	vadd.s32 v1, v3  }
0x23: {  	[tilespmem:s16], [sflag:$0x1] =	stream.indirect_vreg.gather [hbm4b:s5+s2], $0x80, v4, vm0, $0xb8;
	[tilespmem:$0x1E180] =	vst v63  }
0x24: {  	_ = 	snop  }
0x25: {  	[tilespmem:s17], [sflag:$0x1] =	stream.indirect_vreg.gather [hbm4b:s6+s2], $0x80, v4, vm1, $0xb8;
	[tilespmem:$0x1E180] =	vst v63  }
0x26: {  	_ = 	snop  }
0x27: {  	[tilespmem:s18], [sflag:$0x1] =	stream.indirect_vreg.gather [hbm4b:s3+s2], $0x80, v3, vm0, $0xb8;
	[tilespmem:$0x1E180] =	vst v63  }
0x28: {  	_ = 	snop  }
0x29: {  	[tilespmem:s19], [sflag:$0x1] =	stream.indirect_vreg.gather [hbm4b:s5+s2], $0x80, v3, vm0, $0xb8;
	[tilespmem:$0x1E180] =	vst v63  }
0x2a: {  	_ = 	snop  }
0x2b: {  	[tilespmem:s20], [sflag:$0x1] =	stream.indirect_vreg.gather [hbm4b:s6+s2], $0x80, v3, vm1, $0xb8;
	[tilespmem:$0x1E180] =	vst v63  }
0x2c: {  	v3 =	vld [tilespmem:$0x10];
	_ =	sdelay $0x4  }
0x2d: {  	v41 =	vshrl.u32 v3, $0x3  }
0x2e: {  	v4 =	vmul.u32 $0x28, v41  }
0x2f: {  	v3 =	vand.u32 $0x7, v3  }
0x30: {  	v3 =	vor.u32 v3, v4  }
0x31: {  	v4 =	vperm.xlane v3, v0;
	_ =	sdelay $0x1  }
0x32: {  	v4 =	vadd.s32 v1, v4;
	_ =	sdelay $0x3  }
0x33: {  	v3 =	vperm.xlane v3, v2  }
0x34: {  	[tilespmem:s21], [sflag:$0x1] =	stream.indirect_vreg.gather [hbm4b:s3+s2], $0x80, v4, vm0, $0xb8;
	[tilespmem:$0x1E180] =	vst v63  }
0x35: {  	v3 =	vadd.s32 v1, v3  }
0x36: {  	[tilespmem:s23], [sflag:$0x1] =	stream.indirect_vreg.gather [hbm4b:s5+s2], $0x80, v4, vm0, $0xb8;
	[tilespmem:$0x1E180] =	vst v63  }
0x37: {  	_ = 	snop  }
0x38: {  	[tilespmem:s24], [sflag:$0x1] =	stream.indirect_vreg.gather [hbm4b:s6+s2], $0x80, v4, vm1, $0xb8;
	[tilespmem:$0x1E180] =	vst v63  }
0x39: {  	_ = 	snop  }
0x3a: {  	[tilespmem:s25], [sflag:$0x1] =	stream.indirect_vreg.gather [hbm4b:s3+s2], $0x80, v3, vm0, $0xb8;
	[tilespmem:$0x1E180] =	vst v63  }
0x3b: {  	_ = 	snop  }
0x3c: {  	[tilespmem:s26], [sflag:$0x1] =	stream.indirect_vreg.gather [hbm4b:s5+s2], $0x80, v3, vm0, $0xb8;
	[tilespmem:$0x1E180] =	vst v63  }
0x3d: {  	_ = 	snop  }
0x3e: {  	[tilespmem:s28], [sflag:$0x1] =	stream.indirect_vreg.gather [hbm4b:s6+s2], $0x80, v3, vm1, $0xb8;
	[tilespmem:$0x1E180] =	vst v63  }
0x3f: {  	v3 =	vld [tilespmem:$0x20];
	_ =	sdelay $0x4  }
0x40: {  	v42 =	vshrl.u32 v3, $0x3  }
0x41: {  	v4 =	vmul.u32 $0x28, v42  }
0x42: {  	v3 =	vand.u32 $0x7, v3  }
0x43: {  	v3 =	vor.u32 v3, v4  }
0x44: {  	v4 =	vperm.xlane v3, v0;
	_ =	sdelay $0x1  }
0x45: {  	v4 =	vadd.s32 v1, v4;
	_ =	sdelay $0x3  }
0x46: {  	v3 =	vperm.xlane v3, v2  }
0x47: {  	[tilespmem:s29], [sflag:$0x1] =	stream.indirect_vreg.gather [hbm4b:s3+s2], $0x80, v4, vm0, $0xb8;
	[tilespmem:$0x1E180] =	vst v63  }
0x48: {  	v3 =	vadd.s32 v1, v3  }
0x49: {  	[tilespmem:s30], [sflag:$0x1] =	stream.indirect_vreg.gather [hbm4b:s5+s2], $0x80, v4, vm0, $0xb8;
	[tilespmem:$0x1E180] =	vst v63  }
0x4a: {  	_ = 	snop  }
0x4b: {  	[tilespmem:s31], [sflag:$0x1] =	stream.indirect_vreg.gather [hbm4b:s6+s2], $0x80, v4, vm1, $0xb8;
	[tilespmem:$0x1E180] =	vst v63  }
0x4c: {  	s8 =	simm.s32 $0x6580  }
0x4d: {  	[tilespmem:s8], [sflag:$0x1] =	stream.indirect_vreg.gather [hbm4b:s3+s2], $0x80, v3, vm0, $0xb8;
	[tilespmem:$0x1E180] =	vst v63  }
0x4e: {  	s15 =	simm.s32 $0x6D80  }
0x4f: {  	[tilespmem:s15], [sflag:$0x1] =	stream.indirect_vreg.gather [hbm4b:s5+s2], $0x80, v3, vm0, $0xb8;
	[tilespmem:$0x1E180] =	vst v63  }
0x50: {  	_ = 	snop  }
0x51: {  	[tilespmem:s10], [sflag:$0x1] =	stream.indirect_vreg.gather [hbm4b:s6+s2], $0x80, v3, vm1, $0xb8;
	[tilespmem:$0x1E180] =	vst v63  }
0x52: {  	v3 =	vld [tilespmem:$0x30];
	_ =	sdelay $0x4  }
0x53: {  	v43 =	vshrl.u32 v3, $0x3  }
0x54: {  	v4 =	vmul.u32 $0x28, v43  }
0x55: {  	v3 =	vand.u32 $0x7, v3  }
0x56: {  	v3 =	vor.u32 v3, v4  }
0x57: {  	v4 =	vperm.xlane v3, v0;
	_ =	sdelay $0x1  }
0x58: {  	v4 =	vadd.s32 v1, v4;
	_ =	sdelay $0x3  }
0x59: {  	s1 =	simm.s32 $0x7980;
	v3 =	vperm.xlane v3, v2  }
0x5a: {  	[tilespmem:s1], [sflag:$0x1] =	stream.indirect_vreg.gather [hbm4b:s3+s2], $0x80, v4, vm0, $0xb8;
	[tilespmem:$0x1E180] =	vst v63  }
0x5b: {  	s8 =	simm.s32 $0x8180;
	v3 =	vadd.s32 v1, v3  }
0x5c: {  	[tilespmem:s8], [sflag:$0x1] =	stream.indirect_vreg.gather [hbm4b:s5+s2], $0x80, v4, vm0, $0xb8;
	[tilespmem:$0x1E180] =	vst v63  }
0x5d: {  	s4 =	simm.s32 $0x8980  }
0x5e: {  	[tilespmem:s4], [sflag:$0x1] =	stream.indirect_vreg.gather [hbm4b:s6+s2], $0x80, v4, vm1, $0xb8;
	[tilespmem:$0x1E180] =	vst v63  }
0x5f: {  	_ = 	snop  }
0x60: {  	[tilespmem:s11], [sflag:$0x1] =	stream.indirect_vreg.gather [hbm4b:s3+s2], $0x80, v3, vm0, $0xb8;
	[tilespmem:$0x1E180] =	vst v63  }
0x61: {  	_ = 	snop  }
0x62: {  	[tilespmem:s22], [sflag:$0x1] =	stream.indirect_vreg.gather [hbm4b:s5+s2], $0x80, v3, vm0, $0xb8;
	[tilespmem:$0x1E180] =	vst v63  }
0x63: {  	_ = 	snop  }
0x64: {  	[tilespmem:s12], [sflag:$0x1] =	stream.indirect_vreg.gather [hbm4b:s6+s2], $0x80, v3, vm1, $0xb8;
	[tilespmem:$0x1E180] =	vst v63  }
0x65: {  	v3 =	vld [tilespmem:$0x40];
	_ =	sdelay $0x4  }
0x66: {  	v44 =	vshrl.u32 v3, $0x3  }
0x67: {  	v4 =	vmul.u32 $0x28, v44  }
0x68: {  	v3 =	vand.u32 $0x7, v3  }
0x69: {  	v3 =	vor.u32 v3, v4  }
0x6a: {  	v4 =	vperm.xlane v3, v0;
	_ =	sdelay $0x1  }
0x6b: {  	v4 =	vadd.s32 v1, v4;
	_ =	sdelay $0x3  }
0x6c: {  	v3 =	vperm.xlane v3, v2  }
0x6d: {  	[tilespmem:s13], [sflag:$0x1] =	stream.indirect_vreg.gather [hbm4b:s3+s2], $0x80, v4, vm0, $0xb8;
	[tilespmem:$0x1E180] =	vst v63  }
0x6e: {  	s15 =	simm.s32 $0xA980;
	v3 =	vadd.s32 v1, v3  }
0x6f: {  	[tilespmem:s15], [sflag:$0x1] =	stream.indirect_vreg.gather [hbm4b:s5+s2], $0x80, v4, vm0, $0xb8;
	[tilespmem:$0x1E180] =	vst v63  }
0x70: {  	s1 =	simm.s32 $0xB180  }
0x71: {  	[tilespmem:s1], [sflag:$0x1] =	stream.indirect_vreg.gather [hbm4b:s6+s2], $0x80, v4, vm1, $0xb8;
	[tilespmem:$0x1E180] =	vst v63  }
0x72: {  	s4 =	simm.s32 $0xB580  }
0x73: {  	[tilespmem:s4], [sflag:$0x1] =	stream.indirect_vreg.gather [hbm4b:s3+s2], $0x80, v3, vm0, $0xb8;
	[tilespmem:$0x1E180] =	vst v63  }
0x74: {  	s15 =	simm.s32 $0xBD80  }
0x75: {  	[tilespmem:s15], [sflag:$0x1] =	stream.indirect_vreg.gather [hbm4b:s5+s2], $0x80, v3, vm0, $0xb8;
	[tilespmem:$0x1E180] =	vst v63  }
0x76: {  	s1 =	simm.s32 $0xC580  }
0x77: {  	[tilespmem:s1], [sflag:$0x1] =	stream.indirect_vreg.gather [hbm4b:s6+s2], $0x80, v3, vm1, $0xb8;
	[tilespmem:$0x1E180] =	vst v63  }
0x78: {  	v3 =	vld [tilespmem:$0x50];
	_ =	sdelay $0x4  }
0x79: {  	v45 =	vshrl.u32 v3, $0x3  }
0x7a: {  	v4 =	vmul.u32 $0x28, v45  }
0x7b: {  	v3 =	vand.u32 $0x7, v3  }
0x7c: {  	v3 =	vor.u32 v3, v4  }
0x7d: {  	v4 =	vperm.xlane v3, v0;
	_ =	sdelay $0x1  }
0x7e: {  	v4 =	vadd.s32 v1, v4;
	_ =	sdelay $0x3  }
0x7f: {  	s4 =	simm.s32 $0xC980;
	v3 =	vperm.xlane v3, v2  }
0x80: {  	[tilespmem:s4], [sflag:$0x1] =	stream.indirect_vreg.gather [hbm4b:s3+s2], $0x80, v4, vm0, $0xb8;
	[tilespmem:$0x1E180] =	vst v63  }
0x81: {  	s15 =	simm.s32 $0xD180;
	v3 =	vadd.s32 v1, v3  }
0x82: {  	[tilespmem:s15], [sflag:$0x1] =	stream.indirect_vreg.gather [hbm4b:s5+s2], $0x80, v4, vm0, $0xb8;
	[tilespmem:$0x1E180] =	vst v63  }
0x83: {  	s1 =	simm.s32 $0xD980  }
0x84: {  	[tilespmem:s1], [sflag:$0x1] =	stream.indirect_vreg.gather [hbm4b:s6+s2], $0x80, v4, vm1, $0xb8;
	[tilespmem:$0x1E180] =	vst v63  }
0x85: {  	s4 =	simm.s32 $0xDD80  }
0x86: {  	[tilespmem:s4], [sflag:$0x1] =	stream.indirect_vreg.gather [hbm4b:s3+s2], $0x80, v3, vm0, $0xb8;
	[tilespmem:$0x1E180] =	vst v63  }
0x87: {  	s15 =	simm.s32 $0xE580  }
0x88: {  	[tilespmem:s15], [sflag:$0x1] =	stream.indirect_vreg.gather [hbm4b:s5+s2], $0x80, v3, vm0, $0xb8;
	[tilespmem:$0x1E180] =	vst v63  }
0x89: {  	s1 =	simm.s32 $0xED80  }
0x8a: {  	[tilespmem:s1], [sflag:$0x1] =	stream.indirect_vreg.gather [hbm4b:s6+s2], $0x80, v3, vm1, $0xb8;
	[tilespmem:$0x1E180] =	vst v63  }
0x8b: {  	v3 =	vld [tilespmem:$0x60];
	_ =	sdelay $0x4  }
0x8c: {  	v46 =	vshrl.u32 v3, $0x3  }
0x8d: {  	v4 =	vmul.u32 $0x28, v46  }
0x8e: {  	v3 =	vand.u32 $0x7, v3  }
0x8f: {  	v3 =	vor.u32 v3, v4  }
0x90: {  	v4 =	vperm.xlane v3, v0;
	_ =	sdelay $0x1  }
0x91: {  	v4 =	vadd.s32 v1, v4;
	_ =	sdelay $0x3  }
0x92: {  	s0 =	simm.s32 $0xF180;
	v3 =	vperm.xlane v3, v2  }
0x93: {  	[tilespmem:s0], [sflag:$0x2] =	stream.indirect_vreg.gather [hbm4b:s3+s2], $0x80, v4, vm0, $0xb8;
	[tilespmem:$0x1E180] =	vst v63  }
0x94: {  	s1 =	simm.s32 $0xF980;
	v3 =	vadd.s32 v1, v3  }
0x95: {  	[tilespmem:s1], [sflag:$0x2] =	stream.indirect_vreg.gather [hbm4b:s5+s2], $0x80, v4, vm0, $0xb8;
	[tilespmem:$0x1E180] =	vst v63  }
0x96: {  	s4 =	simm.s32 $0x10180  }
0x97: {  	[tilespmem:s4], [sflag:$0x2] =	stream.indirect_vreg.gather [hbm4b:s6+s2], $0x80, v4, vm1, $0xb8;
	[tilespmem:$0x1E180] =	vst v63  }
0x98: {  	s15 =	simm.s32 $0x10580  }
0x99: {  	[tilespmem:s15], [sflag:$0x2] =	stream.indirect_vreg.gather [hbm4b:s3+s2], $0x80, v3, vm0, $0xb8;
	[tilespmem:$0x1E180] =	vst v63  }
0x9a: {  	s4 =	simm.s32 $0x10D80  }
0x9b: {  	[tilespmem:s4], [sflag:$0x2] =	stream.indirect_vreg.gather [hbm4b:s5+s2], $0x80, v3, vm0, $0xb8;
	[tilespmem:$0x1E180] =	vst v63  }
0x9c: {  	s15 =	simm.s32 $0x11580  }
0x9d: {  	[tilespmem:s15], [sflag:$0x2] =	stream.indirect_vreg.gather [hbm4b:s6+s2], $0x80, v3, vm1, $0xb8;
	[tilespmem:$0x1E180] =	vst v63  }
0x9e: {  	v3 =	vld [tilespmem:$0x70];
	_ =	sdelay $0x4  }
0x9f: {  	v47 =	vshrl.u32 v3, $0x3  }
0xa0: {  	v4 =	vmul.u32 $0x28, v47  }
0xa1: {  	v3 =	vand.u32 $0x7, v3  }
0xa2: {  	v3 =	vor.u32 v3, v4  }
0xa3: {  	v4 =	vperm.xlane v3, v0;
	_ =	sdelay $0x1  }
0xa4: {  	v4 =	vadd.s32 v1, v4;
	_ =	sdelay $0x3  }
0xa5: {  	s4 =	simm.s32 $0x11980;
	v3 =	vperm.xlane v3, v2  }
0xa6: {  	[tilespmem:s4], [sflag:$0x2] =	stream.indirect_vreg.gather [hbm4b:s3+s2], $0x80, v4, vm0, $0xb8;
	[tilespmem:$0x1E180] =	vst v63  }
0xa7: {  	s15 =	simm.s32 $0x12180;
	v3 =	vadd.s32 v1, v3  }
0xa8: {  	[tilespmem:s15], [sflag:$0x2] =	stream.indirect_vreg.gather [hbm4b:s5+s2], $0x80, v4, vm0, $0xb8;
	[tilespmem:$0x1E180] =	vst v63  }
0xa9: {  	s4 =	simm.s32 $0x12980  }
0xaa: {  	[tilespmem:s4], [sflag:$0x2] =	stream.indirect_vreg.gather [hbm4b:s6+s2], $0x80, v4, vm1, $0xb8;
	[tilespmem:$0x1E180] =	vst v63  }
0xab: {  	s15 =	simm.s32 $0x12D80  }
0xac: {  	[tilespmem:s15], [sflag:$0x2] =	stream.indirect_vreg.gather [hbm4b:s3+s2], $0x80, v3, vm0, $0xb8;
	[tilespmem:$0x1E180] =	vst v63  }
0xad: {  	s4 =	simm.s32 $0x13580  }
0xae: {  	[tilespmem:s4], [sflag:$0x2] =	stream.indirect_vreg.gather [hbm4b:s5+s2], $0x80, v3, vm0, $0xb8;
	[tilespmem:$0x1E180] =	vst v63  }
0xaf: {  	s15 =	simm.s32 $0x13D80  }
0xb0: {  	[tilespmem:s15], [sflag:$0x2] =	stream.indirect_vreg.gather [hbm4b:s6+s2], $0x80, v3, vm1, $0xb8;
	[tilespmem:$0x1E180] =	vst v63  }
0xb1: {  	v3 =	vld [tilespmem:$0x80];
	_ =	sdelay $0x4  }
0xb2: {  	v48 =	vshrl.u32 v3, $0x3  }
0xb3: {  	v4 =	vmul.u32 $0x28, v48  }
0xb4: {  	v3 =	vand.u32 $0x7, v3  }
0xb5: {  	v3 =	vor.u32 v3, v4  }
0xb6: {  	v4 =	vperm.xlane v3, v0;
	_ =	sdelay $0x1  }
0xb7: {  	v4 =	vadd.s32 v1, v4;
	_ =	sdelay $0x3  }
0xb8: {  	s4 =	simm.s32 $0x14180;
	v3 =	vperm.xlane v3, v2  }
0xb9: {  	[tilespmem:s4], [sflag:$0x2] =	stream.indirect_vreg.gather [hbm4b:s3+s2], $0x80, v4, vm0, $0xb8;
	[tilespmem:$0x1E180] =	vst v63  }
0xba: {  	s15 =	simm.s32 $0x14980;
	v3 =	vadd.s32 v1, v3  }
0xbb: {  	[tilespmem:s15], [sflag:$0x2] =	stream.indirect_vreg.gather [hbm4b:s5+s2], $0x80, v4, vm0, $0xb8;
	[tilespmem:$0x1E180] =	vst v63  }
0xbc: {  	s4 =	simm.s32 $0x15180  }
0xbd: {  	[tilespmem:s4], [sflag:$0x2] =	stream.indirect_vreg.gather [hbm4b:s6+s2], $0x80, v4, vm1, $0xb8;
	[tilespmem:$0x1E180] =	vst v63  }
0xbe: {  	s15 =	simm.s32 $0x15580  }
0xbf: {  	[tilespmem:s15], [sflag:$0x2] =	stream.indirect_vreg.gather [hbm4b:s3+s2], $0x80, v3, vm0, $0xb8;
	[tilespmem:$0x1E180] =	vst v63  }
0xc0: {  	s4 =	simm.s32 $0x15D80  }
0xc1: {  	[tilespmem:s4], [sflag:$0x2] =	stream.indirect_vreg.gather [hbm4b:s5+s2], $0x80, v3, vm0, $0xb8;
	[tilespmem:$0x1E180] =	vst v63  }
0xc2: {  	s15 =	simm.s32 $0x16580  }
0xc3: {  	[tilespmem:s15], [sflag:$0x2] =	stream.indirect_vreg.gather [hbm4b:s6+s2], $0x80, v3, vm1, $0xb8;
	[tilespmem:$0x1E180] =	vst v63  }
0xc4: {  	v3 =	vld [tilespmem:$0x90];
	_ =	sdelay $0x4  }
0xc5: {  	v49 =	vshrl.u32 v3, $0x3  }
0xc6: {  	v4 =	vmul.u32 $0x28, v49  }
0xc7: {  	v3 =	vand.u32 $0x7, v3  }
0xc8: {  	v3 =	vor.u32 v3, v4  }
0xc9: {  	v4 =	vperm.xlane v3, v0;
	_ =	sdelay $0x1  }
0xca: {  	v4 =	vadd.s32 v1, v4;
	_ =	sdelay $0x3  }
0xcb: {  	s4 =	simm.s32 $0x16980;
	v3 =	vperm.xlane v3, v2  }
0xcc: {  	[tilespmem:s4], [sflag:$0x2] =	stream.indirect_vreg.gather [hbm4b:s3+s2], $0x80, v4, vm0, $0xb8;
	[tilespmem:$0x1E180] =	vst v63  }
0xcd: {  	s15 =	simm.s32 $0x17180;
	v3 =	vadd.s32 v1, v3  }
0xce: {  	[tilespmem:s15], [sflag:$0x2] =	stream.indirect_vreg.gather [hbm4b:s5+s2], $0x80, v4, vm0, $0xb8;
	[tilespmem:$0x1E180] =	vst v63  }
0xcf: {  	s4 =	simm.s32 $0x17980  }
0xd0: {  	[tilespmem:s4], [sflag:$0x2] =	stream.indirect_vreg.gather [hbm4b:s6+s2], $0x80, v4, vm1, $0xb8;
	[tilespmem:$0x1E180] =	vst v63  }
0xd1: {  	s15 =	simm.s32 $0x17D80  }
0xd2: {  	[tilespmem:s15], [sflag:$0x2] =	stream.indirect_vreg.gather [hbm4b:s3+s2], $0x80, v3, vm0, $0xb8;
	[tilespmem:$0x1E180] =	vst v63  }
0xd3: {  	s4 =	simm.s32 $0x18580  }
0xd4: {  	[tilespmem:s4], [sflag:$0x2] =	stream.indirect_vreg.gather [hbm4b:s5+s2], $0x80, v3, vm0, $0xb8;
	[tilespmem:$0x1E180] =	vst v63  }
0xd5: {  	s15 =	simm.s32 $0x18D80  }
0xd6: {  	[tilespmem:s15], [sflag:$0x2] =	stream.indirect_vreg.gather [hbm4b:s6+s2], $0x80, v3, vm1, $0xb8;
	[tilespmem:$0x1E180] =	vst v63  }
0xd7: {  	v3 =	vld [tilespmem:$0xA0];
	_ =	sdelay $0x4  }
0xd8: {  	v50 =	vshrl.u32 v3, $0x3  }
0xd9: {  	v4 =	vmul.u32 $0x28, v50  }
0xda: {  	v3 =	vand.u32 $0x7, v3  }
0xdb: {  	v3 =	vor.u32 v3, v4  }
0xdc: {  	v4 =	vperm.xlane v3, v0;
	_ =	sdelay $0x1  }
0xdd: {  	v4 =	vadd.s32 v1, v4;
	_ =	sdelay $0x3  }
0xde: {  	s4 =	simm.s32 $0x19180;
	v3 =	vperm.xlane v3, v2  }
0xdf: {  	[tilespmem:s4], [sflag:$0x2] =	stream.indirect_vreg.gather [hbm4b:s3+s2], $0x80, v4, vm0, $0xb8;
	[tilespmem:$0x1E180] =	vst v63  }
0xe0: {  	s15 =	simm.s32 $0x19980;
	v3 =	vadd.s32 v1, v3  }
0xe1: {  	[tilespmem:s15], [sflag:$0x2] =	stream.indirect_vreg.gather [hbm4b:s5+s2], $0x80, v4, vm0, $0xb8;
	[tilespmem:$0x1E180] =	vst v63  }
0xe2: {  	s4 =	simm.s32 $0x1A180  }
0xe3: {  	[tilespmem:s4], [sflag:$0x2] =	stream.indirect_vreg.gather [hbm4b:s6+s2], $0x80, v4, vm1, $0xb8;
	[tilespmem:$0x1E180] =	vst v63  }
0xe4: {  	s15 =	simm.s32 $0x1A580  }
0xe5: {  	[tilespmem:s15], [sflag:$0x2] =	stream.indirect_vreg.gather [hbm4b:s3+s2], $0x80, v3, vm0, $0xb8;
	[tilespmem:$0x1E180] =	vst v63  }
0xe6: {  	s4 =	simm.s32 $0x1AD80  }
0xe7: {  	[tilespmem:s4], [sflag:$0x2] =	stream.indirect_vreg.gather [hbm4b:s5+s2], $0x80, v3, vm0, $0xb8;
	[tilespmem:$0x1E180] =	vst v63  }
0xe8: {  	s15 =	simm.s32 $0x1B580  }
0xe9: {  	[tilespmem:s15], [sflag:$0x2] =	stream.indirect_vreg.gather [hbm4b:s6+s2], $0x80, v3, vm1, $0xb8;
	[tilespmem:$0x1E180] =	vst v63  }
0xea: {  	v3 =	vld [tilespmem:$0xB0];
	_ =	sdelay $0x4  }
0xeb: {  	v51 =	vshrl.u32 v3, $0x3  }
0xec: {  	v4 =	vmul.u32 $0x28, v51  }
0xed: {  	v3 =	vand.u32 $0x7, v3  }
0xee: {  	v3 =	vor.u32 v3, v4  }
0xef: {  	v4 =	vperm.xlane v3, v0;
	_ =	sdelay $0x1  }
0xf0: {  	v4 =	vadd.s32 v1, v4;
	_ =	sdelay $0x3  }
0xf1: {  	s4 =	simm.s32 $0x1B980;
	v3 =	vperm.xlane v3, v2  }
0xf2: {  	[tilespmem:s4], [sflag:$0x2] =	stream.indirect_vreg.gather [hbm4b:s3+s2], $0x80, v4, vm0, $0xb8;
	[tilespmem:$0x1E180] =	vst v63  }
0xf3: {  	s15 =	simm.s32 $0x1C180;
	v3 =	vadd.s32 v1, v3  }
0xf4: {  	[tilespmem:s15], [sflag:$0x2] =	stream.indirect_vreg.gather [hbm4b:s5+s2], $0x80, v4, vm0, $0xb8;
	[tilespmem:$0x1E180] =	vst v63  }
0xf5: {  	s4 =	simm.s32 $0x1C980  }
0xf6: {  	[tilespmem:s4], [sflag:$0x2] =	stream.indirect_vreg.gather [hbm4b:s6+s2], $0x80, v4, vm1, $0xb8;
	[tilespmem:$0x1E180] =	vst v63  }
0xf7: {  	s15 =	simm.s32 $0x1CD80  }
0xf8: {  	[tilespmem:s15], [sflag:$0x2] =	stream.indirect_vreg.gather [hbm4b:s3+s2], $0x80, v3, vm0, $0xb8;
	[tilespmem:$0x1E180] =	vst v63  }
0xf9: {  	s4 =	simm.s32 $0x1D580  }
0xfa: {  	[tilespmem:s4], [sflag:$0x2] =	stream.indirect_vreg.gather [hbm4b:s5+s2], $0x80, v3, vm0, $0xb8;
	[tilespmem:$0x1E180] =	vst v63  }
0xfb: {  	s15 =	simm.s32 $0x1DD80  }
0xfc: {  	[tilespmem:s15], [sflag:$0x2] =	stream.indirect_vreg.gather [hbm4b:s6+s2], $0x80, v3, vm1, $0xb8;
	[tilespmem:$0x1E180] =	vst v63  }
0xfd: {  	_ =	swait.ge [sflag:s14], $0xF000  }
0xfe: {  	[sflag:s14] =	ssyncset.done $0x0  }
0xff: {  	s4 =	simm.s32 $0x180;
	s1 =	rddreg [dreg:$0x6];
	[sflag:s14] =	ssyncadd.s32 $0xFFFF1000  }
0x100: {  	[hbm4b:s1+s2] =	stream.linear.scatter [tilespmem:s4], [sflag:$0x3], $0xF000, $0x38;
	[tilespmem:$0x1E180] =	vst v63  }
0x101: {  	s1 =	simm.s32 $0x3  }
0x102: {  	_ =	swait.ge [sflag:s1], $0xF000  }
0x103: {  	[sflag:s1] =	ssyncset.done $0x0  }
0x104: {  	[sflag:s1] =	ssyncadd.s32 $0xFFFF1000  }
0x105: {  	v3 =	vld [tilespmem:$0xC0];
	_ =	sdelay $0x4  }
0x106: {  	v52 =	vshrl.u32 v3, $0x3  }
0x107: {  	v4 =	vmul.u32 $0x28, v52  }
0x108: {  	v3 =	vand.u32 $0x7, v3  }
0x109: {  	v3 =	vor.u32 v3, v4  }
0x10a: {  	v4 =	vperm.xlane v3, v0;
	_ =	sdelay $0x1  }
0x10b: {  	v4 =	vadd.s32 v1, v4;
	_ =	sdelay $0x3  }
0x10c: {  	v3 =	vperm.xlane v3, v2  }
0x10d: {  	[tilespmem:s4], [sflag:$0x1] =	stream.indirect_vreg.gather [hbm4b:s3+s2], $0x80, v4, vm0, $0xb8;
	[tilespmem:$0x1E180] =	vst v63  }
0x10e: {  	v3 =	vadd.s32 v1, v3  }
0x10f: {  	[tilespmem:s16], [sflag:$0x1] =	stream.indirect_vreg.gather [hbm4b:s5+s2], $0x80, v4, vm0, $0xb8;
	[tilespmem:$0x1E180] =	vst v63  }
0x110: {  	_ = 	snop  }
0x111: {  	[tilespmem:s17], [sflag:$0x1] =	stream.indirect_vreg.gather [hbm4b:s6+s2], $0x80, v4, vm1, $0xb8;
	[tilespmem:$0x1E180] =	vst v63  }
0x112: {  	_ = 	snop  }
0x113: {  	[tilespmem:s18], [sflag:$0x1] =	stream.indirect_vreg.gather [hbm4b:s3+s2], $0x80, v3, vm0, $0xb8;
	[tilespmem:$0x1E180] =	vst v63  }
0x114: {  	_ = 	snop  }
0x115: {  	[tilespmem:s19], [sflag:$0x1] =	stream.indirect_vreg.gather [hbm4b:s5+s2], $0x80, v3, vm0, $0xb8;
	[tilespmem:$0x1E180] =	vst v63  }
0x116: {  	_ = 	snop  }
0x117: {  	[tilespmem:s20], [sflag:$0x1] =	stream.indirect_vreg.gather [hbm4b:s6+s2], $0x80, v3, vm1, $0xb8;
	[tilespmem:$0x1E180] =	vst v63  }
0x118: {  	v3 =	vld [tilespmem:$0xD0];
	_ =	sdelay $0x4  }
0x119: {  	v53 =	vshrl.u32 v3, $0x3  }
0x11a: {  	v4 =	vmul.u32 $0x28, v53  }
0x11b: {  	v3 =	vand.u32 $0x7, v3  }
0x11c: {  	v3 =	vor.u32 v3, v4  }
0x11d: {  	v4 =	vperm.xlane v3, v0;
	_ =	sdelay $0x1  }
0x11e: {  	v4 =	vadd.s32 v1, v4;
	_ =	sdelay $0x3  }
0x11f: {  	v3 =	vperm.xlane v3, v2  }
0x120: {  	[tilespmem:s21], [sflag:$0x1] =	stream.indirect_vreg.gather [hbm4b:s3+s2], $0x80, v4, vm0, $0xb8;
	[tilespmem:$0x1E180] =	vst v63  }
0x121: {  	v3 =	vadd.s32 v1, v3  }
0x122: {  	[tilespmem:s23], [sflag:$0x1] =	stream.indirect_vreg.gather [hbm4b:s5+s2], $0x80, v4, vm0, $0xb8;
	[tilespmem:$0x1E180] =	vst v63  }
0x123: {  	_ = 	snop  }
0x124: {  	[tilespmem:s24], [sflag:$0x1] =	stream.indirect_vreg.gather [hbm4b:s6+s2], $0x80, v4, vm1, $0xb8;
	[tilespmem:$0x1E180] =	vst v63  }
0x125: {  	_ = 	snop  }
0x126: {  	[tilespmem:s25], [sflag:$0x1] =	stream.indirect_vreg.gather [hbm4b:s3+s2], $0x80, v3, vm0, $0xb8;
	[tilespmem:$0x1E180] =	vst v63  }
0x127: {  	_ = 	snop  }
0x128: {  	[tilespmem:s26], [sflag:$0x1] =	stream.indirect_vreg.gather [hbm4b:s5+s2], $0x80, v3, vm0, $0xb8;
	[tilespmem:$0x1E180] =	vst v63  }
0x129: {  	_ = 	snop  }
0x12a: {  	[tilespmem:s28], [sflag:$0x1] =	stream.indirect_vreg.gather [hbm4b:s6+s2], $0x80, v3, vm1, $0xb8;
	[tilespmem:$0x1E180] =	vst v63  }
0x12b: {  	v3 =	vld [tilespmem:$0xE0];
	_ =	sdelay $0x4  }
0x12c: {  	v54 =	vshrl.u32 v3, $0x3  }
0x12d: {  	v4 =	vmul.u32 $0x28, v54  }
0x12e: {  	v3 =	vand.u32 $0x7, v3  }
0x12f: {  	v3 =	vor.u32 v3, v4  }
0x130: {  	v4 =	vperm.xlane v3, v0;
	_ =	sdelay $0x1  }
0x131: {  	v4 =	vadd.s32 v1, v4;
	_ =	sdelay $0x3  }
0x132: {  	v3 =	vperm.xlane v3, v2  }
0x133: {  	[tilespmem:s29], [sflag:$0x1] =	stream.indirect_vreg.gather [hbm4b:s3+s2], $0x80, v4, vm0, $0xb8;
	[tilespmem:$0x1E180] =	vst v63  }
0x134: {  	v3 =	vadd.s32 v1, v3  }
0x135: {  	[tilespmem:s30], [sflag:$0x1] =	stream.indirect_vreg.gather [hbm4b:s5+s2], $0x80, v4, vm0, $0xb8;
	[tilespmem:$0x1E180] =	vst v63  }
0x136: {  	_ = 	snop  }
0x137: {  	[tilespmem:s31], [sflag:$0x1] =	stream.indirect_vreg.gather [hbm4b:s6+s2], $0x80, v4, vm1, $0xb8;
	[tilespmem:$0x1E180] =	vst v63  }
0x138: {  	s15 =	simm.s32 $0x6580  }
0x139: {  	[tilespmem:s15], [sflag:$0x1] =	stream.indirect_vreg.gather [hbm4b:s3+s2], $0x80, v3, vm0, $0xb8;
	[tilespmem:$0x1E180] =	vst v63  }
0x13a: {  	s15 =	simm.s32 $0x6D80  }
0x13b: {  	[tilespmem:s15], [sflag:$0x1] =	stream.indirect_vreg.gather [hbm4b:s5+s2], $0x80, v3, vm0, $0xb8;
	[tilespmem:$0x1E180] =	vst v63  }
0x13c: {  	_ = 	snop  }
0x13d: {  	[tilespmem:s10], [sflag:$0x1] =	stream.indirect_vreg.gather [hbm4b:s6+s2], $0x80, v3, vm1, $0xb8;
	[tilespmem:$0x1E180] =	vst v63  }
0x13e: {  	v3 =	vld [tilespmem:$0xF0];
	_ =	sdelay $0x4  }
0x13f: {  	v55 =	vshrl.u32 v3, $0x3  }
0x140: {  	v4 =	vmul.u32 $0x28, v55  }
0x141: {  	v3 =	vand.u32 $0x7, v3  }
0x142: {  	v3 =	vor.u32 v3, v4  }
0x143: {  	v4 =	vperm.xlane v3, v0;
	_ =	sdelay $0x1  }
0x144: {  	v4 =	vadd.s32 v1, v4;
	_ =	sdelay $0x3  }
0x145: {  	s15 =	simm.s32 $0x7980;
	v3 =	vperm.xlane v3, v2  }
0x146: {  	[tilespmem:s15], [sflag:$0x1] =	stream.indirect_vreg.gather [hbm4b:s3+s2], $0x80, v4, vm0, $0xb8;
	[tilespmem:$0x1E180] =	vst v63  }
0x147: {  	v3 =	vadd.s32 v1, v3  }
0x148: {  	[tilespmem:s8], [sflag:$0x1] =	stream.indirect_vreg.gather [hbm4b:s5+s2], $0x80, v4, vm0, $0xb8;
	[tilespmem:$0x1E180] =	vst v63  }
0x149: {  	s8 =	simm.s32 $0x8980  }
0x14a: {  	[tilespmem:s8], [sflag:$0x1] =	stream.indirect_vreg.gather [hbm4b:s6+s2], $0x80, v4, vm1, $0xb8;
	[tilespmem:$0x1E180] =	vst v63  }
0x14b: {  	_ = 	snop  }
0x14c: {  	[tilespmem:s11], [sflag:$0x1] =	stream.indirect_vreg.gather [hbm4b:s3+s2], $0x80, v3, vm0, $0xb8;
	[tilespmem:$0x1E180] =	vst v63  }
0x14d: {  	_ = 	snop  }
0x14e: {  	[tilespmem:s22], [sflag:$0x1] =	stream.indirect_vreg.gather [hbm4b:s5+s2], $0x80, v3, vm0, $0xb8;
	[tilespmem:$0x1E180] =	vst v63  }
0x14f: {  	_ = 	snop  }
0x150: {  	[tilespmem:s12], [sflag:$0x1] =	stream.indirect_vreg.gather [hbm4b:s6+s2], $0x80, v3, vm1, $0xb8;
	[tilespmem:$0x1E180] =	vst v63  }
0x151: {  	v3 =	vld [tilespmem:$0x100];
	_ =	sdelay $0x4  }
0x152: {  	v56 =	vshrl.u32 v3, $0x3  }
0x153: {  	v4 =	vmul.u32 $0x28, v56  }
0x154: {  	v3 =	vand.u32 $0x7, v3  }
0x155: {  	v3 =	vor.u32 v3, v4  }
0x156: {  	v4 =	vperm.xlane v3, v0;
	_ =	sdelay $0x1  }
0x157: {  	v4 =	vadd.s32 v1, v4;
	_ =	sdelay $0x3  }
0x158: {  	v3 =	vperm.xlane v3, v2  }
0x159: {  	[tilespmem:s13], [sflag:$0x1] =	stream.indirect_vreg.gather [hbm4b:s3+s2], $0x80, v4, vm0, $0xb8;
	[tilespmem:$0x1E180] =	vst v63  }
0x15a: {  	s15 =	simm.s32 $0xA980;
	v3 =	vadd.s32 v1, v3  }
0x15b: {  	[tilespmem:s15], [sflag:$0x1] =	stream.indirect_vreg.gather [hbm4b:s5+s2], $0x80, v4, vm0, $0xb8;
	[tilespmem:$0x1E180] =	vst v63  }
0x15c: {  	s8 =	simm.s32 $0xB180  }
0x15d: {  	[tilespmem:s8], [sflag:$0x1] =	stream.indirect_vreg.gather [hbm4b:s6+s2], $0x80, v4, vm1, $0xb8;
	[tilespmem:$0x1E180] =	vst v63  }
0x15e: {  	s15 =	simm.s32 $0xB580  }
0x15f: {  	[tilespmem:s15], [sflag:$0x1] =	stream.indirect_vreg.gather [hbm4b:s3+s2], $0x80, v3, vm0, $0xb8;
	[tilespmem:$0x1E180] =	vst v63  }
0x160: {  	s8 =	simm.s32 $0xBD80  }
0x161: {  	[tilespmem:s8], [sflag:$0x1] =	stream.indirect_vreg.gather [hbm4b:s5+s2], $0x80, v3, vm0, $0xb8;
	[tilespmem:$0x1E180] =	vst v63  }
0x162: {  	s15 =	simm.s32 $0xC580  }
0x163: {  	[tilespmem:s15], [sflag:$0x1] =	stream.indirect_vreg.gather [hbm4b:s6+s2], $0x80, v3, vm1, $0xb8;
	[tilespmem:$0x1E180] =	vst v63  }
0x164: {  	v3 =	vld [tilespmem:$0x110];
	_ =	sdelay $0x4  }
0x165: {  	v57 =	vshrl.u32 v3, $0x3  }
0x166: {  	v4 =	vmul.u32 $0x28, v57  }
0x167: {  	v3 =	vand.u32 $0x7, v3  }
0x168: {  	v3 =	vor.u32 v3, v4  }
0x169: {  	v4 =	vperm.xlane v3, v0;
	_ =	sdelay $0x1  }
0x16a: {  	v4 =	vadd.s32 v1, v4;
	_ =	sdelay $0x3  }
0x16b: {  	s8 =	simm.s32 $0xC980;
	v3 =	vperm.xlane v3, v2  }
0x16c: {  	[tilespmem:s8], [sflag:$0x1] =	stream.indirect_vreg.gather [hbm4b:s3+s2], $0x80, v4, vm0, $0xb8;
	[tilespmem:$0x1E180] =	vst v63  }
0x16d: {  	s15 =	simm.s32 $0xD180;
	v3 =	vadd.s32 v1, v3  }
0x16e: {  	[tilespmem:s15], [sflag:$0x1] =	stream.indirect_vreg.gather [hbm4b:s5+s2], $0x80, v4, vm0, $0xb8;
	[tilespmem:$0x1E180] =	vst v63  }
0x16f: {  	s8 =	simm.s32 $0xD980  }
0x170: {  	[tilespmem:s8], [sflag:$0x1] =	stream.indirect_vreg.gather [hbm4b:s6+s2], $0x80, v4, vm1, $0xb8;
	[tilespmem:$0x1E180] =	vst v63  }
0x171: {  	s15 =	simm.s32 $0xDD80  }
0x172: {  	[tilespmem:s15], [sflag:$0x1] =	stream.indirect_vreg.gather [hbm4b:s3+s2], $0x80, v3, vm0, $0xb8;
	[tilespmem:$0x1E180] =	vst v63  }
0x173: {  	s8 =	simm.s32 $0xE580  }
0x174: {  	[tilespmem:s8], [sflag:$0x1] =	stream.indirect_vreg.gather [hbm4b:s5+s2], $0x80, v3, vm0, $0xb8;
	[tilespmem:$0x1E180] =	vst v63  }
0x175: {  	s15 =	simm.s32 $0xED80;
	s8 =	simm.s32 $0x2  }
0x176: {  	[tilespmem:s15], [sflag:$0x1] =	stream.indirect_vreg.gather [hbm4b:s6+s2], $0x80, v3, vm1, $0xb8;
	[tilespmem:$0x1E180] =	vst v63  }
0x177: {  	_ =	swait.ge [sflag:s8], $0xF000  }
0x178: {  	[sflag:s8] =	ssyncset.done $0x0  }
0x179: {  	s4 =	rddreg [dreg:$0x3];
	[sflag:s8] =	ssyncadd.s32 $0xFFFF1000  }
0x17a: {  	[hbm4b:s4+s2] =	stream.linear.scatter [tilespmem:s0], [sflag:$0x4], $0xF000, $0x38;
	[tilespmem:$0x1E180] =	vst v63  }
0x17b: {  	_ =	swait.ge [sflag:s9], $0xF000  }
0x17c: {  	[sflag:s9] =	ssyncset.done $0x0  }
0x17d: {  	[sflag:s9] =	ssyncadd.s32 $0xFFFF1000  }
0x17e: {  	v3 =	vld [tilespmem:$0x120];
	_ =	sdelay $0x4  }
0x17f: {  	v58 =	vshrl.u32 v3, $0x3  }
0x180: {  	v4 =	vmul.u32 $0x28, v58  }
0x181: {  	v3 =	vand.u32 $0x7, v3  }
0x182: {  	v3 =	vor.u32 v3, v4  }
0x183: {  	v4 =	vperm.xlane v3, v0;
	_ =	sdelay $0x1  }
0x184: {  	v4 =	vadd.s32 v1, v4;
	_ =	sdelay $0x3  }
0x185: {  	v3 =	vperm.xlane v3, v2  }
0x186: {  	[tilespmem:s0], [sflag:$0x2] =	stream.indirect_vreg.gather [hbm4b:s3+s2], $0x80, v4, vm0, $0xb8;
	[tilespmem:$0x1E180] =	vst v63  }
0x187: {  	s15 =	simm.s32 $0xF980;
	v3 =	vadd.s32 v1, v3  }
0x188: {  	[tilespmem:s15], [sflag:$0x2] =	stream.indirect_vreg.gather [hbm4b:s5+s2], $0x80, v4, vm0, $0xb8;
	[tilespmem:$0x1E180] =	vst v63  }
0x189: {  	s15 =	simm.s32 $0x10180  }
0x18a: {  	[tilespmem:s15], [sflag:$0x2] =	stream.indirect_vreg.gather [hbm4b:s6+s2], $0x80, v4, vm1, $0xb8;
	[tilespmem:$0x1E180] =	vst v63  }
0x18b: {  	s15 =	simm.s32 $0x10580  }
0x18c: {  	[tilespmem:s15], [sflag:$0x2] =	stream.indirect_vreg.gather [hbm4b:s3+s2], $0x80, v3, vm0, $0xb8;
	[tilespmem:$0x1E180] =	vst v63  }
0x18d: {  	s15 =	simm.s32 $0x10D80  }
0x18e: {  	[tilespmem:s15], [sflag:$0x2] =	stream.indirect_vreg.gather [hbm4b:s5+s2], $0x80, v3, vm0, $0xb8;
	[tilespmem:$0x1E180] =	vst v63  }
0x18f: {  	s15 =	simm.s32 $0x11580  }
0x190: {  	[tilespmem:s15], [sflag:$0x2] =	stream.indirect_vreg.gather [hbm4b:s6+s2], $0x80, v3, vm1, $0xb8;
	[tilespmem:$0x1E180] =	vst v63  }
0x191: {  	v3 =	vld [tilespmem:$0x130];
	_ =	sdelay $0x4  }
0x192: {  	v59 =	vshrl.u32 v3, $0x3  }
0x193: {  	v4 =	vmul.u32 $0x28, v59  }
0x194: {  	v3 =	vand.u32 $0x7, v3  }
0x195: {  	v3 =	vor.u32 v3, v4  }
0x196: {  	v4 =	vperm.xlane v3, v0;
	_ =	sdelay $0x1  }
0x197: {  	v4 =	vadd.s32 v1, v4;
	_ =	sdelay $0x3  }
0x198: {  	s15 =	simm.s32 $0x11980;
	v3 =	vperm.xlane v3, v2  }
0x199: {  	[tilespmem:s15], [sflag:$0x2] =	stream.indirect_vreg.gather [hbm4b:s3+s2], $0x80, v4, vm0, $0xb8;
	[tilespmem:$0x1E180] =	vst v63  }
0x19a: {  	v3 =	vadd.s32 v1, v3;
	s15 =	simm.s32 $0x12180  }
0x19b: {  	[tilespmem:s15], [sflag:$0x2] =	stream.indirect_vreg.gather [hbm4b:s5+s2], $0x80, v4, vm0, $0xb8;
	[tilespmem:$0x1E180] =	vst v63  }
0x19c: {  	s15 =	simm.s32 $0x12980  }
0x19d: {  	[tilespmem:s15], [sflag:$0x2] =	stream.indirect_vreg.gather [hbm4b:s6+s2], $0x80, v4, vm1, $0xb8;
	[tilespmem:$0x1E180] =	vst v63  }
0x19e: {  	s15 =	simm.s32 $0x12D80  }
0x19f: {  	[tilespmem:s15], [sflag:$0x2] =	stream.indirect_vreg.gather [hbm4b:s3+s2], $0x80, v3, vm0, $0xb8;
	[tilespmem:$0x1E180] =	vst v63  }
0x1a0: {  	s15 =	simm.s32 $0x13580  }
0x1a1: {  	[tilespmem:s15], [sflag:$0x2] =	stream.indirect_vreg.gather [hbm4b:s5+s2], $0x80, v3, vm0, $0xb8;
	[tilespmem:$0x1E180] =	vst v63  }
0x1a2: {  	s15 =	simm.s32 $0x13D80  }
0x1a3: {  	[tilespmem:s15], [sflag:$0x2] =	stream.indirect_vreg.gather [hbm4b:s6+s2], $0x80, v3, vm1, $0xb8;
	[tilespmem:$0x1E180] =	vst v63  }
0x1a4: {  	v3 =	vld [tilespmem:$0x140];
	_ =	sdelay $0x4  }
0x1a5: {  	v60 =	vshrl.u32 v3, $0x3  }
0x1a6: {  	v4 =	vmul.u32 $0x28, v60  }
0x1a7: {  	v3 =	vand.u32 $0x7, v3  }
0x1a8: {  	v3 =	vor.u32 v3, v4  }
0x1a9: {  	v4 =	vperm.xlane v3, v0;
	_ =	sdelay $0x1  }
0x1aa: {  	v4 =	vadd.s32 v1, v4;
	_ =	sdelay $0x3  }
0x1ab: {  	s15 =	simm.s32 $0x14180;
	v3 =	vperm.xlane v3, v2  }
0x1ac: {  	[tilespmem:s15], [sflag:$0x2] =	stream.indirect_vreg.gather [hbm4b:s3+s2], $0x80, v4, vm0, $0xb8;
	[tilespmem:$0x1E180] =	vst v63  }
0x1ad: {  	v3 =	vadd.s32 v1, v3;
	s15 =	simm.s32 $0x14980  }
0x1ae: {  	[tilespmem:s15], [sflag:$0x2] =	stream.indirect_vreg.gather [hbm4b:s5+s2], $0x80, v4, vm0, $0xb8;
	[tilespmem:$0x1E180] =	vst v63  }
0x1af: {  	s15 =	simm.s32 $0x15180  }
0x1b0: {  	[tilespmem:s15], [sflag:$0x2] =	stream.indirect_vreg.gather [hbm4b:s6+s2], $0x80, v4, vm1, $0xb8;
	[tilespmem:$0x1E180] =	vst v63  }
0x1b1: {  	s15 =	simm.s32 $0x15580  }
0x1b2: {  	[tilespmem:s15], [sflag:$0x2] =	stream.indirect_vreg.gather [hbm4b:s3+s2], $0x80, v3, vm0, $0xb8;
	[tilespmem:$0x1E180] =	vst v63  }
0x1b3: {  	s15 =	simm.s32 $0x15D80  }
0x1b4: {  	[tilespmem:s15], [sflag:$0x2] =	stream.indirect_vreg.gather [hbm4b:s5+s2], $0x80, v3, vm0, $0xb8;
	[tilespmem:$0x1E180] =	vst v63  }
0x1b5: {  	s15 =	simm.s32 $0x16580  }
0x1b6: {  	[tilespmem:s15], [sflag:$0x2] =	stream.indirect_vreg.gather [hbm4b:s6+s2], $0x80, v3, vm1, $0xb8;
	[tilespmem:$0x1E180] =	vst v63  }
0x1b7: {  	v3 =	vld [tilespmem:$0x150];
	_ =	sdelay $0x4  }
0x1b8: {  	v61 =	vshrl.u32 v3, $0x3  }
0x1b9: {  	v4 =	vmul.u32 $0x28, v61  }
0x1ba: {  	v3 =	vand.u32 $0x7, v3  }
0x1bb: {  	v3 =	vor.u32 v3, v4  }
0x1bc: {  	v4 =	vperm.xlane v3, v0;
	_ =	sdelay $0x1  }
0x1bd: {  	v4 =	vadd.s32 v1, v4;
	_ =	sdelay $0x3  }
0x1be: {  	s15 =	simm.s32 $0x16980;
	v3 =	vperm.xlane v3, v2  }
0x1bf: {  	[tilespmem:s15], [sflag:$0x2] =	stream.indirect_vreg.gather [hbm4b:s3+s2], $0x80, v4, vm0, $0xb8;
	[tilespmem:$0x1E180] =	vst v63  }
0x1c0: {  	v3 =	vadd.s32 v1, v3;
	s15 =	simm.s32 $0x17180  }
0x1c1: {  	[tilespmem:s15], [sflag:$0x2] =	stream.indirect_vreg.gather [hbm4b:s5+s2], $0x80, v4, vm0, $0xb8;
	[tilespmem:$0x1E180] =	vst v63  }
0x1c2: {  	s15 =	simm.s32 $0x17980  }
0x1c3: {  	[tilespmem:s15], [sflag:$0x2] =	stream.indirect_vreg.gather [hbm4b:s6+s2], $0x80, v4, vm1, $0xb8;
	[tilespmem:$0x1E180] =	vst v63  }
0x1c4: {  	s15 =	simm.s32 $0x17D80  }
0x1c5: {  	[tilespmem:s15], [sflag:$0x2] =	stream.indirect_vreg.gather [hbm4b:s3+s2], $0x80, v3, vm0, $0xb8;
	[tilespmem:$0x1E180] =	vst v63  }
0x1c6: {  	s15 =	simm.s32 $0x18580  }
0x1c7: {  	[tilespmem:s15], [sflag:$0x2] =	stream.indirect_vreg.gather [hbm4b:s5+s2], $0x80, v3, vm0, $0xb8;
	[tilespmem:$0x1E180] =	vst v63  }
0x1c8: {  	s15 =	simm.s32 $0x18D80  }
0x1c9: {  	[tilespmem:s15], [sflag:$0x2] =	stream.indirect_vreg.gather [hbm4b:s6+s2], $0x80, v3, vm1, $0xb8;
	[tilespmem:$0x1E180] =	vst v63  }
0x1ca: {  	v3 =	vld [tilespmem:$0x160];
	_ =	sdelay $0x4  }
0x1cb: {  	v62 =	vshrl.u32 v3, $0x3  }
0x1cc: {  	v4 =	vmul.u32 $0x28, v62  }
0x1cd: {  	v3 =	vand.u32 $0x7, v3  }
0x1ce: {  	v3 =	vor.u32 v3, v4  }
0x1cf: {  	v4 =	vperm.xlane v3, v0;
	_ =	sdelay $0x1  }
0x1d0: {  	v4 =	vadd.s32 v1, v4;
	_ =	sdelay $0x3  }
0x1d1: {  	s15 =	simm.s32 $0x19180;
	v3 =	vperm.xlane v3, v2  }
0x1d2: {  	[tilespmem:s15], [sflag:$0x2] =	stream.indirect_vreg.gather [hbm4b:s3+s2], $0x80, v4, vm0, $0xb8;
	[tilespmem:$0x1E180] =	vst v63  }
0x1d3: {  	v3 =	vadd.s32 v1, v3;
	s15 =	simm.s32 $0x19980  }
0x1d4: {  	[tilespmem:s15], [sflag:$0x2] =	stream.indirect_vreg.gather [hbm4b:s5+s2], $0x80, v4, vm0, $0xb8;
	[tilespmem:$0x1E180] =	vst v63  }
0x1d5: {  	s15 =	simm.s32 $0x1A180  }
0x1d6: {  	[tilespmem:s15], [sflag:$0x2] =	stream.indirect_vreg.gather [hbm4b:s6+s2], $0x80, v4, vm1, $0xb8;
	[tilespmem:$0x1E180] =	vst v63  }
0x1d7: {  	s15 =	simm.s32 $0x1A580  }
0x1d8: {  	[tilespmem:s15], [sflag:$0x2] =	stream.indirect_vreg.gather [hbm4b:s3+s2], $0x80, v3, vm0, $0xb8;
	[tilespmem:$0x1E180] =	vst v63  }
0x1d9: {  	s15 =	simm.s32 $0x1AD80  }
0x1da: {  	[tilespmem:s15], [sflag:$0x2] =	stream.indirect_vreg.gather [hbm4b:s5+s2], $0x80, v3, vm0, $0xb8;
	[tilespmem:$0x1E180] =	vst v63  }
0x1db: {  	s15 =	simm.s32 $0x1B580  }
0x1dc: {  	[tilespmem:s15], [sflag:$0x2] =	stream.indirect_vreg.gather [hbm4b:s6+s2], $0x80, v3, vm1, $0xb8;
	[tilespmem:$0x1E180] =	vst v63  }
0x1dd: {  	v3 =	vld [tilespmem:$0x170];
	_ =	sdelay $0x4  }
0x1de: {  	v63 =	vshrl.u32 v3, $0x3  }
0x1df: {  	v4 =	vmul.u32 $0x28, v63  }
0x1e0: {  	v3 =	vand.u32 $0x7, v3  }
0x1e1: {  	v3 =	vor.u32 v3, v4  }
0x1e2: {  	v4 =	vperm.xlane v3, v0;
	_ =	sdelay $0x1  }
0x1e3: {  	v4 =	vadd.s32 v1, v4;
	_ =	sdelay $0x3  }
0x1e4: {  	s15 =	simm.s32 $0x1B980;
	v3 =	vperm.xlane v3, v2  }
0x1e5: {  	[tilespmem:s15], [sflag:$0x2] =	stream.indirect_vreg.gather [hbm4b:s3+s2], $0x80, v4, vm0, $0xb8;
	[tilespmem:$0x1E180] =	vst v63  }
0x1e6: {  	v3 =	vadd.s32 v1, v3;
	s15 =	simm.s32 $0x1C180  }
0x1e7: {  	[tilespmem:s15], [sflag:$0x2] =	stream.indirect_vreg.gather [hbm4b:s5+s2], $0x80, v4, vm0, $0xb8;
	[tilespmem:$0x1E180] =	vst v63  }
0x1e8: {  	s15 =	simm.s32 $0x1C980  }
0x1e9: {  	[tilespmem:s15], [sflag:$0x2] =	stream.indirect_vreg.gather [hbm4b:s6+s2], $0x80, v4, vm1, $0xb8;
	[tilespmem:$0x1E180] =	vst v63  }
0x1ea: {  	s15 =	simm.s32 $0x1CD80  }
0x1eb: {  	[tilespmem:s15], [sflag:$0x2] =	stream.indirect_vreg.gather [hbm4b:s3+s2], $0x80, v3, vm0, $0xb8;
	[tilespmem:$0x1E180] =	vst v63  }
0x1ec: {  	s15 =	simm.s32 $0x1D580  }
0x1ed: {  	[tilespmem:s15], [sflag:$0x2] =	stream.indirect_vreg.gather [hbm4b:s5+s2], $0x80, v3, vm0, $0xb8;
	[tilespmem:$0x1E180] =	vst v63  }
0x1ee: {  	s15 =	simm.s32 $0x1DD80  }
0x1ef: {  	[tilespmem:s15], [sflag:$0x2] =	stream.indirect_vreg.gather [hbm4b:s6+s2], $0x80, v3, vm1, $0xb8;
	[tilespmem:$0x1E180] =	vst v63  }
0x1f0: {  	_ =	swait.ge [sflag:s14], $0xF000  }
0x1f1: {  	[sflag:s14] =	ssyncset.done $0x0  }
0x1f2: {  	s4 =	simm.s32 $0x180;
	s15 =	rddreg [dreg:$0x4];
	[sflag:s14] =	ssyncadd.s32 $0xFFFF1000  }
0x1f3: {  	[hbm4b:s15+s2] =	stream.linear.scatter [tilespmem:s4], [sflag:$0x3], $0xF000, $0x38;
	[tilespmem:$0x1E180] =	vst v63  }
0x1f4: {  	_ =	swait.ge [sflag:s8], $0xF000  }
0x1f5: {  	[sflag:s8] =	ssyncset.done $0x0  }
0x1f6: {  	s4 =	rddreg [dreg:$0x5];
	[sflag:s8] =	ssyncadd.s32 $0xFFFF1000  }
0x1f7: {  	[hbm4b:s4+s2] =	stream.linear.scatter [tilespmem:s0], [sflag:$0x4], $0xF000, $0x38;
	[tilespmem:$0x1E180] =	vst v63  }
0x1f8: {  	p0 =	sne.s32 s7, $0x1;
	_ =	swait.ge [sflag:s1], $0xF000  }
.Ltmp0:
0x1f9: {  	[sflag:s1] =	ssyncset.done $0x0;
	(pc) =	sbr.rel @p0 .LBB2_1-.Ltmp0, $4  }
0x1fa: {  	[sflag:s1] =	ssyncadd.s32 $0xFFFF1000  }
0x1fb: {  	_ =	swait.ge [sflag:s9], $0xF000  }
0x1fc: {  	[sflag:s9] =	ssyncset.done $0x0  }
0x1fd: {  	s7 =	sadd.s32 $0xFFFFFFFF, s7;
	[sflag:s9] =	ssyncadd.s32 $0xFFFF1000  }
0x1fe: {  	_ =	sfence.sel $0x180000  }
0x1ff: {  	[bflag:$0x0] =	sbarrier.arrive $0xFFFF  }
0x200: {  	_ =	strace $0x9000004A  }
0x201: {  	s0 =	stileid.u32;
	[bflag:$0x2] =	sbarrier.arrive $0xFFFF  }
0x202: {  	p0 =	sne.s32 s0, $0x0;
	s0 =	rddreg [dreg:$0x1]  }
0x203: {  	s0 =	sadd.s32 @!p0 $0x100000, s0  }
0x204: {  	[sflag:s0] =	ssyncadd.tile.s32 @!p0 $0x1;
	_ =	shalt  }
.Lfunc_end2:
_tile_overlayer_lowered:
.L_overlay_start_2:
0x205: {  	(tag) =	ssettag $0x2  }
0x206: {  	s0 =	rddreg [dreg:$0x0];
	s2 =	stileid.u32  }
0x207: {  	s1 =	rddreg [dreg:$0x1];
	p0 =	sne.s32 s2, $0x0  }
0x208: {  	s3 =	rddreg [dreg:$0x2];
	[bflag:$0x3] =	sbarrier.arrive $0xFFFF;
	s2 =	simm.s32 @!p0 $0x1C05  }
0x209: {  	[timem:s3], [sflag:s2] =	dma.local @!p0 [hbm:s0], s1  }
0x20a: {  	s0 =	simm.s32 @!p0 $0x5  }
0x20b: {  	_ =	swait.ge @!p0 [sflag:s0], s1  }
0x20c: {  	s1 =	ssub.s32 @!p0 $0x0, s1;
	[sflag:s0] =	ssyncset.done @!p0 $0x0  }
0x20d: {  	[sflag:s0] =	ssyncadd.s32 @!p0 s1  }
0x20e: {  	[bflag:$0x3] =	sbarrier.arrive $0xFFFF  }
0x20f: {  	_ =	shalt  }

</sc_bundles>
